<compile_context>
chip_gen: v7x
topology: tpu7x:2x2x1
jax: 0.10.2.dev20260603
libtpu: 0.0.44.dev20260713+nightly
codegen_flags: <defaults>
</compile_context>

<pallas_src>
import functools

import jax
import jax.numpy as jnp
from jax import lax
from jax.experimental import pallas as pl
from jax.experimental.pallas import tpu as pltpu
from jax.experimental.pallas import tpu_sc as plsc

N = 10000
E = 160000
DIN = 128
H = 16
B = 64
DE = 6

NC = 2
NS = 16
NW = NC * NS
CL = 128
CH = 40
PW = CH * CL
EP = NW * PW
NP = 10016
RPS = NP // NS

EPK = EP // 8
NPK = NP // 8
EB = 2048
EBK = EB // 8


def _mesh():
    return plsc.VectorSubcoreMesh(core_axis_name="c", subcore_axis_name="s")



def _sc_gather(table, idx3):

    @functools.partial(
        pl.kernel,
        mesh=_mesh(),
        out_type=jax.ShapeDtypeStruct((EP, H), jnp.float32),
        scratch_types=[
            pltpu.VMEM((CH, CL), jnp.int32),
            pltpu.VMEM((PW, H), jnp.float32),
            pltpu.SemaphoreType.DMA,
        ],
        compiler_params=pltpu.CompilerParams(use_tc_tiling_on_sc=False),
    )
    def k(table_hbm, idx_hbm, g_hbm, idx_v, rows_v, sem):
        wid = lax.axis_index("s") * NC + lax.axis_index("c")
        pltpu.sync_copy(idx_hbm.at[wid], idx_v)

        def body(j, carry):
            pltpu.async_copy(
                table_hbm.at[idx_v.at[j]], rows_v.at[pl.ds(j * CL, CL)], sem
            )
            return carry

        lax.fori_loop(0, CH, body, 0)
        pltpu.make_async_copy(g_hbm.at[pl.ds(0, PW)], rows_v, sem).wait()
        pltpu.sync_copy(rows_v, g_hbm.at[pl.ds(wid * PW, PW)])

    return k(table, idx3)


def _sc_scatter(msg, idx3, zeros_np):

    @functools.partial(
        pl.kernel,
        mesh=_mesh(),
        out_type=jax.ShapeDtypeStruct((NC, NP, H), jnp.float32),
        scratch_types=[
            pltpu.VMEM((CH, CL), jnp.int32),
            pltpu.VMEM((PW, H), jnp.float32),
            pltpu.VMEM_SHARED((NP, H), jnp.float32),
            pltpu.SemaphoreType.DMA,
        ],
        compiler_params=pltpu.CompilerParams(use_tc_tiling_on_sc=False),
    )
    def k(msg_hbm, idx_hbm, z_hbm, parts_hbm, idx_v, msg_v, agg_sh, sem):
        cid = lax.axis_index("c")
        sid = lax.axis_index("s")
        wid = sid * NC + cid
        pltpu.sync_copy(
            z_hbm.at[pl.ds(sid * RPS, RPS)], agg_sh.at[pl.ds(sid * RPS, RPS)]
        )
        pltpu.sync_copy(idx_hbm.at[wid], idx_v)
        pltpu.sync_copy(msg_hbm.at[pl.ds(wid * PW, PW)], msg_v)
        plsc.subcore_barrier()

        def body(j, carry):
            pltpu.async_copy(
                msg_v.at[pl.ds(j * CL, CL)], agg_sh.at[idx_v.at[j]], sem,
                add=True,
            )
            return carry

        lax.fori_loop(0, CH, body, 0)
        pltpu.make_async_copy(msg_hbm.at[pl.ds(0, PW)], msg_v, sem).wait()
        plsc.subcore_barrier()
        pltpu.sync_copy(
            agg_sh.at[pl.ds(sid * RPS, RPS)],
            parts_hbm.at[cid, pl.ds(sid * RPS, RPS)],
        )

    return k(msg, idx3, zeros_np)



def _tc_lin0(xp, wbd, bt):

    def body(x_ref, w_ref, b_ref, o_ref):
        o_ref[...] = jnp.maximum(
            jnp.dot(x_ref[...], w_ref[...], preferred_element_type=jnp.float32)
            + b_ref[...],
            0.0,
        )

    return pl.pallas_call(
        body,
        out_shape=jax.ShapeDtypeStruct((NPK, 128), jnp.float32),
    )(xp, wbd, bt)


def _tc_msg(gp, eaT, w1, b1, w2, b2, R, S):

    def body(g_ref, ea_ref, w1_ref, b1_ref, w2_ref, b2_ref, R_ref, S_ref,
             o_ref):
        g16 = g_ref[...].astype(jnp.bfloat16)
        h1 = jnp.maximum(
            lax.dot_general(ea_ref[...], w1_ref[...], (((0,), (0,)), ((), ())),
                            preferred_element_type=jnp.float32)
            + b1_ref[...],
            0.0,
        )
        w = (
            jnp.dot(h1, w2_ref[...], preferred_element_type=jnp.float32)
            + b2_ref[...]
        ).astype(jnp.bfloat16)
        pieces = []
        for j in range(8):
            gexp = jnp.dot(g16[:, 16 * j:16 * j + 16], R_ref[...],
                           preferred_element_type=jnp.float32).astype(jnp.bfloat16)
            pieces.append(
                jnp.dot(gexp * w[EBK * j:EBK * (j + 1), :], S_ref[...],
                        preferred_element_type=jnp.float32)
            )
        o_ref[...] = jnp.concatenate(pieces, axis=1)

    return pl.pallas_call(
        body,
        grid=(EP // EB,),
        in_specs=[
            pl.BlockSpec((EBK, 128), lambda i: (i, 0)),
            pl.BlockSpec((DE, EB), lambda i: (0, i)),
            pl.BlockSpec((DE, 64), lambda i: (0, 0)),
            pl.BlockSpec((1, 64), lambda i: (0, 0)),
            pl.BlockSpec((64, H * H), lambda i: (0, 0)),
            pl.BlockSpec((1, H * H), lambda i: (0, 0)),
            pl.BlockSpec((H, H * H), lambda i: (0, 0)),
            pl.BlockSpec((H * H, H), lambda i: (0, 0)),
        ],
        out_specs=pl.BlockSpec((EBK, 128), lambda i: (i, 0)),
        out_shape=jax.ShapeDtypeStruct((EPK, 128), jnp.float32),
    )(gp, eaT, w1, b1, w2, b2, R, S)


def _tc_gru(parts, hp, bd_root, cbt, bd_ir, bd_iz, bd_in, bd_hr, bd_hz, bd_hn,
            bih_t, bhh_t):

    def body(p_ref, h_ref, rt_ref, cb_ref, ir_ref, iz_ref, in_ref,
             hr_ref, hz_ref, hn_ref, bi_ref, bh_ref, o_ref):
        h = h_ref[...]
        agg = p_ref[0] + p_ref[1]
        m = jnp.maximum(
            agg
            + jnp.dot(h, rt_ref[...], preferred_element_type=jnp.float32)
            + cb_ref[...],
            0.0,
        )
        bi = bi_ref[...]
        bh = bh_ref[...]
        ir = jnp.dot(m, ir_ref[...], preferred_element_type=jnp.float32) + bi[:, :128]
        iz = jnp.dot(m, iz_ref[...], preferred_element_type=jnp.float32) + bi[:, 128:256]
        inn = jnp.dot(m, in_ref[...], preferred_element_type=jnp.float32) + bi[:, 256:]
        hr = jnp.dot(h, hr_ref[...], preferred_element_type=jnp.float32) + bh[:, :128]
        hz = jnp.dot(h, hz_ref[...], preferred_element_type=jnp.float32) + bh[:, 128:256]
        hn = jnp.dot(h, hn_ref[...], preferred_element_type=jnp.float32) + bh[:, 256:]
        r = jax.nn.sigmoid(ir + hr)
        z = jax.nn.sigmoid(iz + hz)
        n = jnp.tanh(inn + r * hn)
        o_ref[...] = (1.0 - z) * n + z * h

    return pl.pallas_call(
        body,
        out_shape=jax.ShapeDtypeStruct((NPK, 128), jnp.float32),
    )(parts, hp, bd_root, cbt, bd_ir, bd_iz, bd_in, bd_hr, bd_hz, bd_hn,
      bih_t, bhh_t)


def _tc_set2set(out, batch2, t, p, lstm_wih, lstm_whh, lstm_bih, lstm_bhh,
                lin1_w, lin1_b, lin2_w, lin2_b, lin3_w, lin3_b):
    def body(o_ref, b_ref, t_ref, p_ref, wih_ref, whh_ref, bih_ref, bhh_ref,
             w1_ref, b1_ref, w2_ref, b2_ref, w3_ref, b3_ref, res_ref):
        xn = o_ref[...][:N, :]
        mask = b_ref[...] == lax.broadcasted_iota(jnp.int32, (1, B), 1)
        q_star = jnp.zeros((B, 2 * H), jnp.float32)
        hs = jnp.zeros((B, H), jnp.float32)
        cs = jnp.zeros((B, H), jnp.float32)
        for _ in range(3):
            g = (
                jnp.dot(q_star, wih_ref[...], preferred_element_type=jnp.float32)
                + bih_ref[...]
                + jnp.dot(hs, whh_ref[...], preferred_element_type=jnp.float32)
                + bhh_ref[...]
            )
            ig = jax.nn.sigmoid(g[:, :H])
            fg = jax.nn.sigmoid(g[:, H:2 * H])
            gg = jnp.tanh(g[:, 2 * H:3 * H])
            og = jax.nn.sigmoid(g[:, 3 * H:])
            cs = fg * cs + ig * gg
            hs = og * jnp.tanh(cs)
            q = hs
            qb = jnp.dot(
                mask.astype(jnp.float32), q, preferred_element_type=jnp.float32
            )
            e = jnp.sum(xn * qb, axis=1, keepdims=True)
            em = jnp.where(mask, e, -jnp.inf)
            emax = jnp.max(em, axis=0, keepdims=True)
            ee = jnp.where(mask, jnp.exp(e - emax), 0.0)
            den = jnp.sum(ee, axis=0, keepdims=True)
            den = jnp.where(den == 0.0, 1.0, den)
            amat = ee / den
            rr = lax.dot_general(
                amat, xn, (((0,), (0,)), ((), ())),
                preferred_element_type=jnp.float32,
            )
            q_star = jnp.concatenate([q, rr], axis=1)
        o = jnp.concatenate([q_star, t_ref[...], p_ref[...]], axis=1)
        o = jnp.maximum(
            jnp.dot(o, w1_ref[...], preferred_element_type=jnp.float32)
            + b1_ref[...],
            0.0,
        )
        o = jnp.maximum(
            jnp.dot(o, w2_ref[...], preferred_element_type=jnp.float32)
            + b2_ref[...],
            0.0,
        )
        res_ref[...] = (
            jnp.dot(o, w3_ref[...], preferred_element_type=jnp.float32)
            + b3_ref[...]
        )

    return pl.pallas_call(
        body,
        out_shape=jax.ShapeDtypeStruct((B, 1), jnp.float32),
    )(out, batch2, t, p, lstm_wih, lstm_whh, lstm_bih, lstm_bhh,
      lin1_w, lin1_b, lin2_w, lin2_b, lin3_w, lin3_b)



def kernel(x, edge_index, edge_attr, batch, t, p,
           lin0_w, lin0_b, nn1_w, nn1_b, nn2_w, nn2_b, root_w, conv_b,
           gru_wih, gru_whh, gru_bih, gru_bhh,
           lstm_wih, lstm_whh, lstm_bih, lstm_bhh,
           lin1_w, lin1_b, lin2_w, lin2_b, lin3_w, lin3_b):
    f32 = jnp.float32
    src = edge_index[0].astype(jnp.int32)
    dst = edge_index[1].astype(jnp.int32)
    pad = EP - E

    src3 = jnp.concatenate([src, jnp.zeros((pad,), jnp.int32)]).reshape(NW, CH, CL)
    dst3 = jnp.concatenate([dst, jnp.full((pad,), N, jnp.int32)]).reshape(NW, CH, CL)
    x_pad = jnp.concatenate([x, jnp.zeros((NP - N, DIN), f32)])
    zeros_np = jnp.zeros((NP, H), f32)

    R = jnp.kron(jnp.eye(H, dtype=f32), jnp.ones((1, H), f32))
    S = jnp.kron(jnp.ones((H, 1), f32), jnp.eye(H, dtype=f32))
    R16 = R.astype(jnp.bfloat16)
    S16 = S.astype(jnp.bfloat16)
    eye8 = jnp.eye(8, dtype=f32)

    outp = _tc_lin0(
        x_pad.reshape(NPK, 8 * DIN),
        jnp.kron(eye8, lin0_w),
        jnp.tile(lin0_b, 8).reshape(1, 128),
    )

    bd = lambda w: jnp.kron(eye8, w)
    gru_args = (
        bd(root_w), jnp.tile(conv_b, 8).reshape(1, 128),
        bd(gru_wih[:, :H]), bd(gru_wih[:, H:2 * H]), bd(gru_wih[:, 2 * H:]),
        bd(gru_whh[:, :H]), bd(gru_whh[:, H:2 * H]), bd(gru_whh[:, 2 * H:]),
        jnp.concatenate(
            [jnp.tile(gru_bih[g * H:(g + 1) * H], 8) for g in range(3)]
        ).reshape(1, 384),
        jnp.concatenate(
            [jnp.tile(gru_bhh[g * H:(g + 1) * H], 8) for g in range(3)]
        ).reshape(1, 384),
    )

    eaT = jnp.concatenate([edge_attr.T, jnp.zeros((DE, pad), f32)], axis=1)
    eaT = eaT.reshape(DE, EP // EB, EBK, 8).swapaxes(2, 3).reshape(DE, EP)
    nn1_bt = nn1_b.reshape(1, 64)
    nn2_bt = nn2_b.reshape(1, H * H)
    for _ in range(4):
        g = _sc_gather(outp.reshape(NP, H), src3)
        msgp = _tc_msg(g.reshape(EPK, 128), eaT, nn1_w, nn1_bt, nn2_w,
                       nn2_bt, R16, S16)
        parts = _sc_scatter(msgp.reshape(EP, H), dst3, zeros_np)
        outp = _tc_gru(parts.reshape(NC, NPK, 128), outp, *gru_args)

    res = _tc_set2set(
        outp.reshape(NP, H), batch.astype(jnp.int32).reshape(N, 1), t, p,
        lstm_wih, lstm_whh, lstm_bih.reshape(1, 4 * H), lstm_bhh.reshape(1, 4 * H),
        lin1_w, lin1_b.reshape(1, H), lin2_w, lin2_b.reshape(1, 64),
        lin3_w, lin3_b.reshape(1, 1))
    return res.reshape(-1)

# --- scband reference (transcript-rebuilt; emitter-appended) ---
"""Pipeline reference for scband-mpnn-77360950936126 (READ-ONLY COPY).

The authoritative reference and input builder live on the scoring server;
editing this copy changes nothing except your own understanding.
"""

import jax, jax.numpy as jnp
import numpy as np

N = 10000
E = 160000
DIN = 128
H = 16
B = 64
DE = 6

def setup_inputs(seed: int = 0) -> dict:
    key = jax.random.key(seed)
    ks = jax.random.split(key, 20)
    s = 0.1
    d = {}
    d['x'] = jax.random.normal(ks[0], (N, DIN), jnp.float32)
    d['edge_index'] = jax.random.randint(ks[1], (2, E), 0, N)
    d['edge_attr'] = jax.random.uniform(ks[2], (E, DE), dtype=jnp.float32)
    d['batch'] = jnp.sort(jax.random.randint(ks[3], (N,), 0, B))
    d['t'] = jax.random.uniform(ks[4], (B, 1), dtype=jnp.float32)
    d['p'] = jax.random.uniform(ks[5], (B, 1), dtype=jnp.float32)
    d['lin0_w'] = jax.random.normal(ks[6], (DIN, H), jnp.float32) * s
    d['lin0_b'] = jnp.zeros((H,), jnp.float32)
    d['nn1_w'] = jax.random.normal(ks[7], (DE, 64), jnp.float32) * s
    d['nn1_b'] = jnp.zeros((64,), jnp.float32)
    d['nn2_w'] = jax.random.normal(ks[8], (64, H * H), jnp.float32) * s
    d['nn2_b'] = jnp.zeros((H * H,), jnp.float32)
    d['root_w'] = jax.random.normal(ks[9], (H, H), jnp.float32) * s
    d['conv_b'] = jnp.zeros((H,), jnp.float32)
    d['gru_wih'] = jax.random.normal(ks[10], (H, 3 * H), jnp.float32) * s
    d['gru_whh'] = jax.random.normal(ks[11], (H, 3 * H), jnp.float32) * s
    d['gru_bih'] = jnp.zeros((3 * H,), jnp.float32)
    d['gru_bhh'] = jnp.zeros((3 * H,), jnp.float32)
    d['lstm_wih'] = jax.random.normal(ks[12], (2 * H, 4 * H), jnp.float32) * s
    d['lstm_whh'] = jax.random.normal(ks[13], (H, 4 * H), jnp.float32) * s
    d['lstm_bih'] = jnp.zeros((4 * H,), jnp.float32)
    d['lstm_bhh'] = jnp.zeros((4 * H,), jnp.float32)
    d['lin1_w'] = jax.random.normal(ks[14], (2 * H + 2, H), jnp.float32) * s
    d['lin1_b'] = jnp.zeros((H,), jnp.float32)
    d['lin2_w'] = jax.random.normal(ks[15], (H, 64), jnp.float32) * s
    d['lin2_b'] = jnp.zeros((64,), jnp.float32)
    d['lin3_w'] = jax.random.normal(ks[16], (64, 1), jnp.float32) * s
    d['lin3_b'] = jnp.zeros((1,), jnp.float32)
    return d

def reference(x, edge_index, edge_attr, batch, t, p,
              lin0_w, lin0_b, nn1_w, nn1_b, nn2_w, nn2_b, root_w, conv_b,
              gru_wih, gru_whh, gru_bih, gru_bhh,
              lstm_wih, lstm_whh, lstm_bih, lstm_bhh,
              lin1_w, lin1_b, lin2_w, lin2_b, lin3_w, lin3_b):
    out = jax.nn.relu(x @ lin0_w + lin0_b)
    h = out
    src = edge_index[0]
    dst = edge_index[1]
    for _ in range(4):
        w = jax.nn.relu(edge_attr @ nn1_w + nn1_b) @ nn2_w + nn2_b
        w = w.reshape(E, H, H)
        msg = jnp.einsum('eh,ehk->ek', out[src], w)
        agg = jax.ops.segment_sum(msg, dst, num_segments=N)
        m = jax.nn.relu(agg + out @ root_w + conv_b)
        gi = m @ gru_wih + gru_bih
        gh = h @ gru_whh + gru_bhh
        ir, iz, inn = jnp.split(gi, 3, axis=-1)
        hr, hz, hn = jnp.split(gh, 3, axis=-1)
        r = jax.nn.sigmoid(ir + hr)
        z = jax.nn.sigmoid(iz + hz)
        n = jnp.tanh(inn + r * hn)
        h = (1.0 - z) * n + z * h
        out = h
    q_star = jnp.zeros((B, 2 * H), x.dtype)
    hs = jnp.zeros((B, H), x.dtype)
    cs = jnp.zeros((B, H), x.dtype)
    for _ in range(3):
        g = q_star @ lstm_wih + lstm_bih + hs @ lstm_whh + lstm_bhh
        ig, fg, gg, og = jnp.split(g, 4, axis=-1)
        ig = jax.nn.sigmoid(ig)
        fg = jax.nn.sigmoid(fg)
        gg = jnp.tanh(gg)
        og = jax.nn.sigmoid(og)
        cs = fg * cs + ig * gg
        hs = og * jnp.tanh(cs)
        q = hs
        e = jnp.sum(out * q[batch], axis=-1)
        emax = jax.ops.segment_max(e, batch, num_segments=B)
        ee = jnp.exp(e - emax[batch])
        den = jax.ops.segment_sum(ee, batch, num_segments=B)
        a = ee / den[batch]
        rr = jax.ops.segment_sum(a[:, None] * out, batch, num_segments=B)
        q_star = jnp.concatenate([q, rr], axis=-1)
    o = jnp.concatenate([q_star, t], axis=1)
    o = jnp.concatenate([o, p], axis=1)
    o = jax.nn.relu(o @ lin1_w + lin1_b)
    o = jax.nn.relu(o @ lin2_w + lin2_b)
    o = o @ lin3_w + lin3_b
    return o.reshape(-1)

if __name__ == "__main__":
    import jax
    _d = setup_inputs()
    print(jax.jit(kernel)(*tuple(_d.values())))

</pallas_src>

<mosaic_0001>
#map = affine_map<(d0, d1) -> (0, 0)>
#map1 = affine_map<(d0, d1) -> (0, 0, 0)>
module attributes {stable_mosaic.version = 14 : i64} {
  func.func @k(%arg0: i32, %arg1: i32, %arg2: memref<163840x16xf32, #tpu.memory_space<hbm>>, %arg3: memref<32x40x128xi32, #tpu.memory_space<hbm>>, %arg4: memref<10016x16xf32, #tpu.memory_space<hbm>>, %arg5: memref<2x10016x16xf32, #tpu.memory_space<hbm>>, %arg6: memref<40x128xi32, #tpu.memory_space<vmem>>, %arg7: memref<5120x16xf32, #tpu.memory_space<vmem>>, %arg8: memref<10016x16xf32, #tpu.memory_space<vmem_shared>>, %arg9: memref<!tpu.dma_semaphore, #tpu.memory_space<semaphore_mem>>) attributes {dimension_semantics = [#tpu.dimension_semantics<core_parallel>, #tpu.dimension_semantics<subcore_parallel>], iteration_bounds = array<i64: 2, 16>, scalar_prefetch = 0 : i64, scratch_operands = 4 : i64, tpu.core_type = #tpu.core_type<sc_vector_subcore>, window_params = [{transform_indices = #map}, {transform_indices = #map1}, {transform_indices = #map}, {transform_indices = #map1}]} {
    %mul3A = arith.constant 2 : i32
    %mul3A_0 = arith.muli %arg1, %mul3A : i32
    %add3A = arith.addi %mul3A_0, %arg0 : i32
    %mul3A_1 = arith.constant 626 : i32
    %mul3A_2 = arith.muli %arg1, %mul3A_1 : i32
    %mul3A_3 = arith.constant 626 : i32
    %mul3A_4 = arith.muli %arg1, %mul3A_3 : i32
    "tpu.region"() ({
      %run_scoped3A = tpu.sem_alloc : memref<!tpu.dma_semaphore, #tpu.memory_space<semaphore_mem>>
      %dma_start3A = arith.constant 0 : i32
      %dma_start3A_22 = tpu.memref_slice %arg8[%mul3A_4, %dma_start3A] : memref<10016x16xf32, #tpu.memory_space<vmem_shared>> -> memref<626x16xf32, #tpu.memory_space<vmem_shared>>
      %dma_start3A_23 = arith.constant 0 : i32
      %dma_start3A_24 = tpu.memref_slice %arg4[%mul3A_2, %dma_start3A_23] : memref<10016x16xf32, #tpu.memory_space<hbm>> -> memref<626x16xf32, #tpu.memory_space<hbm>>
      tpu.enqueue_dma source(%dma_start3A_24 : memref<626x16xf32, #tpu.memory_space<hbm>>) target(%dma_start3A_22 : memref<626x16xf32, #tpu.memory_space<vmem_shared>>) target_semaphore(%run_scoped3A : memref<!tpu.dma_semaphore, #tpu.memory_space<semaphore_mem>>)
      %dma_wait3A_25 = arith.constant 0 : i32
      %dma_wait3A_26 = tpu.memref_slice %arg8[%mul3A_4, %dma_wait3A_25] : memref<10016x16xf32, #tpu.memory_space<vmem_shared>> -> memref<626x16xf32, #tpu.memory_space<vmem_shared>>
      %dma_wait3A_27 = arith.constant 0 : i32
      %dma_wait3A_28 = tpu.memref_slice %arg4[%mul3A_2, %dma_wait3A_27] : memref<10016x16xf32, #tpu.memory_space<hbm>> -> memref<626x16xf32, #tpu.memory_space<hbm>>
      tpu.wait_dma2 semaphore(%run_scoped3A : memref<!tpu.dma_semaphore, #tpu.memory_space<semaphore_mem>>) src(%dma_wait3A_28 : memref<626x16xf32, #tpu.memory_space<hbm>>) dst(%dma_wait3A_26 : memref<626x16xf32, #tpu.memory_space<vmem_shared>>)
      tpu.yield
    }) : () -> ()
    "tpu.region"() ({
      %run_scoped3A = tpu.sem_alloc : memref<!tpu.dma_semaphore, #tpu.memory_space<semaphore_mem>>
      %dma_start3A = arith.constant 0 : i32
      %dma_start3A_22 = arith.constant 0 : i32
      %dma_start3A_23 = tpu.memref_slice %arg3[%add3A, %dma_start3A, %dma_start3A_22] : memref<32x40x128xi32, #tpu.memory_space<hbm>> -> memref<1x40x128xi32, #tpu.memory_space<hbm>>
      %dma_start3A_24 = tpu.memref_squeeze %dma_start3A_23 : memref<1x40x128xi32, #tpu.memory_space<hbm>> -> memref<40x128xi32, #tpu.memory_space<hbm>>
      %dma_start3A_25 = arith.constant 0 : i32
      %dma_start3A_26 = arith.constant 0 : i32
      %dma_start3A_27 = tpu.memref_slice %arg3[%add3A, %dma_start3A_25, %dma_start3A_26] : memref<32x40x128xi32, #tpu.memory_space<hbm>> -> memref<1x40x128xi32, #tpu.memory_space<hbm>>
      %dma_start3A_28 = tpu.memref_squeeze %dma_start3A_27 : memref<1x40x128xi32, #tpu.memory_space<hbm>> -> memref<40x128xi32, #tpu.memory_space<hbm>>
      tpu.enqueue_dma source(%dma_start3A_28 : memref<40x128xi32, #tpu.memory_space<hbm>>) target(%arg6 : memref<40x128xi32, #tpu.memory_space<vmem>>) target_semaphore(%run_scoped3A : memref<!tpu.dma_semaphore, #tpu.memory_space<semaphore_mem>>)
      %dma_wait3A_29 = arith.constant 0 : i32
      %dma_wait3A_30 = arith.constant 0 : i32
      %dma_wait3A_31 = tpu.memref_slice %arg3[%add3A, %dma_wait3A_29, %dma_wait3A_30] : memref<32x40x128xi32, #tpu.memory_space<hbm>> -> memref<1x40x128xi32, #tpu.memory_space<hbm>>
      %dma_wait3A_32 = tpu.memref_squeeze %dma_wait3A_31 : memref<1x40x128xi32, #tpu.memory_space<hbm>> -> memref<40x128xi32, #tpu.memory_space<hbm>>
      %dma_wait3A_33 = arith.constant 0 : i32
      %dma_wait3A_34 = arith.constant 0 : i32
      %dma_wait3A_35 = tpu.memref_slice %arg3[%add3A, %dma_wait3A_33, %dma_wait3A_34] : memref<32x40x128xi32, #tpu.memory_space<hbm>> -> memref<1x40x128xi32, #tpu.memory_space<hbm>>
      %dma_wait3A_36 = tpu.memref_squeeze %dma_wait3A_35 : memref<1x40x128xi32, #tpu.memory_space<hbm>> -> memref<40x128xi32, #tpu.memory_space<hbm>>
      tpu.wait_dma2 semaphore(%run_scoped3A : memref<!tpu.dma_semaphore, #tpu.memory_space<semaphore_mem>>) src(%dma_wait3A_36 : memref<40x128xi32, #tpu.memory_space<hbm>>) dst(%arg6 : memref<40x128xi32, #tpu.memory_space<vmem>>)
      tpu.yield
    }) : () -> ()
    %mul3A_5 = arith.constant 5120 : i32
    %mul3A_6 = arith.muli %add3A, %mul3A_5 : i32
    "tpu.region"() ({
      %run_scoped3A = tpu.sem_alloc : memref<!tpu.dma_semaphore, #tpu.memory_space<semaphore_mem>>
      %dma_start3A = arith.constant 0 : i32
      %dma_start3A_22 = tpu.memref_slice %arg2[%mul3A_6, %dma_start3A] : memref<163840x16xf32, #tpu.memory_space<hbm>> -> memref<5120x16xf32, #tpu.memory_space<hbm>>
      %dma_start3A_23 = arith.constant 0 : i32
      %dma_start3A_24 = tpu.memref_slice %arg2[%mul3A_6, %dma_start3A_23] : memref<163840x16xf32, #tpu.memory_space<hbm>> -> memref<5120x16xf32, #tpu.memory_space<hbm>>
      tpu.enqueue_dma source(%dma_start3A_24 : memref<5120x16xf32, #tpu.memory_space<hbm>>) target(%arg7 : memref<5120x16xf32, #tpu.memory_space<vmem>>) target_semaphore(%run_scoped3A : memref<!tpu.dma_semaphore, #tpu.memory_space<semaphore_mem>>)
      %dma_wait3A_25 = arith.constant 0 : i32
      %dma_wait3A_26 = tpu.memref_slice %arg2[%mul3A_6, %dma_wait3A_25] : memref<163840x16xf32, #tpu.memory_space<hbm>> -> memref<5120x16xf32, #tpu.memory_space<hbm>>
      %dma_wait3A_27 = arith.constant 0 : i32
      %dma_wait3A_28 = tpu.memref_slice %arg2[%mul3A_6, %dma_wait3A_27] : memref<163840x16xf32, #tpu.memory_space<hbm>> -> memref<5120x16xf32, #tpu.memory_space<hbm>>
      tpu.wait_dma2 semaphore(%run_scoped3A : memref<!tpu.dma_semaphore, #tpu.memory_space<semaphore_mem>>) src(%dma_wait3A_28 : memref<5120x16xf32, #tpu.memory_space<hbm>>) dst(%arg7 : memref<5120x16xf32, #tpu.memory_space<vmem>>)
      tpu.yield
    }) : () -> ()
    %barrier3A = arith.constant 0 : index
    tpu.barrier barrier_id(%barrier3A)
    %scan3A = arith.constant 0 : i32
    %scan3A_7 = arith.constant 0 : i32
    %scan3A_8 = arith.constant 40 : i32
    %scan3A_9 = arith.addi %scan3A_7, %scan3A_8 : i32
    %scan3A_10 = arith.constant 1 : i32
    scf.for %scan3A_22 = %scan3A_7 to %scan3A_9 step %scan3A_10  : i32 {
      %mul3A_23 = arith.constant 128 : i32
      %mul3A_24 = arith.muli %scan3A_22, %mul3A_23 : i32
      %dma_start3A = arith.constant 0 : i32
      %dma_start3A_25 = tpu.memref_slice %arg7[%mul3A_24, %dma_start3A] : memref<5120x16xf32, #tpu.memory_space<vmem>> -> memref<128x16xf32, #tpu.memory_space<vmem>>
      %dma_start3A_26 = arith.constant 0 : i32
      %dma_start3A_27 = tpu.memref_slice %arg6[%scan3A_22, %dma_start3A_26] : memref<40x128xi32, #tpu.memory_space<vmem>> -> memref<1x128xi32, #tpu.memory_space<vmem>>
      %dma_start3A_28 = tpu.memref_squeeze %dma_start3A_27 : memref<1x128xi32, #tpu.memory_space<vmem>> -> memref<128xi32, #tpu.memory_space<vmem>>
      %dma_start3A_29 = arith.constant 0 : i32
      %dma_start3A_30 = arith.constant 0 : i32
      %dma_start3A_31 = tpu.memref_slice %arg8[%dma_start3A_29, %dma_start3A_30] : memref<10016x16xf32, #tpu.memory_space<vmem_shared>> -> memref<10016x16xf32, #tpu.memory_space<vmem_shared>>
      tpu.enqueue_indirect_dma source(%dma_start3A_25 : memref<128x16xf32, #tpu.memory_space<vmem>>) target(%dma_start3A_31 : memref<10016x16xf32, #tpu.memory_space<vmem_shared>>) offsets(%dma_start3A_28 : memref<128xi32, #tpu.memory_space<vmem>>) semaphore(%arg9 : memref<!tpu.dma_semaphore, #tpu.memory_space<semaphore_mem>>) {add = true}
    }
    %scan3A_11 = arith.constant 40 : i32
    %dma_wait3A = arith.constant 0 : i32
    %dma_wait3A_12 = arith.constant 0 : i32
    %dma_wait3A_13 = tpu.memref_slice %arg2[%dma_wait3A, %dma_wait3A_12] : memref<163840x16xf32, #tpu.memory_space<hbm>> -> memref<5120x16xf32, #tpu.memory_space<hbm>>
    %dma_wait3A_14 = arith.constant 0 : i32
    %dma_wait3A_15 = arith.constant 0 : i32
    %dma_wait3A_16 = tpu.memref_slice %arg2[%dma_wait3A_14, %dma_wait3A_15] : memref<163840x16xf32, #tpu.memory_space<hbm>> -> memref<5120x16xf32, #tpu.memory_space<hbm>>
    tpu.wait_dma2 semaphore(%arg9 : memref<!tpu.dma_semaphore, #tpu.memory_space<semaphore_mem>>) src(%dma_wait3A_16 : memref<5120x16xf32, #tpu.memory_space<hbm>>) dst(%arg7 : memref<5120x16xf32, #tpu.memory_space<vmem>>)
    %barrier3A_17 = arith.constant 0 : index
    tpu.barrier barrier_id(%barrier3A_17)
    %mul3A_18 = arith.constant 626 : i32
    %mul3A_19 = arith.muli %arg1, %mul3A_18 : i32
    %mul3A_20 = arith.constant 626 : i32
    %mul3A_21 = arith.muli %arg1, %mul3A_20 : i32
    "tpu.region"() ({
      %run_scoped3A = tpu.sem_alloc : memref<!tpu.dma_semaphore, #tpu.memory_space<semaphore_mem>>
      %dma_start3A = arith.constant 0 : i32
      %dma_start3A_22 = tpu.memref_slice %arg5[%arg0, %mul3A_21, %dma_start3A] : memref<2x10016x16xf32, #tpu.memory_space<hbm>> -> memref<1x626x16xf32, #tpu.memory_space<hbm>>
      %dma_start3A_23 = tpu.memref_squeeze %dma_start3A_22 : memref<1x626x16xf32, #tpu.memory_space<hbm>> -> memref<626x16xf32, #tpu.memory_space<hbm>>
      %dma_start3A_24 = arith.constant 0 : i32
      %dma_start3A_25 = tpu.memref_slice %arg8[%mul3A_19, %dma_start3A_24] : memref<10016x16xf32, #tpu.memory_space<vmem_shared>> -> memref<626x16xf32, #tpu.memory_space<vmem_shared>>
      tpu.enqueue_dma source(%dma_start3A_25 : memref<626x16xf32, #tpu.memory_space<vmem_shared>>) target(%dma_start3A_23 : memref<626x16xf32, #tpu.memory_space<hbm>>) target_semaphore(%run_scoped3A : memref<!tpu.dma_semaphore, #tpu.memory_space<semaphore_mem>>)
      %dma_wait3A_26 = arith.constant 0 : i32
      %dma_wait3A_27 = tpu.memref_slice %arg5[%arg0, %mul3A_21, %dma_wait3A_26] : memref<2x10016x16xf32, #tpu.memory_space<hbm>> -> memref<1x626x16xf32, #tpu.memory_space<hbm>>
      %dma_wait3A_28 = tpu.memref_squeeze %dma_wait3A_27 : memref<1x626x16xf32, #tpu.memory_space<hbm>> -> memref<626x16xf32, #tpu.memory_space<hbm>>
      %dma_wait3A_29 = arith.constant 0 : i32
      %dma_wait3A_30 = tpu.memref_slice %arg8[%mul3A_19, %dma_wait3A_29] : memref<10016x16xf32, #tpu.memory_space<vmem_shared>> -> memref<626x16xf32, #tpu.memory_space<vmem_shared>>
      tpu.wait_dma2 semaphore(%run_scoped3A : memref<!tpu.dma_semaphore, #tpu.memory_space<semaphore_mem>>) src(%dma_wait3A_30 : memref<626x16xf32, #tpu.memory_space<vmem_shared>>) dst(%dma_wait3A_28 : memref<626x16xf32, #tpu.memory_space<hbm>>)
      tpu.yield
    }) : () -> ()
    return
  }
}

#map = affine_map<(d0, d1) -> (0, 0)>
#map1 = affine_map<(d0, d1) -> (0, 0, 0)>
module attributes {stable_mosaic.version = 14 : i64} {
  func.func @k(%arg0: i32, %arg1: i32, %arg2: memref<10016x16xf32, #tpu.memory_space<hbm>>, %arg3: memref<32x40x128xi32, #tpu.memory_space<hbm>>, %arg4: memref<163840x16xf32, #tpu.memory_space<hbm>>, %arg5: memref<40x128xi32, #tpu.memory_space<vmem>>, %arg6: memref<5120x16xf32, #tpu.memory_space<vmem>>, %arg7: memref<!tpu.dma_semaphore, #tpu.memory_space<semaphore_mem>>) attributes {dimension_semantics = [#tpu.dimension_semantics<core_parallel>, #tpu.dimension_semantics<subcore_parallel>], iteration_bounds = array<i64: 2, 16>, scalar_prefetch = 0 : i64, scratch_operands = 3 : i64, tpu.core_type = #tpu.core_type<sc_vector_subcore>, window_params = [{transform_indices = #map}, {transform_indices = #map1}, {transform_indices = #map}]} {
    %mul3A = arith.constant 2 : i32
    %mul3A_0 = arith.muli %arg1, %mul3A : i32
    %add3A = arith.addi %mul3A_0, %arg0 : i32
    "tpu.region"() ({
      %run_scoped3A = tpu.sem_alloc : memref<!tpu.dma_semaphore, #tpu.memory_space<semaphore_mem>>
      %dma_start3A = arith.constant 0 : i32
      %dma_start3A_13 = arith.constant 0 : i32
      %dma_start3A_14 = tpu.memref_slice %arg3[%add3A, %dma_start3A, %dma_start3A_13] : memref<32x40x128xi32, #tpu.memory_space<hbm>> -> memref<1x40x128xi32, #tpu.memory_space<hbm>>
      %dma_start3A_15 = tpu.memref_squeeze %dma_start3A_14 : memref<1x40x128xi32, #tpu.memory_space<hbm>> -> memref<40x128xi32, #tpu.memory_space<hbm>>
      %dma_start3A_16 = arith.constant 0 : i32
      %dma_start3A_17 = arith.constant 0 : i32
      %dma_start3A_18 = tpu.memref_slice %arg3[%add3A, %dma_start3A_16, %dma_start3A_17] : memref<32x40x128xi32, #tpu.memory_space<hbm>> -> memref<1x40x128xi32, #tpu.memory_space<hbm>>
      %dma_start3A_19 = tpu.memref_squeeze %dma_start3A_18 : memref<1x40x128xi32, #tpu.memory_space<hbm>> -> memref<40x128xi32, #tpu.memory_space<hbm>>
      tpu.enqueue_dma source(%dma_start3A_19 : memref<40x128xi32, #tpu.memory_space<hbm>>) target(%arg5 : memref<40x128xi32, #tpu.memory_space<vmem>>) target_semaphore(%run_scoped3A : memref<!tpu.dma_semaphore, #tpu.memory_space<semaphore_mem>>)
      %dma_wait3A_20 = arith.constant 0 : i32
      %dma_wait3A_21 = arith.constant 0 : i32
      %dma_wait3A_22 = tpu.memref_slice %arg3[%add3A, %dma_wait3A_20, %dma_wait3A_21] : memref<32x40x128xi32, #tpu.memory_space<hbm>> -> memref<1x40x128xi32, #tpu.memory_space<hbm>>
      %dma_wait3A_23 = tpu.memref_squeeze %dma_wait3A_22 : memref<1x40x128xi32, #tpu.memory_space<hbm>> -> memref<40x128xi32, #tpu.memory_space<hbm>>
      %dma_wait3A_24 = arith.constant 0 : i32
      %dma_wait3A_25 = arith.constant 0 : i32
      %dma_wait3A_26 = tpu.memref_slice %arg3[%add3A, %dma_wait3A_24, %dma_wait3A_25] : memref<32x40x128xi32, #tpu.memory_space<hbm>> -> memref<1x40x128xi32, #tpu.memory_space<hbm>>
      %dma_wait3A_27 = tpu.memref_squeeze %dma_wait3A_26 : memref<1x40x128xi32, #tpu.memory_space<hbm>> -> memref<40x128xi32, #tpu.memory_space<hbm>>
      tpu.wait_dma2 semaphore(%run_scoped3A : memref<!tpu.dma_semaphore, #tpu.memory_space<semaphore_mem>>) src(%dma_wait3A_27 : memref<40x128xi32, #tpu.memory_space<hbm>>) dst(%arg5 : memref<40x128xi32, #tpu.memory_space<vmem>>)
      tpu.yield
    }) : () -> ()
    %scan3A = arith.constant 0 : i32
    %scan3A_1 = arith.constant 0 : i32
    %scan3A_2 = arith.constant 40 : i32
    %scan3A_3 = arith.addi %scan3A_1, %scan3A_2 : i32
    %scan3A_4 = arith.constant 1 : i32
    scf.for %scan3A_13 = %scan3A_1 to %scan3A_3 step %scan3A_4  : i32 {
      %mul3A_14 = arith.constant 128 : i32
      %mul3A_15 = arith.muli %scan3A_13, %mul3A_14 : i32
      %dma_start3A = arith.constant 0 : i32
      %dma_start3A_16 = tpu.memref_slice %arg6[%mul3A_15, %dma_start3A] : memref<5120x16xf32, #tpu.memory_space<vmem>> -> memref<128x16xf32, #tpu.memory_space<vmem>>
      %dma_start3A_17 = arith.constant 0 : i32
      %dma_start3A_18 = tpu.memref_slice %arg5[%scan3A_13, %dma_start3A_17] : memref<40x128xi32, #tpu.memory_space<vmem>> -> memref<1x128xi32, #tpu.memory_space<vmem>>
      %dma_start3A_19 = tpu.memref_squeeze %dma_start3A_18 : memref<1x128xi32, #tpu.memory_space<vmem>> -> memref<128xi32, #tpu.memory_space<vmem>>
      %dma_start3A_20 = arith.constant 0 : i32
      %dma_start3A_21 = arith.constant 0 : i32
      %dma_start3A_22 = tpu.memref_slice %arg2[%dma_start3A_20, %dma_start3A_21] : memref<10016x16xf32, #tpu.memory_space<hbm>> -> memref<10016x16xf32, #tpu.memory_space<hbm>>
      tpu.enqueue_indirect_dma source(%dma_start3A_22 : memref<10016x16xf32, #tpu.memory_space<hbm>>) target(%dma_start3A_16 : memref<128x16xf32, #tpu.memory_space<vmem>>) offsets(%dma_start3A_19 : memref<128xi32, #tpu.memory_space<vmem>>) semaphore(%arg7 : memref<!tpu.dma_semaphore, #tpu.memory_space<semaphore_mem>>)
    }
    %scan3A_5 = arith.constant 40 : i32
    %dma_wait3A = arith.constant 0 : i32
    %dma_wait3A_6 = arith.constant 0 : i32
    %dma_wait3A_7 = tpu.memref_slice %arg4[%dma_wait3A, %dma_wait3A_6] : memref<163840x16xf32, #tpu.memory_space<hbm>> -> memref<5120x16xf32, #tpu.memory_space<hbm>>
    %dma_wait3A_8 = arith.constant 0 : i32
    %dma_wait3A_9 = arith.constant 0 : i32
    %dma_wait3A_10 = tpu.memref_slice %arg4[%dma_wait3A_8, %dma_wait3A_9] : memref<163840x16xf32, #tpu.memory_space<hbm>> -> memref<5120x16xf32, #tpu.memory_space<hbm>>
    tpu.wait_dma2 semaphore(%arg7 : memref<!tpu.dma_semaphore, #tpu.memory_space<semaphore_mem>>) src(%dma_wait3A_10 : memref<5120x16xf32, #tpu.memory_space<hbm>>) dst(%arg6 : memref<5120x16xf32, #tpu.memory_space<vmem>>)
    %mul3A_11 = arith.constant 5120 : i32
    %mul3A_12 = arith.muli %add3A, %mul3A_11 : i32
    "tpu.region"() ({
      %run_scoped3A = tpu.sem_alloc : memref<!tpu.dma_semaphore, #tpu.memory_space<semaphore_mem>>
      %dma_start3A = arith.constant 0 : i32
      %dma_start3A_13 = tpu.memref_slice %arg4[%mul3A_12, %dma_start3A] : memref<163840x16xf32, #tpu.memory_space<hbm>> -> memref<5120x16xf32, #tpu.memory_space<hbm>>
      %dma_start3A_14 = arith.constant 0 : i32
      %dma_start3A_15 = tpu.memref_slice %arg4[%mul3A_12, %dma_start3A_14] : memref<163840x16xf32, #tpu.memory_space<hbm>> -> memref<5120x16xf32, #tpu.memory_space<hbm>>
      tpu.enqueue_dma source(%arg6 : memref<5120x16xf32, #tpu.memory_space<vmem>>) target(%dma_start3A_15 : memref<5120x16xf32, #tpu.memory_space<hbm>>) target_semaphore(%run_scoped3A : memref<!tpu.dma_semaphore, #tpu.memory_space<semaphore_mem>>)
      %dma_wait3A_16 = arith.constant 0 : i32
      %dma_wait3A_17 = tpu.memref_slice %arg4[%mul3A_12, %dma_wait3A_16] : memref<163840x16xf32, #tpu.memory_space<hbm>> -> memref<5120x16xf32, #tpu.memory_space<hbm>>
      %dma_wait3A_18 = arith.constant 0 : i32
      %dma_wait3A_19 = tpu.memref_slice %arg4[%mul3A_12, %dma_wait3A_18] : memref<163840x16xf32, #tpu.memory_space<hbm>> -> memref<5120x16xf32, #tpu.memory_space<hbm>>
      tpu.wait_dma2 semaphore(%run_scoped3A : memref<!tpu.dma_semaphore, #tpu.memory_space<semaphore_mem>>) src(%arg6 : memref<5120x16xf32, #tpu.memory_space<vmem>>) dst(%dma_wait3A_19 : memref<5120x16xf32, #tpu.memory_space<hbm>>)
      tpu.yield
    }) : () -> ()
    return
  }
}

#map = affine_map<(d0, d1) -> (0, 0)>
#map1 = affine_map<(d0, d1) -> (0, 0, 0)>
module attributes {stable_mosaic.version = 14 : i64} {
  func.func @k(%arg0: i32, %arg1: i32, %arg2: memref<10016x16xf32, #tpu.memory_space<hbm>>, %arg3: memref<32x40x128xi32, #tpu.memory_space<hbm>>, %arg4: memref<163840x16xf32, #tpu.memory_space<hbm>>, %arg5: memref<40x128xi32, #tpu.memory_space<vmem>>, %arg6: memref<5120x16xf32, #tpu.memory_space<vmem>>, %arg7: memref<!tpu.dma_semaphore, #tpu.memory_space<semaphore_mem>>) attributes {dimension_semantics = [#tpu.dimension_semantics<core_parallel>, #tpu.dimension_semantics<subcore_parallel>], iteration_bounds = array<i64: 2, 16>, scalar_prefetch = 0 : i64, scratch_operands = 3 : i64, tpu.core_type = #tpu.core_type<sc_vector_subcore>, window_params = [{transform_indices = #map}, {transform_indices = #map1}, {transform_indices = #map}]} {
    %mul3A = arith.constant 2 : i32
    %mul3A_0 = arith.muli %arg1, %mul3A : i32
    %add3A = arith.addi %mul3A_0, %arg0 : i32
    "tpu.region"() ({
      %run_scoped3A = tpu.sem_alloc : memref<!tpu.dma_semaphore, #tpu.memory_space<semaphore_mem>>
      %dma_start3A = arith.constant 0 : i32
      %dma_start3A_13 = arith.constant 0 : i32
      %dma_start3A_14 = tpu.memref_slice %arg3[%add3A, %dma_start3A, %dma_start3A_13] : memref<32x40x128xi32, #tpu.memory_space<hbm>> -> memref<1x40x128xi32, #tpu.memory_space<hbm>>
      %dma_start3A_15 = tpu.memref_squeeze %dma_start3A_14 : memref<1x40x128xi32, #tpu.memory_space<hbm>> -> memref<40x128xi32, #tpu.memory_space<hbm>>
      %dma_start3A_16 = arith.constant 0 : i32
      %dma_start3A_17 = arith.constant 0 : i32
      %dma_start3A_18 = tpu.memref_slice %arg3[%add3A, %dma_start3A_16, %dma_start3A_17] : memref<32x40x128xi32, #tpu.memory_space<hbm>> -> memref<1x40x128xi32, #tpu.memory_space<hbm>>
      %dma_start3A_19 = tpu.memref_squeeze %dma_start3A_18 : memref<1x40x128xi32, #tpu.memory_space<hbm>> -> memref<40x128xi32, #tpu.memory_space<hbm>>
      tpu.enqueue_dma source(%dma_start3A_19 : memref<40x128xi32, #tpu.memory_space<hbm>>) target(%arg5 : memref<40x128xi32, #tpu.memory_space<vmem>>) target_semaphore(%run_scoped3A : memref<!tpu.dma_semaphore, #tpu.memory_space<semaphore_mem>>)
      %dma_wait3A_20 = arith.constant 0 : i32
      %dma_wait3A_21 = arith.constant 0 : i32
      %dma_wait3A_22 = tpu.memref_slice %arg3[%add3A, %dma_wait3A_20, %dma_wait3A_21] : memref<32x40x128xi32, #tpu.memory_space<hbm>> -> memref<1x40x128xi32, #tpu.memory_space<hbm>>
      %dma_wait3A_23 = tpu.memref_squeeze %dma_wait3A_22 : memref<1x40x128xi32, #tpu.memory_space<hbm>> -> memref<40x128xi32, #tpu.memory_space<hbm>>
      %dma_wait3A_24 = arith.constant 0 : i32
      %dma_wait3A_25 = arith.constant 0 : i32
      %dma_wait3A_26 = tpu.memref_slice %arg3[%add3A, %dma_wait3A_24, %dma_wait3A_25] : memref<32x40x128xi32, #tpu.memory_space<hbm>> -> memref<1x40x128xi32, #tpu.memory_space<hbm>>
      %dma_wait3A_27 = tpu.memref_squeeze %dma_wait3A_26 : memref<1x40x128xi32, #tpu.memory_space<hbm>> -> memref<40x128xi32, #tpu.memory_space<hbm>>
      tpu.wait_dma2 semaphore(%run_scoped3A : memref<!tpu.dma_semaphore, #tpu.memory_space<semaphore_mem>>) src(%dma_wait3A_27 : memref<40x128xi32, #tpu.memory_space<hbm>>) dst(%arg5 : memref<40x128xi32, #tpu.memory_space<vmem>>)
      tpu.yield
    }) : () -> ()
    %scan3A = arith.constant 0 : i32
    %scan3A_1 = arith.constant 0 : i32
    %scan3A_2 = arith.constant 40 : i32
    %scan3A_3 = arith.addi %scan3A_1, %scan3A_2 : i32
    %scan3A_4 = arith.constant 1 : i32
    scf.for %scan3A_13 = %scan3A_1 to %scan3A_3 step %scan3A_4  : i32 {
      %mul3A_14 = arith.constant 128 : i32
      %mul3A_15 = arith.muli %scan3A_13, %mul3A_14 : i32
      %dma_start3A = arith.constant 0 : i32
      %dma_start3A_16 = tpu.memref_slice %arg6[%mul3A_15, %dma_start3A] : memref<5120x16xf32, #tpu.memory_space<vmem>> -> memref<128x16xf32, #tpu.memory_space<vmem>>
      %dma_start3A_17 = arith.constant 0 : i32
      %dma_start3A_18 = tpu.memref_slice %arg5[%scan3A_13, %dma_start3A_17] : memref<40x128xi32, #tpu.memory_space<vmem>> -> memref<1x128xi32, #tpu.memory_space<vmem>>
      %dma_start3A_19 = tpu.memref_squeeze %dma_start3A_18 : memref<1x128xi32, #tpu.memory_space<vmem>> -> memref<128xi32, #tpu.memory_space<vmem>>
      %dma_start3A_20 = arith.constant 0 : i32
      %dma_start3A_21 = arith.constant 0 : i32
      %dma_start3A_22 = tpu.memref_slice %arg2[%dma_start3A_20, %dma_start3A_21] : memref<10016x16xf32, #tpu.memory_space<hbm>> -> memref<10016x16xf32, #tpu.memory_space<hbm>>
      tpu.enqueue_indirect_dma source(%dma_start3A_22 : memref<10016x16xf32, #tpu.memory_space<hbm>>) target(%dma_start3A_16 : memref<128x16xf32, #tpu.memory_space<vmem>>) offsets(%dma_start3A_19 : memref<128xi32, #tpu.memory_space<vmem>>) semaphore(%arg7 : memref<!tpu.dma_semaphore, #tpu.memory_space<semaphore_mem>>)
    }
    %scan3A_5 = arith.constant 40 : i32
    %dma_wait3A = arith.constant 0 : i32
    %dma_wait3A_6 = arith.constant 0 : i32
    %dma_wait3A_7 = tpu.memref_slice %arg4[%dma_wait3A, %dma_wait3A_6] : memref<163840x16xf32, #tpu.memory_space<hbm>> -> memref<5120x16xf32, #tpu.memory_space<hbm>>
    %dma_wait3A_8 = arith.constant 0 : i32
    %dma_wait3A_9 = arith.constant 0 : i32
    %dma_wait3A_10 = tpu.memref_slice %arg4[%dma_wait3A_8, %dma_wait3A_9] : memref<163840x16xf32, #tpu.memory_space<hbm>> -> memref<5120x16xf32, #tpu.memory_space<hbm>>
    tpu.wait_dma2 semaphore(%arg7 : memref<!tpu.dma_semaphore, #tpu.memory_space<semaphore_mem>>) src(%dma_wait3A_10 : memref<5120x16xf32, #tpu.memory_space<hbm>>) dst(%arg6 : memref<5120x16xf32, #tpu.memory_space<vmem>>)
    %mul3A_11 = arith.constant 5120 : i32
    %mul3A_12 = arith.muli %add3A, %mul3A_11 : i32
    "tpu.region"() ({
      %run_scoped3A = tpu.sem_alloc : memref<!tpu.dma_semaphore, #tpu.memory_space<semaphore_mem>>
      %dma_start3A = arith.constant 0 : i32
      %dma_start3A_13 = tpu.memref_slice %arg4[%mul3A_12, %dma_start3A] : memref<163840x16xf32, #tpu.memory_space<hbm>> -> memref<5120x16xf32, #tpu.memory_space<hbm>>
      %dma_start3A_14 = arith.constant 0 : i32
      %dma_start3A_15 = tpu.memref_slice %arg4[%mul3A_12, %dma_start3A_14] : memref<163840x16xf32, #tpu.memory_space<hbm>> -> memref<5120x16xf32, #tpu.memory_space<hbm>>
      tpu.enqueue_dma source(%arg6 : memref<5120x16xf32, #tpu.memory_space<vmem>>) target(%dma_start3A_15 : memref<5120x16xf32, #tpu.memory_space<hbm>>) target_semaphore(%run_scoped3A : memref<!tpu.dma_semaphore, #tpu.memory_space<semaphore_mem>>)
      %dma_wait3A_16 = arith.constant 0 : i32
      %dma_wait3A_17 = tpu.memref_slice %arg4[%mul3A_12, %dma_wait3A_16] : memref<163840x16xf32, #tpu.memory_space<hbm>> -> memref<5120x16xf32, #tpu.memory_space<hbm>>
      %dma_wait3A_18 = arith.constant 0 : i32
      %dma_wait3A_19 = tpu.memref_slice %arg4[%mul3A_12, %dma_wait3A_18] : memref<163840x16xf32, #tpu.memory_space<hbm>> -> memref<5120x16xf32, #tpu.memory_space<hbm>>
      tpu.wait_dma2 semaphore(%run_scoped3A : memref<!tpu.dma_semaphore, #tpu.memory_space<semaphore_mem>>) src(%arg6 : memref<5120x16xf32, #tpu.memory_space<vmem>>) dst(%dma_wait3A_19 : memref<5120x16xf32, #tpu.memory_space<hbm>>)
      tpu.yield
    }) : () -> ()
    return
  }
}

#map = affine_map<(d0, d1) -> (0, 0)>
#map1 = affine_map<(d0, d1) -> (0, 0, 0)>
module attributes {stable_mosaic.version = 14 : i64} {
  func.func @k(%arg0: i32, %arg1: i32, %arg2: memref<163840x16xf32, #tpu.memory_space<hbm>>, %arg3: memref<32x40x128xi32, #tpu.memory_space<hbm>>, %arg4: memref<10016x16xf32, #tpu.memory_space<hbm>>, %arg5: memref<2x10016x16xf32, #tpu.memory_space<hbm>>, %arg6: memref<40x128xi32, #tpu.memory_space<vmem>>, %arg7: memref<5120x16xf32, #tpu.memory_space<vmem>>, %arg8: memref<10016x16xf32, #tpu.memory_space<vmem_shared>>, %arg9: memref<!tpu.dma_semaphore, #tpu.memory_space<semaphore_mem>>) attributes {dimension_semantics = [#tpu.dimension_semantics<core_parallel>, #tpu.dimension_semantics<subcore_parallel>], iteration_bounds = array<i64: 2, 16>, scalar_prefetch = 0 : i64, scratch_operands = 4 : i64, tpu.core_type = #tpu.core_type<sc_vector_subcore>, window_params = [{transform_indices = #map}, {transform_indices = #map1}, {transform_indices = #map}, {transform_indices = #map1}]} {
    %mul3A = arith.constant 2 : i32
    %mul3A_0 = arith.muli %arg1, %mul3A : i32
    %add3A = arith.addi %mul3A_0, %arg0 : i32
    %mul3A_1 = arith.constant 626 : i32
    %mul3A_2 = arith.muli %arg1, %mul3A_1 : i32
    %mul3A_3 = arith.constant 626 : i32
    %mul3A_4 = arith.muli %arg1, %mul3A_3 : i32
    "tpu.region"() ({
      %run_scoped3A = tpu.sem_alloc : memref<!tpu.dma_semaphore, #tpu.memory_space<semaphore_mem>>
      %dma_start3A = arith.constant 0 : i32
      %dma_start3A_22 = tpu.memref_slice %arg8[%mul3A_4, %dma_start3A] : memref<10016x16xf32, #tpu.memory_space<vmem_shared>> -> memref<626x16xf32, #tpu.memory_space<vmem_shared>>
      %dma_start3A_23 = arith.constant 0 : i32
      %dma_start3A_24 = tpu.memref_slice %arg4[%mul3A_2, %dma_start3A_23] : memref<10016x16xf32, #tpu.memory_space<hbm>> -> memref<626x16xf32, #tpu.memory_space<hbm>>
      tpu.enqueue_dma source(%dma_start3A_24 : memref<626x16xf32, #tpu.memory_space<hbm>>) target(%dma_start3A_22 : memref<626x16xf32, #tpu.memory_space<vmem_shared>>) target_semaphore(%run_scoped3A : memref<!tpu.dma_semaphore, #tpu.memory_space<semaphore_mem>>)
      %dma_wait3A_25 = arith.constant 0 : i32
      %dma_wait3A_26 = tpu.memref_slice %arg8[%mul3A_4, %dma_wait3A_25] : memref<10016x16xf32, #tpu.memory_space<vmem_shared>> -> memref<626x16xf32, #tpu.memory_space<vmem_shared>>
      %dma_wait3A_27 = arith.constant 0 : i32
      %dma_wait3A_28 = tpu.memref_slice %arg4[%mul3A_2, %dma_wait3A_27] : memref<10016x16xf32, #tpu.memory_space<hbm>> -> memref<626x16xf32, #tpu.memory_space<hbm>>
      tpu.wait_dma2 semaphore(%run_scoped3A : memref<!tpu.dma_semaphore, #tpu.memory_space<semaphore_mem>>) src(%dma_wait3A_28 : memref<626x16xf32, #tpu.memory_space<hbm>>) dst(%dma_wait3A_26 : memref<626x16xf32, #tpu.memory_space<vmem_shared>>)
      tpu.yield
    }) : () -> ()
    "tpu.region"() ({
      %run_scoped3A = tpu.sem_alloc : memref<!tpu.dma_semaphore, #tpu.memory_space<semaphore_mem>>
      %dma_start3A = arith.constant 0 : i32
      %dma_start3A_22 = arith.constant 0 : i32
      %dma_start3A_23 = tpu.memref_slice %arg3[%add3A, %dma_start3A, %dma_start3A_22] : memref<32x40x128xi32, #tpu.memory_space<hbm>> -> memref<1x40x128xi32, #tpu.memory_space<hbm>>
      %dma_start3A_24 = tpu.memref_squeeze %dma_start3A_23 : memref<1x40x128xi32, #tpu.memory_space<hbm>> -> memref<40x128xi32, #tpu.memory_space<hbm>>
      %dma_start3A_25 = arith.constant 0 : i32
      %dma_start3A_26 = arith.constant 0 : i32
      %dma_start3A_27 = tpu.memref_slice %arg3[%add3A, %dma_start3A_25, %dma_start3A_26] : memref<32x40x128xi32, #tpu.memory_space<hbm>> -> memref<1x40x128xi32, #tpu.memory_space<hbm>>
      %dma_start3A_28 = tpu.memref_squeeze %dma_start3A_27 : memref<1x40x128xi32, #tpu.memory_space<hbm>> -> memref<40x128xi32, #tpu.memory_space<hbm>>
      tpu.enqueue_dma source(%dma_start3A_28 : memref<40x128xi32, #tpu.memory_space<hbm>>) target(%arg6 : memref<40x128xi32, #tpu.memory_space<vmem>>) target_semaphore(%run_scoped3A : memref<!tpu.dma_semaphore, #tpu.memory_space<semaphore_mem>>)
      %dma_wait3A_29 = arith.constant 0 : i32
      %dma_wait3A_30 = arith.constant 0 : i32
      %dma_wait3A_31 = tpu.memref_slice %arg3[%add3A, %dma_wait3A_29, %dma_wait3A_30] : memref<32x40x128xi32, #tpu.memory_space<hbm>> -> memref<1x40x128xi32, #tpu.memory_space<hbm>>
      %dma_wait3A_32 = tpu.memref_squeeze %dma_wait3A_31 : memref<1x40x128xi32, #tpu.memory_space<hbm>> -> memref<40x128xi32, #tpu.memory_space<hbm>>
      %dma_wait3A_33 = arith.constant 0 : i32
      %dma_wait3A_34 = arith.constant 0 : i32
      %dma_wait3A_35 = tpu.memref_slice %arg3[%add3A, %dma_wait3A_33, %dma_wait3A_34] : memref<32x40x128xi32, #tpu.memory_space<hbm>> -> memref<1x40x128xi32, #tpu.memory_space<hbm>>
      %dma_wait3A_36 = tpu.memref_squeeze %dma_wait3A_35 : memref<1x40x128xi32, #tpu.memory_space<hbm>> -> memref<40x128xi32, #tpu.memory_space<hbm>>
      tpu.wait_dma2 semaphore(%run_scoped3A : memref<!tpu.dma_semaphore, #tpu.memory_space<semaphore_mem>>) src(%dma_wait3A_36 : memref<40x128xi32, #tpu.memory_space<hbm>>) dst(%arg6 : memref<40x128xi32, #tpu.memory_space<vmem>>)
      tpu.yield
    }) : () -> ()
    %mul3A_5 = arith.constant 5120 : i32
    %mul3A_6 = arith.muli %add3A, %mul3A_5 : i32
    "tpu.region"() ({
      %run_scoped3A = tpu.sem_alloc : memref<!tpu.dma_semaphore, #tpu.memory_space<semaphore_mem>>
      %dma_start3A = arith.constant 0 : i32
      %dma_start3A_22 = tpu.memref_slice %arg2[%mul3A_6, %dma_start3A] : memref<163840x16xf32, #tpu.memory_space<hbm>> -> memref<5120x16xf32, #tpu.memory_space<hbm>>
      %dma_start3A_23 = arith.constant 0 : i32
      %dma_start3A_24 = tpu.memref_slice %arg2[%mul3A_6, %dma_start3A_23] : memref<163840x16xf32, #tpu.memory_space<hbm>> -> memref<5120x16xf32, #tpu.memory_space<hbm>>
      tpu.enqueue_dma source(%dma_start3A_24 : memref<5120x16xf32, #tpu.memory_space<hbm>>) target(%arg7 : memref<5120x16xf32, #tpu.memory_space<vmem>>) target_semaphore(%run_scoped3A : memref<!tpu.dma_semaphore, #tpu.memory_space<semaphore_mem>>)
      %dma_wait3A_25 = arith.constant 0 : i32
      %dma_wait3A_26 = tpu.memref_slice %arg2[%mul3A_6, %dma_wait3A_25] : memref<163840x16xf32, #tpu.memory_space<hbm>> -> memref<5120x16xf32, #tpu.memory_space<hbm>>
      %dma_wait3A_27 = arith.constant 0 : i32
      %dma_wait3A_28 = tpu.memref_slice %arg2[%mul3A_6, %dma_wait3A_27] : memref<163840x16xf32, #tpu.memory_space<hbm>> -> memref<5120x16xf32, #tpu.memory_space<hbm>>
      tpu.wait_dma2 semaphore(%run_scoped3A : memref<!tpu.dma_semaphore, #tpu.memory_space<semaphore_mem>>) src(%dma_wait3A_28 : memref<5120x16xf32, #tpu.memory_space<hbm>>) dst(%arg7 : memref<5120x16xf32, #tpu.memory_space<vmem>>)
      tpu.yield
    }) : () -> ()
    %barrier3A = arith.constant 0 : index
    tpu.barrier barrier_id(%barrier3A)
    %scan3A = arith.constant 0 : i32
    %scan3A_7 = arith.constant 0 : i32
    %scan3A_8 = arith.constant 40 : i32
    %scan3A_9 = arith.addi %scan3A_7, %scan3A_8 : i32
    %scan3A_10 = arith.constant 1 : i32
    scf.for %scan3A_22 = %scan3A_7 to %scan3A_9 step %scan3A_10  : i32 {
      %mul3A_23 = arith.constant 128 : i32
      %mul3A_24 = arith.muli %scan3A_22, %mul3A_23 : i32
      %dma_start3A = arith.constant 0 : i32
      %dma_start3A_25 = tpu.memref_slice %arg7[%mul3A_24, %dma_start3A] : memref<5120x16xf32, #tpu.memory_space<vmem>> -> memref<128x16xf32, #tpu.memory_space<vmem>>
      %dma_start3A_26 = arith.constant 0 : i32
      %dma_start3A_27 = tpu.memref_slice %arg6[%scan3A_22, %dma_start3A_26] : memref<40x128xi32, #tpu.memory_space<vmem>> -> memref<1x128xi32, #tpu.memory_space<vmem>>
      %dma_start3A_28 = tpu.memref_squeeze %dma_start3A_27 : memref<1x128xi32, #tpu.memory_space<vmem>> -> memref<128xi32, #tpu.memory_space<vmem>>
      %dma_start3A_29 = arith.constant 0 : i32
      %dma_start3A_30 = arith.constant 0 : i32
      %dma_start3A_31 = tpu.memref_slice %arg8[%dma_start3A_29, %dma_start3A_30] : memref<10016x16xf32, #tpu.memory_space<vmem_shared>> -> memref<10016x16xf32, #tpu.memory_space<vmem_shared>>
      tpu.enqueue_indirect_dma source(%dma_start3A_25 : memref<128x16xf32, #tpu.memory_space<vmem>>) target(%dma_start3A_31 : memref<10016x16xf32, #tpu.memory_space<vmem_shared>>) offsets(%dma_start3A_28 : memref<128xi32, #tpu.memory_space<vmem>>) semaphore(%arg9 : memref<!tpu.dma_semaphore, #tpu.memory_space<semaphore_mem>>) {add = true}
    }
    %scan3A_11 = arith.constant 40 : i32
    %dma_wait3A = arith.constant 0 : i32
    %dma_wait3A_12 = arith.constant 0 : i32
    %dma_wait3A_13 = tpu.memref_slice %arg2[%dma_wait3A, %dma_wait3A_12] : memref<163840x16xf32, #tpu.memory_space<hbm>> -> memref<5120x16xf32, #tpu.memory_space<hbm>>
    %dma_wait3A_14 = arith.constant 0 : i32
    %dma_wait3A_15 = arith.constant 0 : i32
    %dma_wait3A_16 = tpu.memref_slice %arg2[%dma_wait3A_14, %dma_wait3A_15] : memref<163840x16xf32, #tpu.memory_space<hbm>> -> memref<5120x16xf32, #tpu.memory_space<hbm>>
    tpu.wait_dma2 semaphore(%arg9 : memref<!tpu.dma_semaphore, #tpu.memory_space<semaphore_mem>>) src(%dma_wait3A_16 : memref<5120x16xf32, #tpu.memory_space<hbm>>) dst(%arg7 : memref<5120x16xf32, #tpu.memory_space<vmem>>)
    %barrier3A_17 = arith.constant 0 : index
    tpu.barrier barrier_id(%barrier3A_17)
    %mul3A_18 = arith.constant 626 : i32
    %mul3A_19 = arith.muli %arg1, %mul3A_18 : i32
    %mul3A_20 = arith.constant 626 : i32
    %mul3A_21 = arith.muli %arg1, %mul3A_20 : i32
    "tpu.region"() ({
      %run_scoped3A = tpu.sem_alloc : memref<!tpu.dma_semaphore, #tpu.memory_space<semaphore_mem>>
      %dma_start3A = arith.constant 0 : i32
      %dma_start3A_22 = tpu.memref_slice %arg5[%arg0, %mul3A_21, %dma_start3A] : memref<2x10016x16xf32, #tpu.memory_space<hbm>> -> memref<1x626x16xf32, #tpu.memory_space<hbm>>
      %dma_start3A_23 = tpu.memref_squeeze %dma_start3A_22 : memref<1x626x16xf32, #tpu.memory_space<hbm>> -> memref<626x16xf32, #tpu.memory_space<hbm>>
      %dma_start3A_24 = arith.constant 0 : i32
      %dma_start3A_25 = tpu.memref_slice %arg8[%mul3A_19, %dma_start3A_24] : memref<10016x16xf32, #tpu.memory_space<vmem_shared>> -> memref<626x16xf32, #tpu.memory_space<vmem_shared>>
      tpu.enqueue_dma source(%dma_start3A_25 : memref<626x16xf32, #tpu.memory_space<vmem_shared>>) target(%dma_start3A_23 : memref<626x16xf32, #tpu.memory_space<hbm>>) target_semaphore(%run_scoped3A : memref<!tpu.dma_semaphore, #tpu.memory_space<semaphore_mem>>)
      %dma_wait3A_26 = arith.constant 0 : i32
      %dma_wait3A_27 = tpu.memref_slice %arg5[%arg0, %mul3A_21, %dma_wait3A_26] : memref<2x10016x16xf32, #tpu.memory_space<hbm>> -> memref<1x626x16xf32, #tpu.memory_space<hbm>>
      %dma_wait3A_28 = tpu.memref_squeeze %dma_wait3A_27 : memref<1x626x16xf32, #tpu.memory_space<hbm>> -> memref<626x16xf32, #tpu.memory_space<hbm>>
      %dma_wait3A_29 = arith.constant 0 : i32
      %dma_wait3A_30 = tpu.memref_slice %arg8[%mul3A_19, %dma_wait3A_29] : memref<10016x16xf32, #tpu.memory_space<vmem_shared>> -> memref<626x16xf32, #tpu.memory_space<vmem_shared>>
      tpu.wait_dma2 semaphore(%run_scoped3A : memref<!tpu.dma_semaphore, #tpu.memory_space<semaphore_mem>>) src(%dma_wait3A_30 : memref<626x16xf32, #tpu.memory_space<vmem_shared>>) dst(%dma_wait3A_28 : memref<626x16xf32, #tpu.memory_space<hbm>>)
      tpu.yield
    }) : () -> ()
    return
  }
}

#map = affine_map<(d0, d1) -> (0, 0)>
#map1 = affine_map<(d0, d1) -> (0, 0, 0)>
module attributes {stable_mosaic.version = 14 : i64} {
  func.func @k(%arg0: i32, %arg1: i32, %arg2: memref<10016x16xf32, #tpu.memory_space<hbm>>, %arg3: memref<32x40x128xi32, #tpu.memory_space<hbm>>, %arg4: memref<163840x16xf32, #tpu.memory_space<hbm>>, %arg5: memref<40x128xi32, #tpu.memory_space<vmem>>, %arg6: memref<5120x16xf32, #tpu.memory_space<vmem>>, %arg7: memref<!tpu.dma_semaphore, #tpu.memory_space<semaphore_mem>>) attributes {dimension_semantics = [#tpu.dimension_semantics<core_parallel>, #tpu.dimension_semantics<subcore_parallel>], iteration_bounds = array<i64: 2, 16>, scalar_prefetch = 0 : i64, scratch_operands = 3 : i64, tpu.core_type = #tpu.core_type<sc_vector_subcore>, window_params = [{transform_indices = #map}, {transform_indices = #map1}, {transform_indices = #map}]} {
    %mul3A = arith.constant 2 : i32
    %mul3A_0 = arith.muli %arg1, %mul3A : i32
    %add3A = arith.addi %mul3A_0, %arg0 : i32
    "tpu.region"() ({
      %run_scoped3A = tpu.sem_alloc : memref<!tpu.dma_semaphore, #tpu.memory_space<semaphore_mem>>
      %dma_start3A = arith.constant 0 : i32
      %dma_start3A_13 = arith.constant 0 : i32
      %dma_start3A_14 = tpu.memref_slice %arg3[%add3A, %dma_start3A, %dma_start3A_13] : memref<32x40x128xi32, #tpu.memory_space<hbm>> -> memref<1x40x128xi32, #tpu.memory_space<hbm>>
      %dma_start3A_15 = tpu.memref_squeeze %dma_start3A_14 : memref<1x40x128xi32, #tpu.memory_space<hbm>> -> memref<40x128xi32, #tpu.memory_space<hbm>>
      %dma_start3A_16 = arith.constant 0 : i32
      %dma_start3A_17 = arith.constant 0 : i32
      %dma_start3A_18 = tpu.memref_slice %arg3[%add3A, %dma_start3A_16, %dma_start3A_17] : memref<32x40x128xi32, #tpu.memory_space<hbm>> -> memref<1x40x128xi32, #tpu.memory_space<hbm>>
      %dma_start3A_19 = tpu.memref_squeeze %dma_start3A_18 : memref<1x40x128xi32, #tpu.memory_space<hbm>> -> memref<40x128xi32, #tpu.memory_space<hbm>>
      tpu.enqueue_dma source(%dma_start3A_19 : memref<40x128xi32, #tpu.memory_space<hbm>>) target(%arg5 : memref<40x128xi32, #tpu.memory_space<vmem>>) target_semaphore(%run_scoped3A : memref<!tpu.dma_semaphore, #tpu.memory_space<semaphore_mem>>)
      %dma_wait3A_20 = arith.constant 0 : i32
      %dma_wait3A_21 = arith.constant 0 : i32
      %dma_wait3A_22 = tpu.memref_slice %arg3[%add3A, %dma_wait3A_20, %dma_wait3A_21] : memref<32x40x128xi32, #tpu.memory_space<hbm>> -> memref<1x40x128xi32, #tpu.memory_space<hbm>>
      %dma_wait3A_23 = tpu.memref_squeeze %dma_wait3A_22 : memref<1x40x128xi32, #tpu.memory_space<hbm>> -> memref<40x128xi32, #tpu.memory_space<hbm>>
      %dma_wait3A_24 = arith.constant 0 : i32
      %dma_wait3A_25 = arith.constant 0 : i32
      %dma_wait3A_26 = tpu.memref_slice %arg3[%add3A, %dma_wait3A_24, %dma_wait3A_25] : memref<32x40x128xi32, #tpu.memory_space<hbm>> -> memref<1x40x128xi32, #tpu.memory_space<hbm>>
      %dma_wait3A_27 = tpu.memref_squeeze %dma_wait3A_26 : memref<1x40x128xi32, #tpu.memory_space<hbm>> -> memref<40x128xi32, #tpu.memory_space<hbm>>
      tpu.wait_dma2 semaphore(%run_scoped3A : memref<!tpu.dma_semaphore, #tpu.memory_space<semaphore_mem>>) src(%dma_wait3A_27 : memref<40x128xi32, #tpu.memory_space<hbm>>) dst(%arg5 : memref<40x128xi32, #tpu.memory_space<vmem>>)
      tpu.yield
    }) : () -> ()
    %scan3A = arith.constant 0 : i32
    %scan3A_1 = arith.constant 0 : i32
    %scan3A_2 = arith.constant 40 : i32
    %scan3A_3 = arith.addi %scan3A_1, %scan3A_2 : i32
    %scan3A_4 = arith.constant 1 : i32
    scf.for %scan3A_13 = %scan3A_1 to %scan3A_3 step %scan3A_4  : i32 {
      %mul3A_14 = arith.constant 128 : i32
      %mul3A_15 = arith.muli %scan3A_13, %mul3A_14 : i32
      %dma_start3A = arith.constant 0 : i32
      %dma_start3A_16 = tpu.memref_slice %arg6[%mul3A_15, %dma_start3A] : memref<5120x16xf32, #tpu.memory_space<vmem>> -> memref<128x16xf32, #tpu.memory_space<vmem>>
      %dma_start3A_17 = arith.constant 0 : i32
      %dma_start3A_18 = tpu.memref_slice %arg5[%scan3A_13, %dma_start3A_17] : memref<40x128xi32, #tpu.memory_space<vmem>> -> memref<1x128xi32, #tpu.memory_space<vmem>>
      %dma_start3A_19 = tpu.memref_squeeze %dma_start3A_18 : memref<1x128xi32, #tpu.memory_space<vmem>> -> memref<128xi32, #tpu.memory_space<vmem>>
      %dma_start3A_20 = arith.constant 0 : i32
      %dma_start3A_21 = arith.constant 0 : i32
      %dma_start3A_22 = tpu.memref_slice %arg2[%dma_start3A_20, %dma_start3A_21] : memref<10016x16xf32, #tpu.memory_space<hbm>> -> memref<10016x16xf32, #tpu.memory_space<hbm>>
      tpu.enqueue_indirect_dma source(%dma_start3A_22 : memref<10016x16xf32, #tpu.memory_space<hbm>>) target(%dma_start3A_16 : memref<128x16xf32, #tpu.memory_space<vmem>>) offsets(%dma_start3A_19 : memref<128xi32, #tpu.memory_space<vmem>>) semaphore(%arg7 : memref<!tpu.dma_semaphore, #tpu.memory_space<semaphore_mem>>)
    }
    %scan3A_5 = arith.constant 40 : i32
    %dma_wait3A = arith.constant 0 : i32
    %dma_wait3A_6 = arith.constant 0 : i32
    %dma_wait3A_7 = tpu.memref_slice %arg4[%dma_wait3A, %dma_wait3A_6] : memref<163840x16xf32, #tpu.memory_space<hbm>> -> memref<5120x16xf32, #tpu.memory_space<hbm>>
    %dma_wait3A_8 = arith.constant 0 : i32
    %dma_wait3A_9 = arith.constant 0 : i32
    %dma_wait3A_10 = tpu.memref_slice %arg4[%dma_wait3A_8, %dma_wait3A_9] : memref<163840x16xf32, #tpu.memory_space<hbm>> -> memref<5120x16xf32, #tpu.memory_space<hbm>>
    tpu.wait_dma2 semaphore(%arg7 : memref<!tpu.dma_semaphore, #tpu.memory_space<semaphore_mem>>) src(%dma_wait3A_10 : memref<5120x16xf32, #tpu.memory_space<hbm>>) dst(%arg6 : memref<5120x16xf32, #tpu.memory_space<vmem>>)
    %mul3A_11 = arith.constant 5120 : i32
    %mul3A_12 = arith.muli %add3A, %mul3A_11 : i32
    "tpu.region"() ({
      %run_scoped3A = tpu.sem_alloc : memref<!tpu.dma_semaphore, #tpu.memory_space<semaphore_mem>>
      %dma_start3A = arith.constant 0 : i32
      %dma_start3A_13 = tpu.memref_slice %arg4[%mul3A_12, %dma_start3A] : memref<163840x16xf32, #tpu.memory_space<hbm>> -> memref<5120x16xf32, #tpu.memory_space<hbm>>
      %dma_start3A_14 = arith.constant 0 : i32
      %dma_start3A_15 = tpu.memref_slice %arg4[%mul3A_12, %dma_start3A_14] : memref<163840x16xf32, #tpu.memory_space<hbm>> -> memref<5120x16xf32, #tpu.memory_space<hbm>>
      tpu.enqueue_dma source(%arg6 : memref<5120x16xf32, #tpu.memory_space<vmem>>) target(%dma_start3A_15 : memref<5120x16xf32, #tpu.memory_space<hbm>>) target_semaphore(%run_scoped3A : memref<!tpu.dma_semaphore, #tpu.memory_space<semaphore_mem>>)
      %dma_wait3A_16 = arith.constant 0 : i32
      %dma_wait3A_17 = tpu.memref_slice %arg4[%mul3A_12, %dma_wait3A_16] : memref<163840x16xf32, #tpu.memory_space<hbm>> -> memref<5120x16xf32, #tpu.memory_space<hbm>>
      %dma_wait3A_18 = arith.constant 0 : i32
      %dma_wait3A_19 = tpu.memref_slice %arg4[%mul3A_12, %dma_wait3A_18] : memref<163840x16xf32, #tpu.memory_space<hbm>> -> memref<5120x16xf32, #tpu.memory_space<hbm>>
      tpu.wait_dma2 semaphore(%run_scoped3A : memref<!tpu.dma_semaphore, #tpu.memory_space<semaphore_mem>>) src(%arg6 : memref<5120x16xf32, #tpu.memory_space<vmem>>) dst(%dma_wait3A_19 : memref<5120x16xf32, #tpu.memory_space<hbm>>)
      tpu.yield
    }) : () -> ()
    return
  }
}

#map = affine_map<(d0, d1) -> (0, 0)>
#map1 = affine_map<(d0, d1) -> (0, 0, 0)>
module attributes {stable_mosaic.version = 14 : i64} {
  func.func @k(%arg0: i32, %arg1: i32, %arg2: memref<163840x16xf32, #tpu.memory_space<hbm>>, %arg3: memref<32x40x128xi32, #tpu.memory_space<hbm>>, %arg4: memref<10016x16xf32, #tpu.memory_space<hbm>>, %arg5: memref<2x10016x16xf32, #tpu.memory_space<hbm>>, %arg6: memref<40x128xi32, #tpu.memory_space<vmem>>, %arg7: memref<5120x16xf32, #tpu.memory_space<vmem>>, %arg8: memref<10016x16xf32, #tpu.memory_space<vmem_shared>>, %arg9: memref<!tpu.dma_semaphore, #tpu.memory_space<semaphore_mem>>) attributes {dimension_semantics = [#tpu.dimension_semantics<core_parallel>, #tpu.dimension_semantics<subcore_parallel>], iteration_bounds = array<i64: 2, 16>, scalar_prefetch = 0 : i64, scratch_operands = 4 : i64, tpu.core_type = #tpu.core_type<sc_vector_subcore>, window_params = [{transform_indices = #map}, {transform_indices = #map1}, {transform_indices = #map}, {transform_indices = #map1}]} {
    %mul3A = arith.constant 2 : i32
    %mul3A_0 = arith.muli %arg1, %mul3A : i32
    %add3A = arith.addi %mul3A_0, %arg0 : i32
    %mul3A_1 = arith.constant 626 : i32
    %mul3A_2 = arith.muli %arg1, %mul3A_1 : i32
    %mul3A_3 = arith.constant 626 : i32
    %mul3A_4 = arith.muli %arg1, %mul3A_3 : i32
    "tpu.region"() ({
      %run_scoped3A = tpu.sem_alloc : memref<!tpu.dma_semaphore, #tpu.memory_space<semaphore_mem>>
      %dma_start3A = arith.constant 0 : i32
      %dma_start3A_22 = tpu.memref_slice %arg8[%mul3A_4, %dma_start3A] : memref<10016x16xf32, #tpu.memory_space<vmem_shared>> -> memref<626x16xf32, #tpu.memory_space<vmem_shared>>
      %dma_start3A_23 = arith.constant 0 : i32
      %dma_start3A_24 = tpu.memref_slice %arg4[%mul3A_2, %dma_start3A_23] : memref<10016x16xf32, #tpu.memory_space<hbm>> -> memref<626x16xf32, #tpu.memory_space<hbm>>
      tpu.enqueue_dma source(%dma_start3A_24 : memref<626x16xf32, #tpu.memory_space<hbm>>) target(%dma_start3A_22 : memref<626x16xf32, #tpu.memory_space<vmem_shared>>) target_semaphore(%run_scoped3A : memref<!tpu.dma_semaphore, #tpu.memory_space<semaphore_mem>>)
      %dma_wait3A_25 = arith.constant 0 : i32
      %dma_wait3A_26 = tpu.memref_slice %arg8[%mul3A_4, %dma_wait3A_25] : memref<10016x16xf32, #tpu.memory_space<vmem_shared>> -> memref<626x16xf32, #tpu.memory_space<vmem_shared>>
      %dma_wait3A_27 = arith.constant 0 : i32
      %dma_wait3A_28 = tpu.memref_slice %arg4[%mul3A_2, %dma_wait3A_27] : memref<10016x16xf32, #tpu.memory_space<hbm>> -> memref<626x16xf32, #tpu.memory_space<hbm>>
      tpu.wait_dma2 semaphore(%run_scoped3A : memref<!tpu.dma_semaphore, #tpu.memory_space<semaphore_mem>>) src(%dma_wait3A_28 : memref<626x16xf32, #tpu.memory_space<hbm>>) dst(%dma_wait3A_26 : memref<626x16xf32, #tpu.memory_space<vmem_shared>>)
      tpu.yield
    }) : () -> ()
    "tpu.region"() ({
      %run_scoped3A = tpu.sem_alloc : memref<!tpu.dma_semaphore, #tpu.memory_space<semaphore_mem>>
      %dma_start3A = arith.constant 0 : i32
      %dma_start3A_22 = arith.constant 0 : i32
      %dma_start3A_23 = tpu.memref_slice %arg3[%add3A, %dma_start3A, %dma_start3A_22] : memref<32x40x128xi32, #tpu.memory_space<hbm>> -> memref<1x40x128xi32, #tpu.memory_space<hbm>>
      %dma_start3A_24 = tpu.memref_squeeze %dma_start3A_23 : memref<1x40x128xi32, #tpu.memory_space<hbm>> -> memref<40x128xi32, #tpu.memory_space<hbm>>
      %dma_start3A_25 = arith.constant 0 : i32
      %dma_start3A_26 = arith.constant 0 : i32
      %dma_start3A_27 = tpu.memref_slice %arg3[%add3A, %dma_start3A_25, %dma_start3A_26] : memref<32x40x128xi32, #tpu.memory_space<hbm>> -> memref<1x40x128xi32, #tpu.memory_space<hbm>>
      %dma_start3A_28 = tpu.memref_squeeze %dma_start3A_27 : memref<1x40x128xi32, #tpu.memory_space<hbm>> -> memref<40x128xi32, #tpu.memory_space<hbm>>
      tpu.enqueue_dma source(%dma_start3A_28 : memref<40x128xi32, #tpu.memory_space<hbm>>) target(%arg6 : memref<40x128xi32, #tpu.memory_space<vmem>>) target_semaphore(%run_scoped3A : memref<!tpu.dma_semaphore, #tpu.memory_space<semaphore_mem>>)
      %dma_wait3A_29 = arith.constant 0 : i32
      %dma_wait3A_30 = arith.constant 0 : i32
      %dma_wait3A_31 = tpu.memref_slice %arg3[%add3A, %dma_wait3A_29, %dma_wait3A_30] : memref<32x40x128xi32, #tpu.memory_space<hbm>> -> memref<1x40x128xi32, #tpu.memory_space<hbm>>
      %dma_wait3A_32 = tpu.memref_squeeze %dma_wait3A_31 : memref<1x40x128xi32, #tpu.memory_space<hbm>> -> memref<40x128xi32, #tpu.memory_space<hbm>>
      %dma_wait3A_33 = arith.constant 0 : i32
      %dma_wait3A_34 = arith.constant 0 : i32
      %dma_wait3A_35 = tpu.memref_slice %arg3[%add3A, %dma_wait3A_33, %dma_wait3A_34] : memref<32x40x128xi32, #tpu.memory_space<hbm>> -> memref<1x40x128xi32, #tpu.memory_space<hbm>>
      %dma_wait3A_36 = tpu.memref_squeeze %dma_wait3A_35 : memref<1x40x128xi32, #tpu.memory_space<hbm>> -> memref<40x128xi32, #tpu.memory_space<hbm>>
      tpu.wait_dma2 semaphore(%run_scoped3A : memref<!tpu.dma_semaphore, #tpu.memory_space<semaphore_mem>>) src(%dma_wait3A_36 : memref<40x128xi32, #tpu.memory_space<hbm>>) dst(%arg6 : memref<40x128xi32, #tpu.memory_space<vmem>>)
      tpu.yield
    }) : () -> ()
    %mul3A_5 = arith.constant 5120 : i32
    %mul3A_6 = arith.muli %add3A, %mul3A_5 : i32
    "tpu.region"() ({
      %run_scoped3A = tpu.sem_alloc : memref<!tpu.dma_semaphore, #tpu.memory_space<semaphore_mem>>
      %dma_start3A = arith.constant 0 : i32
      %dma_start3A_22 = tpu.memref_slice %arg2[%mul3A_6, %dma_start3A] : memref<163840x16xf32, #tpu.memory_space<hbm>> -> memref<5120x16xf32, #tpu.memory_space<hbm>>
      %dma_start3A_23 = arith.constant 0 : i32
      %dma_start3A_24 = tpu.memref_slice %arg2[%mul3A_6, %dma_start3A_23] : memref<163840x16xf32, #tpu.memory_space<hbm>> -> memref<5120x16xf32, #tpu.memory_space<hbm>>
      tpu.enqueue_dma source(%dma_start3A_24 : memref<5120x16xf32, #tpu.memory_space<hbm>>) target(%arg7 : memref<5120x16xf32, #tpu.memory_space<vmem>>) target_semaphore(%run_scoped3A : memref<!tpu.dma_semaphore, #tpu.memory_space<semaphore_mem>>)
      %dma_wait3A_25 = arith.constant 0 : i32
      %dma_wait3A_26 = tpu.memref_slice %arg2[%mul3A_6, %dma_wait3A_25] : memref<163840x16xf32, #tpu.memory_space<hbm>> -> memref<5120x16xf32, #tpu.memory_space<hbm>>
      %dma_wait3A_27 = arith.constant 0 : i32
      %dma_wait3A_28 = tpu.memref_slice %arg2[%mul3A_6, %dma_wait3A_27] : memref<163840x16xf32, #tpu.memory_space<hbm>> -> memref<5120x16xf32, #tpu.memory_space<hbm>>
      tpu.wait_dma2 semaphore(%run_scoped3A : memref<!tpu.dma_semaphore, #tpu.memory_space<semaphore_mem>>) src(%dma_wait3A_28 : memref<5120x16xf32, #tpu.memory_space<hbm>>) dst(%arg7 : memref<5120x16xf32, #tpu.memory_space<vmem>>)
      tpu.yield
    }) : () -> ()
    %barrier3A = arith.constant 0 : index
    tpu.barrier barrier_id(%barrier3A)
    %scan3A = arith.constant 0 : i32
    %scan3A_7 = arith.constant 0 : i32
    %scan3A_8 = arith.constant 40 : i32
    %scan3A_9 = arith.addi %scan3A_7, %scan3A_8 : i32
    %scan3A_10 = arith.constant 1 : i32
    scf.for %scan3A_22 = %scan3A_7 to %scan3A_9 step %scan3A_10  : i32 {
      %mul3A_23 = arith.constant 128 : i32
      %mul3A_24 = arith.muli %scan3A_22, %mul3A_23 : i32
      %dma_start3A = arith.constant 0 : i32
      %dma_start3A_25 = tpu.memref_slice %arg7[%mul3A_24, %dma_start3A] : memref<5120x16xf32, #tpu.memory_space<vmem>> -> memref<128x16xf32, #tpu.memory_space<vmem>>
      %dma_start3A_26 = arith.constant 0 : i32
      %dma_start3A_27 = tpu.memref_slice %arg6[%scan3A_22, %dma_start3A_26] : memref<40x128xi32, #tpu.memory_space<vmem>> -> memref<1x128xi32, #tpu.memory_space<vmem>>
      %dma_start3A_28 = tpu.memref_squeeze %dma_start3A_27 : memref<1x128xi32, #tpu.memory_space<vmem>> -> memref<128xi32, #tpu.memory_space<vmem>>
      %dma_start3A_29 = arith.constant 0 : i32
      %dma_start3A_30 = arith.constant 0 : i32
      %dma_start3A_31 = tpu.memref_slice %arg8[%dma_start3A_29, %dma_start3A_30] : memref<10016x16xf32, #tpu.memory_space<vmem_shared>> -> memref<10016x16xf32, #tpu.memory_space<vmem_shared>>
      tpu.enqueue_indirect_dma source(%dma_start3A_25 : memref<128x16xf32, #tpu.memory_space<vmem>>) target(%dma_start3A_31 : memref<10016x16xf32, #tpu.memory_space<vmem_shared>>) offsets(%dma_start3A_28 : memref<128xi32, #tpu.memory_space<vmem>>) semaphore(%arg9 : memref<!tpu.dma_semaphore, #tpu.memory_space<semaphore_mem>>) {add = true}
    }
    %scan3A_11 = arith.constant 40 : i32
    %dma_wait3A = arith.constant 0 : i32
    %dma_wait3A_12 = arith.constant 0 : i32
    %dma_wait3A_13 = tpu.memref_slice %arg2[%dma_wait3A, %dma_wait3A_12] : memref<163840x16xf32, #tpu.memory_space<hbm>> -> memref<5120x16xf32, #tpu.memory_space<hbm>>
    %dma_wait3A_14 = arith.constant 0 : i32
    %dma_wait3A_15 = arith.constant 0 : i32
    %dma_wait3A_16 = tpu.memref_slice %arg2[%dma_wait3A_14, %dma_wait3A_15] : memref<163840x16xf32, #tpu.memory_space<hbm>> -> memref<5120x16xf32, #tpu.memory_space<hbm>>
    tpu.wait_dma2 semaphore(%arg9 : memref<!tpu.dma_semaphore, #tpu.memory_space<semaphore_mem>>) src(%dma_wait3A_16 : memref<5120x16xf32, #tpu.memory_space<hbm>>) dst(%arg7 : memref<5120x16xf32, #tpu.memory_space<vmem>>)
    %barrier3A_17 = arith.constant 0 : index
    tpu.barrier barrier_id(%barrier3A_17)
    %mul3A_18 = arith.constant 626 : i32
    %mul3A_19 = arith.muli %arg1, %mul3A_18 : i32
    %mul3A_20 = arith.constant 626 : i32
    %mul3A_21 = arith.muli %arg1, %mul3A_20 : i32
    "tpu.region"() ({
      %run_scoped3A = tpu.sem_alloc : memref<!tpu.dma_semaphore, #tpu.memory_space<semaphore_mem>>
      %dma_start3A = arith.constant 0 : i32
      %dma_start3A_22 = tpu.memref_slice %arg5[%arg0, %mul3A_21, %dma_start3A] : memref<2x10016x16xf32, #tpu.memory_space<hbm>> -> memref<1x626x16xf32, #tpu.memory_space<hbm>>
      %dma_start3A_23 = tpu.memref_squeeze %dma_start3A_22 : memref<1x626x16xf32, #tpu.memory_space<hbm>> -> memref<626x16xf32, #tpu.memory_space<hbm>>
      %dma_start3A_24 = arith.constant 0 : i32
      %dma_start3A_25 = tpu.memref_slice %arg8[%mul3A_19, %dma_start3A_24] : memref<10016x16xf32, #tpu.memory_space<vmem_shared>> -> memref<626x16xf32, #tpu.memory_space<vmem_shared>>
      tpu.enqueue_dma source(%dma_start3A_25 : memref<626x16xf32, #tpu.memory_space<vmem_shared>>) target(%dma_start3A_23 : memref<626x16xf32, #tpu.memory_space<hbm>>) target_semaphore(%run_scoped3A : memref<!tpu.dma_semaphore, #tpu.memory_space<semaphore_mem>>)
      %dma_wait3A_26 = arith.constant 0 : i32
      %dma_wait3A_27 = tpu.memref_slice %arg5[%arg0, %mul3A_21, %dma_wait3A_26] : memref<2x10016x16xf32, #tpu.memory_space<hbm>> -> memref<1x626x16xf32, #tpu.memory_space<hbm>>
      %dma_wait3A_28 = tpu.memref_squeeze %dma_wait3A_27 : memref<1x626x16xf32, #tpu.memory_space<hbm>> -> memref<626x16xf32, #tpu.memory_space<hbm>>
      %dma_wait3A_29 = arith.constant 0 : i32
      %dma_wait3A_30 = tpu.memref_slice %arg8[%mul3A_19, %dma_wait3A_29] : memref<10016x16xf32, #tpu.memory_space<vmem_shared>> -> memref<626x16xf32, #tpu.memory_space<vmem_shared>>
      tpu.wait_dma2 semaphore(%run_scoped3A : memref<!tpu.dma_semaphore, #tpu.memory_space<semaphore_mem>>) src(%dma_wait3A_30 : memref<626x16xf32, #tpu.memory_space<vmem_shared>>) dst(%dma_wait3A_28 : memref<626x16xf32, #tpu.memory_space<hbm>>)
      tpu.yield
    }) : () -> ()
    return
  }
}

#map = affine_map<(d0, d1) -> (0, 0)>
#map1 = affine_map<(d0, d1) -> (0, 0, 0)>
module attributes {stable_mosaic.version = 14 : i64} {
  func.func @k(%arg0: i32, %arg1: i32, %arg2: memref<10016x16xf32, #tpu.memory_space<hbm>>, %arg3: memref<32x40x128xi32, #tpu.memory_space<hbm>>, %arg4: memref<163840x16xf32, #tpu.memory_space<hbm>>, %arg5: memref<40x128xi32, #tpu.memory_space<vmem>>, %arg6: memref<5120x16xf32, #tpu.memory_space<vmem>>, %arg7: memref<!tpu.dma_semaphore, #tpu.memory_space<semaphore_mem>>) attributes {dimension_semantics = [#tpu.dimension_semantics<core_parallel>, #tpu.dimension_semantics<subcore_parallel>], iteration_bounds = array<i64: 2, 16>, scalar_prefetch = 0 : i64, scratch_operands = 3 : i64, tpu.core_type = #tpu.core_type<sc_vector_subcore>, window_params = [{transform_indices = #map}, {transform_indices = #map1}, {transform_indices = #map}]} {
    %mul3A = arith.constant 2 : i32
    %mul3A_0 = arith.muli %arg1, %mul3A : i32
    %add3A = arith.addi %mul3A_0, %arg0 : i32
    "tpu.region"() ({
      %run_scoped3A = tpu.sem_alloc : memref<!tpu.dma_semaphore, #tpu.memory_space<semaphore_mem>>
      %dma_start3A = arith.constant 0 : i32
      %dma_start3A_13 = arith.constant 0 : i32
      %dma_start3A_14 = tpu.memref_slice %arg3[%add3A, %dma_start3A, %dma_start3A_13] : memref<32x40x128xi32, #tpu.memory_space<hbm>> -> memref<1x40x128xi32, #tpu.memory_space<hbm>>
      %dma_start3A_15 = tpu.memref_squeeze %dma_start3A_14 : memref<1x40x128xi32, #tpu.memory_space<hbm>> -> memref<40x128xi32, #tpu.memory_space<hbm>>
      %dma_start3A_16 = arith.constant 0 : i32
      %dma_start3A_17 = arith.constant 0 : i32
      %dma_start3A_18 = tpu.memref_slice %arg3[%add3A, %dma_start3A_16, %dma_start3A_17] : memref<32x40x128xi32, #tpu.memory_space<hbm>> -> memref<1x40x128xi32, #tpu.memory_space<hbm>>
      %dma_start3A_19 = tpu.memref_squeeze %dma_start3A_18 : memref<1x40x128xi32, #tpu.memory_space<hbm>> -> memref<40x128xi32, #tpu.memory_space<hbm>>
      tpu.enqueue_dma source(%dma_start3A_19 : memref<40x128xi32, #tpu.memory_space<hbm>>) target(%arg5 : memref<40x128xi32, #tpu.memory_space<vmem>>) target_semaphore(%run_scoped3A : memref<!tpu.dma_semaphore, #tpu.memory_space<semaphore_mem>>)
      %dma_wait3A_20 = arith.constant 0 : i32
      %dma_wait3A_21 = arith.constant 0 : i32
      %dma_wait3A_22 = tpu.memref_slice %arg3[%add3A, %dma_wait3A_20, %dma_wait3A_21] : memref<32x40x128xi32, #tpu.memory_space<hbm>> -> memref<1x40x128xi32, #tpu.memory_space<hbm>>
      %dma_wait3A_23 = tpu.memref_squeeze %dma_wait3A_22 : memref<1x40x128xi32, #tpu.memory_space<hbm>> -> memref<40x128xi32, #tpu.memory_space<hbm>>
      %dma_wait3A_24 = arith.constant 0 : i32
      %dma_wait3A_25 = arith.constant 0 : i32
      %dma_wait3A_26 = tpu.memref_slice %arg3[%add3A, %dma_wait3A_24, %dma_wait3A_25] : memref<32x40x128xi32, #tpu.memory_space<hbm>> -> memref<1x40x128xi32, #tpu.memory_space<hbm>>
      %dma_wait3A_27 = tpu.memref_squeeze %dma_wait3A_26 : memref<1x40x128xi32, #tpu.memory_space<hbm>> -> memref<40x128xi32, #tpu.memory_space<hbm>>
      tpu.wait_dma2 semaphore(%run_scoped3A : memref<!tpu.dma_semaphore, #tpu.memory_space<semaphore_mem>>) src(%dma_wait3A_27 : memref<40x128xi32, #tpu.memory_space<hbm>>) dst(%arg5 : memref<40x128xi32, #tpu.memory_space<vmem>>)
      tpu.yield
    }) : () -> ()
    %scan3A = arith.constant 0 : i32
    %scan3A_1 = arith.constant 0 : i32
    %scan3A_2 = arith.constant 40 : i32
    %scan3A_3 = arith.addi %scan3A_1, %scan3A_2 : i32
    %scan3A_4 = arith.constant 1 : i32
    scf.for %scan3A_13 = %scan3A_1 to %scan3A_3 step %scan3A_4  : i32 {
      %mul3A_14 = arith.constant 128 : i32
      %mul3A_15 = arith.muli %scan3A_13, %mul3A_14 : i32
      %dma_start3A = arith.constant 0 : i32
      %dma_start3A_16 = tpu.memref_slice %arg6[%mul3A_15, %dma_start3A] : memref<5120x16xf32, #tpu.memory_space<vmem>> -> memref<128x16xf32, #tpu.memory_space<vmem>>
      %dma_start3A_17 = arith.constant 0 : i32
      %dma_start3A_18 = tpu.memref_slice %arg5[%scan3A_13, %dma_start3A_17] : memref<40x128xi32, #tpu.memory_space<vmem>> -> memref<1x128xi32, #tpu.memory_space<vmem>>
      %dma_start3A_19 = tpu.memref_squeeze %dma_start3A_18 : memref<1x128xi32, #tpu.memory_space<vmem>> -> memref<128xi32, #tpu.memory_space<vmem>>
      %dma_start3A_20 = arith.constant 0 : i32
      %dma_start3A_21 = arith.constant 0 : i32
      %dma_start3A_22 = tpu.memref_slice %arg2[%dma_start3A_20, %dma_start3A_21] : memref<10016x16xf32, #tpu.memory_space<hbm>> -> memref<10016x16xf32, #tpu.memory_space<hbm>>
      tpu.enqueue_indirect_dma source(%dma_start3A_22 : memref<10016x16xf32, #tpu.memory_space<hbm>>) target(%dma_start3A_16 : memref<128x16xf32, #tpu.memory_space<vmem>>) offsets(%dma_start3A_19 : memref<128xi32, #tpu.memory_space<vmem>>) semaphore(%arg7 : memref<!tpu.dma_semaphore, #tpu.memory_space<semaphore_mem>>)
    }
    %scan3A_5 = arith.constant 40 : i32
    %dma_wait3A = arith.constant 0 : i32
    %dma_wait3A_6 = arith.constant 0 : i32
    %dma_wait3A_7 = tpu.memref_slice %arg4[%dma_wait3A, %dma_wait3A_6] : memref<163840x16xf32, #tpu.memory_space<hbm>> -> memref<5120x16xf32, #tpu.memory_space<hbm>>
    %dma_wait3A_8 = arith.constant 0 : i32
    %dma_wait3A_9 = arith.constant 0 : i32
    %dma_wait3A_10 = tpu.memref_slice %arg4[%dma_wait3A_8, %dma_wait3A_9] : memref<163840x16xf32, #tpu.memory_space<hbm>> -> memref<5120x16xf32, #tpu.memory_space<hbm>>
    tpu.wait_dma2 semaphore(%arg7 : memref<!tpu.dma_semaphore, #tpu.memory_space<semaphore_mem>>) src(%dma_wait3A_10 : memref<5120x16xf32, #tpu.memory_space<hbm>>) dst(%arg6 : memref<5120x16xf32, #tpu.memory_space<vmem>>)
    %mul3A_11 = arith.constant 5120 : i32
    %mul3A_12 = arith.muli %add3A, %mul3A_11 : i32
    "tpu.region"() ({
      %run_scoped3A = tpu.sem_alloc : memref<!tpu.dma_semaphore, #tpu.memory_space<semaphore_mem>>
      %dma_start3A = arith.constant 0 : i32
      %dma_start3A_13 = tpu.memref_slice %arg4[%mul3A_12, %dma_start3A] : memref<163840x16xf32, #tpu.memory_space<hbm>> -> memref<5120x16xf32, #tpu.memory_space<hbm>>
      %dma_start3A_14 = arith.constant 0 : i32
      %dma_start3A_15 = tpu.memref_slice %arg4[%mul3A_12, %dma_start3A_14] : memref<163840x16xf32, #tpu.memory_space<hbm>> -> memref<5120x16xf32, #tpu.memory_space<hbm>>
      tpu.enqueue_dma source(%arg6 : memref<5120x16xf32, #tpu.memory_space<vmem>>) target(%dma_start3A_15 : memref<5120x16xf32, #tpu.memory_space<hbm>>) target_semaphore(%run_scoped3A : memref<!tpu.dma_semaphore, #tpu.memory_space<semaphore_mem>>)
      %dma_wait3A_16 = arith.constant 0 : i32
      %dma_wait3A_17 = tpu.memref_slice %arg4[%mul3A_12, %dma_wait3A_16] : memref<163840x16xf32, #tpu.memory_space<hbm>> -> memref<5120x16xf32, #tpu.memory_space<hbm>>
      %dma_wait3A_18 = arith.constant 0 : i32
      %dma_wait3A_19 = tpu.memref_slice %arg4[%mul3A_12, %dma_wait3A_18] : memref<163840x16xf32, #tpu.memory_space<hbm>> -> memref<5120x16xf32, #tpu.memory_space<hbm>>
      tpu.wait_dma2 semaphore(%run_scoped3A : memref<!tpu.dma_semaphore, #tpu.memory_space<semaphore_mem>>) src(%arg6 : memref<5120x16xf32, #tpu.memory_space<vmem>>) dst(%dma_wait3A_19 : memref<5120x16xf32, #tpu.memory_space<hbm>>)
      tpu.yield
    }) : () -> ()
    return
  }
}

#map = affine_map<(d0, d1) -> (0, 0)>
#map1 = affine_map<(d0, d1) -> (0, 0, 0)>
module attributes {stable_mosaic.version = 14 : i64} {
  func.func @k(%arg0: i32, %arg1: i32, %arg2: memref<163840x16xf32, #tpu.memory_space<hbm>>, %arg3: memref<32x40x128xi32, #tpu.memory_space<hbm>>, %arg4: memref<10016x16xf32, #tpu.memory_space<hbm>>, %arg5: memref<2x10016x16xf32, #tpu.memory_space<hbm>>, %arg6: memref<40x128xi32, #tpu.memory_space<vmem>>, %arg7: memref<5120x16xf32, #tpu.memory_space<vmem>>, %arg8: memref<10016x16xf32, #tpu.memory_space<vmem_shared>>, %arg9: memref<!tpu.dma_semaphore, #tpu.memory_space<semaphore_mem>>) attributes {dimension_semantics = [#tpu.dimension_semantics<core_parallel>, #tpu.dimension_semantics<subcore_parallel>], iteration_bounds = array<i64: 2, 16>, scalar_prefetch = 0 : i64, scratch_operands = 4 : i64, tpu.core_type = #tpu.core_type<sc_vector_subcore>, window_params = [{transform_indices = #map}, {transform_indices = #map1}, {transform_indices = #map}, {transform_indices = #map1}]} {
    %mul3A = arith.constant 2 : i32
    %mul3A_0 = arith.muli %arg1, %mul3A : i32
    %add3A = arith.addi %mul3A_0, %arg0 : i32
    %mul3A_1 = arith.constant 626 : i32
    %mul3A_2 = arith.muli %arg1, %mul3A_1 : i32
    %mul3A_3 = arith.constant 626 : i32
    %mul3A_4 = arith.muli %arg1, %mul3A_3 : i32
    "tpu.region"() ({
      %run_scoped3A = tpu.sem_alloc : memref<!tpu.dma_semaphore, #tpu.memory_space<semaphore_mem>>
      %dma_start3A = arith.constant 0 : i32
      %dma_start3A_22 = tpu.memref_slice %arg8[%mul3A_4, %dma_start3A] : memref<10016x16xf32, #tpu.memory_space<vmem_shared>> -> memref<626x16xf32, #tpu.memory_space<vmem_shared>>
      %dma_start3A_23 = arith.constant 0 : i32
      %dma_start3A_24 = tpu.memref_slice %arg4[%mul3A_2, %dma_start3A_23] : memref<10016x16xf32, #tpu.memory_space<hbm>> -> memref<626x16xf32, #tpu.memory_space<hbm>>
      tpu.enqueue_dma source(%dma_start3A_24 : memref<626x16xf32, #tpu.memory_space<hbm>>) target(%dma_start3A_22 : memref<626x16xf32, #tpu.memory_space<vmem_shared>>) target_semaphore(%run_scoped3A : memref<!tpu.dma_semaphore, #tpu.memory_space<semaphore_mem>>)
      %dma_wait3A_25 = arith.constant 0 : i32
      %dma_wait3A_26 = tpu.memref_slice %arg8[%mul3A_4, %dma_wait3A_25] : memref<10016x16xf32, #tpu.memory_space<vmem_shared>> -> memref<626x16xf32, #tpu.memory_space<vmem_shared>>
      %dma_wait3A_27 = arith.constant 0 : i32
      %dma_wait3A_28 = tpu.memref_slice %arg4[%mul3A_2, %dma_wait3A_27] : memref<10016x16xf32, #tpu.memory_space<hbm>> -> memref<626x16xf32, #tpu.memory_space<hbm>>
      tpu.wait_dma2 semaphore(%run_scoped3A : memref<!tpu.dma_semaphore, #tpu.memory_space<semaphore_mem>>) src(%dma_wait3A_28 : memref<626x16xf32, #tpu.memory_space<hbm>>) dst(%dma_wait3A_26 : memref<626x16xf32, #tpu.memory_space<vmem_shared>>)
      tpu.yield
    }) : () -> ()
    "tpu.region"() ({
      %run_scoped3A = tpu.sem_alloc : memref<!tpu.dma_semaphore, #tpu.memory_space<semaphore_mem>>
      %dma_start3A = arith.constant 0 : i32
      %dma_start3A_22 = arith.constant 0 : i32
      %dma_start3A_23 = tpu.memref_slice %arg3[%add3A, %dma_start3A, %dma_start3A_22] : memref<32x40x128xi32, #tpu.memory_space<hbm>> -> memref<1x40x128xi32, #tpu.memory_space<hbm>>
      %dma_start3A_24 = tpu.memref_squeeze %dma_start3A_23 : memref<1x40x128xi32, #tpu.memory_space<hbm>> -> memref<40x128xi32, #tpu.memory_space<hbm>>
      %dma_start3A_25 = arith.constant 0 : i32
      %dma_start3A_26 = arith.constant 0 : i32
      %dma_start3A_27 = tpu.memref_slice %arg3[%add3A, %dma_start3A_25, %dma_start3A_26] : memref<32x40x128xi32, #tpu.memory_space<hbm>> -> memref<1x40x128xi32, #tpu.memory_space<hbm>>
      %dma_start3A_28 = tpu.memref_squeeze %dma_start3A_27 : memref<1x40x128xi32, #tpu.memory_space<hbm>> -> memref<40x128xi32, #tpu.memory_space<hbm>>
      tpu.enqueue_dma source(%dma_start3A_28 : memref<40x128xi32, #tpu.memory_space<hbm>>) target(%arg6 : memref<40x128xi32, #tpu.memory_space<vmem>>) target_semaphore(%run_scoped3A : memref<!tpu.dma_semaphore, #tpu.memory_space<semaphore_mem>>)
      %dma_wait3A_29 = arith.constant 0 : i32
      %dma_wait3A_30 = arith.constant 0 : i32
      %dma_wait3A_31 = tpu.memref_slice %arg3[%add3A, %dma_wait3A_29, %dma_wait3A_30] : memref<32x40x128xi32, #tpu.memory_space<hbm>> -> memref<1x40x128xi32, #tpu.memory_space<hbm>>
      %dma_wait3A_32 = tpu.memref_squeeze %dma_wait3A_31 : memref<1x40x128xi32, #tpu.memory_space<hbm>> -> memref<40x128xi32, #tpu.memory_space<hbm>>
      %dma_wait3A_33 = arith.constant 0 : i32
      %dma_wait3A_34 = arith.constant 0 : i32
      %dma_wait3A_35 = tpu.memref_slice %arg3[%add3A, %dma_wait3A_33, %dma_wait3A_34] : memref<32x40x128xi32, #tpu.memory_space<hbm>> -> memref<1x40x128xi32, #tpu.memory_space<hbm>>
      %dma_wait3A_36 = tpu.memref_squeeze %dma_wait3A_35 : memref<1x40x128xi32, #tpu.memory_space<hbm>> -> memref<40x128xi32, #tpu.memory_space<hbm>>
      tpu.wait_dma2 semaphore(%run_scoped3A : memref<!tpu.dma_semaphore, #tpu.memory_space<semaphore_mem>>) src(%dma_wait3A_36 : memref<40x128xi32, #tpu.memory_space<hbm>>) dst(%arg6 : memref<40x128xi32, #tpu.memory_space<vmem>>)
      tpu.yield
    }) : () -> ()
    %mul3A_5 = arith.constant 5120 : i32
    %mul3A_6 = arith.muli %add3A, %mul3A_5 : i32
    "tpu.region"() ({
      %run_scoped3A = tpu.sem_alloc : memref<!tpu.dma_semaphore, #tpu.memory_space<semaphore_mem>>
      %dma_start3A = arith.constant 0 : i32
      %dma_start3A_22 = tpu.memref_slice %arg2[%mul3A_6, %dma_start3A] : memref<163840x16xf32, #tpu.memory_space<hbm>> -> memref<5120x16xf32, #tpu.memory_space<hbm>>
      %dma_start3A_23 = arith.constant 0 : i32
      %dma_start3A_24 = tpu.memref_slice %arg2[%mul3A_6, %dma_start3A_23] : memref<163840x16xf32, #tpu.memory_space<hbm>> -> memref<5120x16xf32, #tpu.memory_space<hbm>>
      tpu.enqueue_dma source(%dma_start3A_24 : memref<5120x16xf32, #tpu.memory_space<hbm>>) target(%arg7 : memref<5120x16xf32, #tpu.memory_space<vmem>>) target_semaphore(%run_scoped3A : memref<!tpu.dma_semaphore, #tpu.memory_space<semaphore_mem>>)
      %dma_wait3A_25 = arith.constant 0 : i32
      %dma_wait3A_26 = tpu.memref_slice %arg2[%mul3A_6, %dma_wait3A_25] : memref<163840x16xf32, #tpu.memory_space<hbm>> -> memref<5120x16xf32, #tpu.memory_space<hbm>>
      %dma_wait3A_27 = arith.constant 0 : i32
      %dma_wait3A_28 = tpu.memref_slice %arg2[%mul3A_6, %dma_wait3A_27] : memref<163840x16xf32, #tpu.memory_space<hbm>> -> memref<5120x16xf32, #tpu.memory_space<hbm>>
      tpu.wait_dma2 semaphore(%run_scoped3A : memref<!tpu.dma_semaphore, #tpu.memory_space<semaphore_mem>>) src(%dma_wait3A_28 : memref<5120x16xf32, #tpu.memory_space<hbm>>) dst(%arg7 : memref<5120x16xf32, #tpu.memory_space<vmem>>)
      tpu.yield
    }) : () -> ()
    %barrier3A = arith.constant 0 : index
    tpu.barrier barrier_id(%barrier3A)
    %scan3A = arith.constant 0 : i32
    %scan3A_7 = arith.constant 0 : i32
    %scan3A_8 = arith.constant 40 : i32
    %scan3A_9 = arith.addi %scan3A_7, %scan3A_8 : i32
    %scan3A_10 = arith.constant 1 : i32
    scf.for %scan3A_22 = %scan3A_7 to %scan3A_9 step %scan3A_10  : i32 {
      %mul3A_23 = arith.constant 128 : i32
      %mul3A_24 = arith.muli %scan3A_22, %mul3A_23 : i32
      %dma_start3A = arith.constant 0 : i32
      %dma_start3A_25 = tpu.memref_slice %arg7[%mul3A_24, %dma_start3A] : memref<5120x16xf32, #tpu.memory_space<vmem>> -> memref<128x16xf32, #tpu.memory_space<vmem>>
      %dma_start3A_26 = arith.constant 0 : i32
      %dma_start3A_27 = tpu.memref_slice %arg6[%scan3A_22, %dma_start3A_26] : memref<40x128xi32, #tpu.memory_space<vmem>> -> memref<1x128xi32, #tpu.memory_space<vmem>>
      %dma_start3A_28 = tpu.memref_squeeze %dma_start3A_27 : memref<1x128xi32, #tpu.memory_space<vmem>> -> memref<128xi32, #tpu.memory_space<vmem>>
      %dma_start3A_29 = arith.constant 0 : i32
      %dma_start3A_30 = arith.constant 0 : i32
      %dma_start3A_31 = tpu.memref_slice %arg8[%dma_start3A_29, %dma_start3A_30] : memref<10016x16xf32, #tpu.memory_space<vmem_shared>> -> memref<10016x16xf32, #tpu.memory_space<vmem_shared>>
      tpu.enqueue_indirect_dma source(%dma_start3A_25 : memref<128x16xf32, #tpu.memory_space<vmem>>) target(%dma_start3A_31 : memref<10016x16xf32, #tpu.memory_space<vmem_shared>>) offsets(%dma_start3A_28 : memref<128xi32, #tpu.memory_space<vmem>>) semaphore(%arg9 : memref<!tpu.dma_semaphore, #tpu.memory_space<semaphore_mem>>) {add = true}
    }
    %scan3A_11 = arith.constant 40 : i32
    %dma_wait3A = arith.constant 0 : i32
    %dma_wait3A_12 = arith.constant 0 : i32
    %dma_wait3A_13 = tpu.memref_slice %arg2[%dma_wait3A, %dma_wait3A_12] : memref<163840x16xf32, #tpu.memory_space<hbm>> -> memref<5120x16xf32, #tpu.memory_space<hbm>>
    %dma_wait3A_14 = arith.constant 0 : i32
    %dma_wait3A_15 = arith.constant 0 : i32
    %dma_wait3A_16 = tpu.memref_slice %arg2[%dma_wait3A_14, %dma_wait3A_15] : memref<163840x16xf32, #tpu.memory_space<hbm>> -> memref<5120x16xf32, #tpu.memory_space<hbm>>
    tpu.wait_dma2 semaphore(%arg9 : memref<!tpu.dma_semaphore, #tpu.memory_space<semaphore_mem>>) src(%dma_wait3A_16 : memref<5120x16xf32, #tpu.memory_space<hbm>>) dst(%arg7 : memref<5120x16xf32, #tpu.memory_space<vmem>>)
    %barrier3A_17 = arith.constant 0 : index
    tpu.barrier barrier_id(%barrier3A_17)
    %mul3A_18 = arith.constant 626 : i32
    %mul3A_19 = arith.muli %arg1, %mul3A_18 : i32
    %mul3A_20 = arith.constant 626 : i32
    %mul3A_21 = arith.muli %arg1, %mul3A_20 : i32
    "tpu.region"() ({
      %run_scoped3A = tpu.sem_alloc : memref<!tpu.dma_semaphore, #tpu.memory_space<semaphore_mem>>
      %dma_start3A = arith.constant 0 : i32
      %dma_start3A_22 = tpu.memref_slice %arg5[%arg0, %mul3A_21, %dma_start3A] : memref<2x10016x16xf32, #tpu.memory_space<hbm>> -> memref<1x626x16xf32, #tpu.memory_space<hbm>>
      %dma_start3A_23 = tpu.memref_squeeze %dma_start3A_22 : memref<1x626x16xf32, #tpu.memory_space<hbm>> -> memref<626x16xf32, #tpu.memory_space<hbm>>
      %dma_start3A_24 = arith.constant 0 : i32
      %dma_start3A_25 = tpu.memref_slice %arg8[%mul3A_19, %dma_start3A_24] : memref<10016x16xf32, #tpu.memory_space<vmem_shared>> -> memref<626x16xf32, #tpu.memory_space<vmem_shared>>
      tpu.enqueue_dma source(%dma_start3A_25 : memref<626x16xf32, #tpu.memory_space<vmem_shared>>) target(%dma_start3A_23 : memref<626x16xf32, #tpu.memory_space<hbm>>) target_semaphore(%run_scoped3A : memref<!tpu.dma_semaphore, #tpu.memory_space<semaphore_mem>>)
      %dma_wait3A_26 = arith.constant 0 : i32
      %dma_wait3A_27 = tpu.memref_slice %arg5[%arg0, %mul3A_21, %dma_wait3A_26] : memref<2x10016x16xf32, #tpu.memory_space<hbm>> -> memref<1x626x16xf32, #tpu.memory_space<hbm>>
      %dma_wait3A_28 = tpu.memref_squeeze %dma_wait3A_27 : memref<1x626x16xf32, #tpu.memory_space<hbm>> -> memref<626x16xf32, #tpu.memory_space<hbm>>
      %dma_wait3A_29 = arith.constant 0 : i32
      %dma_wait3A_30 = tpu.memref_slice %arg8[%mul3A_19, %dma_wait3A_29] : memref<10016x16xf32, #tpu.memory_space<vmem_shared>> -> memref<626x16xf32, #tpu.memory_space<vmem_shared>>
      tpu.wait_dma2 semaphore(%run_scoped3A : memref<!tpu.dma_semaphore, #tpu.memory_space<semaphore_mem>>) src(%dma_wait3A_30 : memref<626x16xf32, #tpu.memory_space<vmem_shared>>) dst(%dma_wait3A_28 : memref<626x16xf32, #tpu.memory_space<hbm>>)
      tpu.yield
    }) : () -> ()
    return
  }
}

module attributes {stable_mosaic.version = 14 : i64} {
  func.func @body(%arg0: memref<1252x1024xf32, #tpu.memory_space<vmem>>, %arg1: memref<1024x128xf32, #tpu.memory_space<vmem>>, %arg2: memref<1x128xf32, #tpu.memory_space<vmem>>, %arg3: memref<1252x128xf32, #tpu.memory_space<vmem>>) attributes {dimension_semantics = [], scalar_prefetch = 0 : i64, scratch_operands = 0 : i64, tpu.core_type = #tpu.core_type<tc>} {
    %get3A = arith.constant 0 : index
    %get3A_0 = arith.constant 0 : index
    %get3A_1 = vector.load %arg0[%get3A, %get3A_0] : memref<1252x1024xf32, #tpu.memory_space<vmem>>, vector<1252x1024xf32>
    %get3A_2 = arith.constant 0 : index
    %get3A_3 = arith.constant 0 : index
    %get3A_4 = vector.load %arg1[%get3A_2, %get3A_3] : memref<1024x128xf32, #tpu.memory_space<vmem>>, vector<1024x128xf32>
    %dot_general3A = arith.constant dense<0.000000e+00> : vector<1252x128xf32>
    %dot_general3A_5 = tpu.matmul %get3A_1, %get3A_4, %dot_general3A {dimension_numbers = #tpu.dot_dimension_numbers<[1], [0], [0], [1], [0, 0, 1, 1], [], []>, transpose_lhs_hint = false} : vector<1252x1024xf32>, vector<1024x128xf32>, vector<1252x128xf32> -> vector<1252x128xf32>
    %get3A_6 = arith.constant 0 : index
    %get3A_7 = arith.constant 0 : index
    %get3A_8 = vector.load %arg2[%get3A_6, %get3A_7] : memref<1x128xf32, #tpu.memory_space<vmem>>, vector<1x128xf32>
    %add3A = vector.broadcast %get3A_8 : vector<1x128xf32> to vector<1252x128xf32>
    %add3A_9 = arith.addf %dot_general3A_5, %add3A : vector<1252x128xf32>
    %max3A = arith.constant 0.000000e+00 : f32
    %max3A_10 = vector.broadcast %max3A : f32 to vector<1252x128xf32>
    %max3A_11 = arith.maximumf %add3A_9, %max3A_10 : vector<1252x128xf32>
    %swap3A = arith.constant 0 : index
    %swap3A_12 = arith.constant 0 : index
    %swap3A_13 = vector.load %arg3[%swap3A, %swap3A_12] : memref<1252x128xf32, #tpu.memory_space<vmem>>, vector<1252x128xf32>
    tpu.vector_store %arg3[%swap3A, %swap3A_12], %max3A_11 {strides = array<i32>} : memref<1252x128xf32, #tpu.memory_space<vmem>>, vector<1252x128xf32>,
    return
  }
}

module attributes {stable_mosaic.version = 14 : i64} {
  func.func @body(%arg0: i32, %arg1: memref<256x128xf32, #tpu.memory_space<vmem>>, %arg2: memref<6x2048xf32, #tpu.memory_space<vmem>>, %arg3: memref<6x64xf32, #tpu.memory_space<vmem>>, %arg4: memref<1x64xf32, #tpu.memory_space<vmem>>, %arg5: memref<64x256xf32, #tpu.memory_space<vmem>>, %arg6: memref<1x256xf32, #tpu.memory_space<vmem>>, %arg7: memref<16x256xbf16, #tpu.memory_space<vmem>>, %arg8: memref<256x16xbf16, #tpu.memory_space<vmem>>, %arg9: memref<256x128xf32, #tpu.memory_space<vmem>>) attributes {dimension_semantics = [#tpu.dimension_semantics<arbitrary>], iteration_bounds = array<i64: 80>, scalar_prefetch = 0 : i64, scratch_operands = 0 : i64, tpu.core_type = #tpu.core_type<tc>, window_params = [{transform_indices = @transform_0, window_bounds = array<i64: 256, 128>}, {transform_indices = @transform_1, window_bounds = array<i64: 6, 2048>}, {pipeline_mode = #tpu.pipeline_mode<synchronous>, transform_indices = @transform_2, window_bounds = array<i64: 6, 64>}, {pipeline_mode = #tpu.pipeline_mode<synchronous>, transform_indices = @transform_3, window_bounds = array<i64: 1, 64>}, {pipeline_mode = #tpu.pipeline_mode<synchronous>, transform_indices = @transform_4, window_bounds = array<i64: 64, 256>}, {pipeline_mode = #tpu.pipeline_mode<synchronous>, transform_indices = @transform_5, window_bounds = array<i64: 1, 256>}, {pipeline_mode = #tpu.pipeline_mode<synchronous>, transform_indices = @transform_6, window_bounds = array<i64: 16, 256>}, {pipeline_mode = #tpu.pipeline_mode<synchronous>, transform_indices = @transform_7, window_bounds = array<i64: 256, 16>}, {transform_indices = @transform_8, window_bounds = array<i64: 256, 128>}]} {
    %get3A = arith.constant 0 : index
    %get3A_0 = arith.constant 0 : index
    %get3A_1 = vector.load %arg1[%get3A, %get3A_0] : memref<256x128xf32, #tpu.memory_space<vmem>>, vector<256x128xf32>
    %convert_element_type3A = arith.truncf %get3A_1 : vector<256x128xf32> to vector<256x128xbf16>
    %get3A_2 = arith.constant 0 : index
    %get3A_3 = arith.constant 0 : index
    %get3A_4 = vector.load %arg2[%get3A_2, %get3A_3] : memref<6x2048xf32, #tpu.memory_space<vmem>>, vector<6x2048xf32>
    %get3A_5 = arith.constant 0 : index
    %get3A_6 = arith.constant 0 : index
    %get3A_7 = vector.load %arg3[%get3A_5, %get3A_6] : memref<6x64xf32, #tpu.memory_space<vmem>>, vector<6x64xf32>
    %dot_general3A = arith.constant dense<0.000000e+00> : vector<2048x64xf32>
    %dot_general3A_8 = tpu.matmul %get3A_4, %get3A_7, %dot_general3A {dimension_numbers = #tpu.dot_dimension_numbers<[0], [0], [1], [1], [0, 1, 1, 1], [], []>, transpose_lhs_hint = false} : vector<6x2048xf32>, vector<6x64xf32>, vector<2048x64xf32> -> vector<2048x64xf32>
    %get3A_9 = arith.constant 0 : index
    %get3A_10 = arith.constant 0 : index
    %get3A_11 = vector.load %arg4[%get3A_9, %get3A_10] : memref<1x64xf32, #tpu.memory_space<vmem>>, vector<1x64xf32>
    %add3A = vector.broadcast %get3A_11 : vector<1x64xf32> to vector<2048x64xf32>
    %add3A_12 = arith.addf %dot_general3A_8, %add3A : vector<2048x64xf32>
    %max3A = arith.constant 0.000000e+00 : f32
    %max3A_13 = vector.broadcast %max3A : f32 to vector<2048x64xf32>
    %max3A_14 = arith.maximumf %add3A_12, %max3A_13 : vector<2048x64xf32>
    %get3A_15 = arith.constant 0 : index
    %get3A_16 = arith.constant 0 : index
    %get3A_17 = vector.load %arg5[%get3A_15, %get3A_16] : memref<64x256xf32, #tpu.memory_space<vmem>>, vector<64x256xf32>
    %dot_general3A_18 = arith.constant dense<0.000000e+00> : vector<2048x256xf32>
    %dot_general3A_19 = tpu.matmul %max3A_14, %get3A_17, %dot_general3A_18 {dimension_numbers = #tpu.dot_dimension_numbers<[1], [0], [0], [1], [0, 0, 1, 1], [], []>, transpose_lhs_hint = false} : vector<2048x64xf32>, vector<64x256xf32>, vector<2048x256xf32> -> vector<2048x256xf32>
    %get3A_20 = arith.constant 0 : index
    %get3A_21 = arith.constant 0 : index
    %get3A_22 = vector.load %arg6[%get3A_20, %get3A_21] : memref<1x256xf32, #tpu.memory_space<vmem>>, vector<1x256xf32>
    %add3A_23 = vector.broadcast %get3A_22 : vector<1x256xf32> to vector<2048x256xf32>
    %add3A_24 = arith.addf %dot_general3A_19, %add3A_23 : vector<2048x256xf32>
    %convert_element_type3A_25 = arith.truncf %add3A_24 : vector<2048x256xf32> to vector<2048x256xbf16>
    %slice3A = vector.extract_strided_slice %convert_element_type3A {offsets = [0, 0], sizes = [256, 16], strides = [1, 1]} : vector<256x128xbf16> to vector<256x16xbf16>
    %get3A_26 = arith.constant 0 : index
    %get3A_27 = arith.constant 0 : index
    %get3A_28 = vector.load %arg7[%get3A_26, %get3A_27] : memref<16x256xbf16, #tpu.memory_space<vmem>>, vector<16x256xbf16>
    %dot_general3A_29 = arith.constant dense<0.000000e+00> : vector<256x256xf32>
    %dot_general3A_30 = tpu.matmul %slice3A, %get3A_28, %dot_general3A_29 {dimension_numbers = #tpu.dot_dimension_numbers<[1], [0], [0], [1], [0, 0, 1, 1], [], []>, transpose_lhs_hint = false} : vector<256x16xbf16>, vector<16x256xbf16>, vector<256x256xf32> -> vector<256x256xf32>
    %convert_element_type3A_31 = arith.truncf %dot_general3A_30 : vector<256x256xf32> to vector<256x256xbf16>
    %slice3A_32 = vector.extract_strided_slice %convert_element_type3A_25 {offsets = [0, 0], sizes = [256, 256], strides = [1, 1]} : vector<2048x256xbf16> to vector<256x256xbf16>
    %mul3A = arith.mulf %convert_element_type3A_31, %slice3A_32 : vector<256x256xbf16>
    %get3A_33 = arith.constant 0 : index
    %get3A_34 = arith.constant 0 : index
    %get3A_35 = vector.load %arg8[%get3A_33, %get3A_34] : memref<256x16xbf16, #tpu.memory_space<vmem>>, vector<256x16xbf16>
    %dot_general3A_36 = arith.constant dense<0.000000e+00> : vector<256x16xf32>
    %dot_general3A_37 = tpu.matmul %mul3A, %get3A_35, %dot_general3A_36 {dimension_numbers = #tpu.dot_dimension_numbers<[1], [0], [0], [1], [0, 0, 1, 1], [], []>, transpose_lhs_hint = false} : vector<256x256xbf16>, vector<256x16xbf16>, vector<256x16xf32> -> vector<256x16xf32>
    %slice3A_38 = vector.extract_strided_slice %convert_element_type3A {offsets = [0, 16], sizes = [256, 16], strides = [1, 1]} : vector<256x128xbf16> to vector<256x16xbf16>
    %get3A_39 = arith.constant 0 : index
    %get3A_40 = arith.constant 0 : index
    %get3A_41 = vector.load %arg7[%get3A_39, %get3A_40] : memref<16x256xbf16, #tpu.memory_space<vmem>>, vector<16x256xbf16>
    %dot_general3A_42 = arith.constant dense<0.000000e+00> : vector<256x256xf32>
    %dot_general3A_43 = tpu.matmul %slice3A_38, %get3A_41, %dot_general3A_42 {dimension_numbers = #tpu.dot_dimension_numbers<[1], [0], [0], [1], [0, 0, 1, 1], [], []>, transpose_lhs_hint = false} : vector<256x16xbf16>, vector<16x256xbf16>, vector<256x256xf32> -> vector<256x256xf32>
    %convert_element_type3A_44 = arith.truncf %dot_general3A_43 : vector<256x256xf32> to vector<256x256xbf16>
    %slice3A_45 = vector.extract_strided_slice %convert_element_type3A_25 {offsets = [256, 0], sizes = [256, 256], strides = [1, 1]} : vector<2048x256xbf16> to vector<256x256xbf16>
    %mul3A_46 = arith.mulf %convert_element_type3A_44, %slice3A_45 : vector<256x256xbf16>
    %get3A_47 = arith.constant 0 : index
    %get3A_48 = arith.constant 0 : index
    %get3A_49 = vector.load %arg8[%get3A_47, %get3A_48] : memref<256x16xbf16, #tpu.memory_space<vmem>>, vector<256x16xbf16>
    %dot_general3A_50 = arith.constant dense<0.000000e+00> : vector<256x16xf32>
    %dot_general3A_51 = tpu.matmul %mul3A_46, %get3A_49, %dot_general3A_50 {dimension_numbers = #tpu.dot_dimension_numbers<[1], [0], [0], [1], [0, 0, 1, 1], [], []>, transpose_lhs_hint = false} : vector<256x256xbf16>, vector<256x16xbf16>, vector<256x16xf32> -> vector<256x16xf32>
    %slice3A_52 = vector.extract_strided_slice %convert_element_type3A {offsets = [0, 32], sizes = [256, 16], strides = [1, 1]} : vector<256x128xbf16> to vector<256x16xbf16>
    %get3A_53 = arith.constant 0 : index
    %get3A_54 = arith.constant 0 : index
    %get3A_55 = vector.load %arg7[%get3A_53, %get3A_54] : memref<16x256xbf16, #tpu.memory_space<vmem>>, vector<16x256xbf16>
    %dot_general3A_56 = arith.constant dense<0.000000e+00> : vector<256x256xf32>
    %dot_general3A_57 = tpu.matmul %slice3A_52, %get3A_55, %dot_general3A_56 {dimension_numbers = #tpu.dot_dimension_numbers<[1], [0], [0], [1], [0, 0, 1, 1], [], []>, transpose_lhs_hint = false} : vector<256x16xbf16>, vector<16x256xbf16>, vector<256x256xf32> -> vector<256x256xf32>
    %convert_element_type3A_58 = arith.truncf %dot_general3A_57 : vector<256x256xf32> to vector<256x256xbf16>
    %slice3A_59 = vector.extract_strided_slice %convert_element_type3A_25 {offsets = [512, 0], sizes = [256, 256], strides = [1, 1]} : vector<2048x256xbf16> to vector<256x256xbf16>
    %mul3A_60 = arith.mulf %convert_element_type3A_58, %slice3A_59 : vector<256x256xbf16>
    %get3A_61 = arith.constant 0 : index
    %get3A_62 = arith.constant 0 : index
    %get3A_63 = vector.load %arg8[%get3A_61, %get3A_62] : memref<256x16xbf16, #tpu.memory_space<vmem>>, vector<256x16xbf16>
    %dot_general3A_64 = arith.constant dense<0.000000e+00> : vector<256x16xf32>
    %dot_general3A_65 = tpu.matmul %mul3A_60, %get3A_63, %dot_general3A_64 {dimension_numbers = #tpu.dot_dimension_numbers<[1], [0], [0], [1], [0, 0, 1, 1], [], []>, transpose_lhs_hint = false} : vector<256x256xbf16>, vector<256x16xbf16>, vector<256x16xf32> -> vector<256x16xf32>
    %slice3A_66 = vector.extract_strided_slice %convert_element_type3A {offsets = [0, 48], sizes = [256, 16], strides = [1, 1]} : vector<256x128xbf16> to vector<256x16xbf16>
    %get3A_67 = arith.constant 0 : index
    %get3A_68 = arith.constant 0 : index
    %get3A_69 = vector.load %arg7[%get3A_67, %get3A_68] : memref<16x256xbf16, #tpu.memory_space<vmem>>, vector<16x256xbf16>
    %dot_general3A_70 = arith.constant dense<0.000000e+00> : vector<256x256xf32>
    %dot_general3A_71 = tpu.matmul %slice3A_66, %get3A_69, %dot_general3A_70 {dimension_numbers = #tpu.dot_dimension_numbers<[1], [0], [0], [1], [0, 0, 1, 1], [], []>, transpose_lhs_hint = false} : vector<256x16xbf16>, vector<16x256xbf16>, vector<256x256xf32> -> vector<256x256xf32>
    %convert_element_type3A_72 = arith.truncf %dot_general3A_71 : vector<256x256xf32> to vector<256x256xbf16>
    %slice3A_73 = vector.extract_strided_slice %convert_element_type3A_25 {offsets = [768, 0], sizes = [256, 256], strides = [1, 1]} : vector<2048x256xbf16> to vector<256x256xbf16>
    %mul3A_74 = arith.mulf %convert_element_type3A_72, %slice3A_73 : vector<256x256xbf16>
    %get3A_75 = arith.constant 0 : index
    %get3A_76 = arith.constant 0 : index
    %get3A_77 = vector.load %arg8[%get3A_75, %get3A_76] : memref<256x16xbf16, #tpu.memory_space<vmem>>, vector<256x16xbf16>
    %dot_general3A_78 = arith.constant dense<0.000000e+00> : vector<256x16xf32>
    %dot_general3A_79 = tpu.matmul %mul3A_74, %get3A_77, %dot_general3A_78 {dimension_numbers = #tpu.dot_dimension_numbers<[1], [0], [0], [1], [0, 0, 1, 1], [], []>, transpose_lhs_hint = false} : vector<256x256xbf16>, vector<256x16xbf16>, vector<256x16xf32> -> vector<256x16xf32>
    %slice3A_80 = vector.extract_strided_slice %convert_element_type3A {offsets = [0, 64], sizes = [256, 16], strides = [1, 1]} : vector<256x128xbf16> to vector<256x16xbf16>
    %get3A_81 = arith.constant 0 : index
    %get3A_82 = arith.constant 0 : index
    %get3A_83 = vector.load %arg7[%get3A_81, %get3A_82] : memref<16x256xbf16, #tpu.memory_space<vmem>>, vector<16x256xbf16>
    %dot_general3A_84 = arith.constant dense<0.000000e+00> : vector<256x256xf32>
    %dot_general3A_85 = tpu.matmul %slice3A_80, %get3A_83, %dot_general3A_84 {dimension_numbers = #tpu.dot_dimension_numbers<[1], [0], [0], [1], [0, 0, 1, 1], [], []>, transpose_lhs_hint = false} : vector<256x16xbf16>, vector<16x256xbf16>, vector<256x256xf32> -> vector<256x256xf32>
    %convert_element_type3A_86 = arith.truncf %dot_general3A_85 : vector<256x256xf32> to vector<256x256xbf16>
    %slice3A_87 = vector.extract_strided_slice %convert_element_type3A_25 {offsets = [1024, 0], sizes = [256, 256], strides = [1, 1]} : vector<2048x256xbf16> to vector<256x256xbf16>
    %mul3A_88 = arith.mulf %convert_element_type3A_86, %slice3A_87 : vector<256x256xbf16>
    %get3A_89 = arith.constant 0 : index
    %get3A_90 = arith.constant 0 : index
    %get3A_91 = vector.load %arg8[%get3A_89, %get3A_90] : memref<256x16xbf16, #tpu.memory_space<vmem>>, vector<256x16xbf16>
    %dot_general3A_92 = arith.constant dense<0.000000e+00> : vector<256x16xf32>
    %dot_general3A_93 = tpu.matmul %mul3A_88, %get3A_91, %dot_general3A_92 {dimension_numbers = #tpu.dot_dimension_numbers<[1], [0], [0], [1], [0, 0, 1, 1], [], []>, transpose_lhs_hint = false} : vector<256x256xbf16>, vector<256x16xbf16>, vector<256x16xf32> -> vector<256x16xf32>
    %slice3A_94 = vector.extract_strided_slice %convert_element_type3A {offsets = [0, 80], sizes = [256, 16], strides = [1, 1]} : vector<256x128xbf16> to vector<256x16xbf16>
    %get3A_95 = arith.constant 0 : index
    %get3A_96 = arith.constant 0 : index
    %get3A_97 = vector.load %arg7[%get3A_95, %get3A_96] : memref<16x256xbf16, #tpu.memory_space<vmem>>, vector<16x256xbf16>
    %dot_general3A_98 = arith.constant dense<0.000000e+00> : vector<256x256xf32>
    %dot_general3A_99 = tpu.matmul %slice3A_94, %get3A_97, %dot_general3A_98 {dimension_numbers = #tpu.dot_dimension_numbers<[1], [0], [0], [1], [0, 0, 1, 1], [], []>, transpose_lhs_hint = false} : vector<256x16xbf16>, vector<16x256xbf16>, vector<256x256xf32> -> vector<256x256xf32>
    %convert_element_type3A_100 = arith.truncf %dot_general3A_99 : vector<256x256xf32> to vector<256x256xbf16>
    %slice3A_101 = vector.extract_strided_slice %convert_element_type3A_25 {offsets = [1280, 0], sizes = [256, 256], strides = [1, 1]} : vector<2048x256xbf16> to vector<256x256xbf16>
    %mul3A_102 = arith.mulf %convert_element_type3A_100, %slice3A_101 : vector<256x256xbf16>
    %get3A_103 = arith.constant 0 : index
    %get3A_104 = arith.constant 0 : index
    %get3A_105 = vector.load %arg8[%get3A_103, %get3A_104] : memref<256x16xbf16, #tpu.memory_space<vmem>>, vector<256x16xbf16>
    %dot_general3A_106 = arith.constant dense<0.000000e+00> : vector<256x16xf32>
    %dot_general3A_107 = tpu.matmul %mul3A_102, %get3A_105, %dot_general3A_106 {dimension_numbers = #tpu.dot_dimension_numbers<[1], [0], [0], [1], [0, 0, 1, 1], [], []>, transpose_lhs_hint = false} : vector<256x256xbf16>, vector<256x16xbf16>, vector<256x16xf32> -> vector<256x16xf32>
    %slice3A_108 = vector.extract_strided_slice %convert_element_type3A {offsets = [0, 96], sizes = [256, 16], strides = [1, 1]} : vector<256x128xbf16> to vector<256x16xbf16>
    %get3A_109 = arith.constant 0 : index
    %get3A_110 = arith.constant 0 : index
    %get3A_111 = vector.load %arg7[%get3A_109, %get3A_110] : memref<16x256xbf16, #tpu.memory_space<vmem>>, vector<16x256xbf16>
    %dot_general3A_112 = arith.constant dense<0.000000e+00> : vector<256x256xf32>
    %dot_general3A_113 = tpu.matmul %slice3A_108, %get3A_111, %dot_general3A_112 {dimension_numbers = #tpu.dot_dimension_numbers<[1], [0], [0], [1], [0, 0, 1, 1], [], []>, transpose_lhs_hint = false} : vector<256x16xbf16>, vector<16x256xbf16>, vector<256x256xf32> -> vector<256x256xf32>
    %convert_element_type3A_114 = arith.truncf %dot_general3A_113 : vector<256x256xf32> to vector<256x256xbf16>
    %slice3A_115 = vector.extract_strided_slice %convert_element_type3A_25 {offsets = [1536, 0], sizes = [256, 256], strides = [1, 1]} : vector<2048x256xbf16> to vector<256x256xbf16>
    %mul3A_116 = arith.mulf %convert_element_type3A_114, %slice3A_115 : vector<256x256xbf16>
    %get3A_117 = arith.constant 0 : index
    %get3A_118 = arith.constant 0 : index
    %get3A_119 = vector.load %arg8[%get3A_117, %get3A_118] : memref<256x16xbf16, #tpu.memory_space<vmem>>, vector<256x16xbf16>
    %dot_general3A_120 = arith.constant dense<0.000000e+00> : vector<256x16xf32>
    %dot_general3A_121 = tpu.matmul %mul3A_116, %get3A_119, %dot_general3A_120 {dimension_numbers = #tpu.dot_dimension_numbers<[1], [0], [0], [1], [0, 0, 1, 1], [], []>, transpose_lhs_hint = false} : vector<256x256xbf16>, vector<256x16xbf16>, vector<256x16xf32> -> vector<256x16xf32>
    %slice3A_122 = vector.extract_strided_slice %convert_element_type3A {offsets = [0, 112], sizes = [256, 16], strides = [1, 1]} : vector<256x128xbf16> to vector<256x16xbf16>
    %get3A_123 = arith.constant 0 : index
    %get3A_124 = arith.constant 0 : index
    %get3A_125 = vector.load %arg7[%get3A_123, %get3A_124] : memref<16x256xbf16, #tpu.memory_space<vmem>>, vector<16x256xbf16>
    %dot_general3A_126 = arith.constant dense<0.000000e+00> : vector<256x256xf32>
    %dot_general3A_127 = tpu.matmul %slice3A_122, %get3A_125, %dot_general3A_126 {dimension_numbers = #tpu.dot_dimension_numbers<[1], [0], [0], [1], [0, 0, 1, 1], [], []>, transpose_lhs_hint = false} : vector<256x16xbf16>, vector<16x256xbf16>, vector<256x256xf32> -> vector<256x256xf32>
    %convert_element_type3A_128 = arith.truncf %dot_general3A_127 : vector<256x256xf32> to vector<256x256xbf16>
    %slice3A_129 = vector.extract_strided_slice %convert_element_type3A_25 {offsets = [1792, 0], sizes = [256, 256], strides = [1, 1]} : vector<2048x256xbf16> to vector<256x256xbf16>
    %mul3A_130 = arith.mulf %convert_element_type3A_128, %slice3A_129 : vector<256x256xbf16>
    %get3A_131 = arith.constant 0 : index
    %get3A_132 = arith.constant 0 : index
    %get3A_133 = vector.load %arg8[%get3A_131, %get3A_132] : memref<256x16xbf16, #tpu.memory_space<vmem>>, vector<256x16xbf16>
    %dot_general3A_134 = arith.constant dense<0.000000e+00> : vector<256x16xf32>
    %dot_general3A_135 = tpu.matmul %mul3A_130, %get3A_133, %dot_general3A_134 {dimension_numbers = #tpu.dot_dimension_numbers<[1], [0], [0], [1], [0, 0, 1, 1], [], []>, transpose_lhs_hint = false} : vector<256x256xbf16>, vector<256x16xbf16>, vector<256x16xf32> -> vector<256x16xf32>
    %concatenate3A = tpu.concatenate %dot_general3A_37, %dot_general3A_51, %dot_general3A_65, %dot_general3A_79, %dot_general3A_93, %dot_general3A_107, %dot_general3A_121, %dot_general3A_135 in 1 : vector<256x16xf32>, vector<256x16xf32>, vector<256x16xf32>, vector<256x16xf32>, vector<256x16xf32>, vector<256x16xf32>, vector<256x16xf32>, vector<256x16xf32> -> vector<256x128xf32>
    %swap3A = arith.constant 0 : index
    %swap3A_136 = arith.constant 0 : index
    %swap3A_137 = vector.load %arg9[%swap3A, %swap3A_136] : memref<256x128xf32, #tpu.memory_space<vmem>>, vector<256x128xf32>
    tpu.vector_store %arg9[%swap3A, %swap3A_136], %concatenate3A {strides = array<i32>} : memref<256x128xf32, #tpu.memory_space<vmem>>, vector<256x128xf32>,
    return
  }
  func.func @transform_0(%arg0: i32) -> (i32, i32) {
    %c0_i32 = arith.constant 0 : i32
    %c0_i32_0 = arith.constant 0 : i32
    return %arg0, %c0_i32 : i32, i32
  }
  func.func @transform_1(%arg0: i32) -> (i32, i32) {
    %c0_i32 = arith.constant 0 : i32
    %c0_i32_0 = arith.constant 0 : i32
    return %c0_i32, %arg0 : i32, i32
  }
  func.func @transform_2(%arg0: i32) -> (i32, i32) {
    %c0_i32 = arith.constant 0 : i32
    %c0_i32_0 = arith.constant 0 : i32
    %c0_i32_1 = arith.constant 0 : i32
    return %c0_i32, %c0_i32_0 : i32, i32
  }
  func.func @transform_3(%arg0: i32) -> (i32, i32) {
    %c0_i32 = arith.constant 0 : i32
    %c0_i32_0 = arith.constant 0 : i32
    %c0_i32_1 = arith.constant 0 : i32
    return %c0_i32, %c0_i32_0 : i32, i32
  }
  func.func @transform_4(%arg0: i32) -> (i32, i32) {
    %c0_i32 = arith.constant 0 : i32
    %c0_i32_0 = arith.constant 0 : i32
    %c0_i32_1 = arith.constant 0 : i32
    return %c0_i32, %c0_i32_0 : i32, i32
  }
  func.func @transform_5(%arg0: i32) -> (i32, i32) {
    %c0_i32 = arith.constant 0 : i32
    %c0_i32_0 = arith.constant 0 : i32
    %c0_i32_1 = arith.constant 0 : i32
    return %c0_i32, %c0_i32_0 : i32, i32
  }
  func.func @transform_6(%arg0: i32) -> (i32, i32) {
    %c0_i32 = arith.constant 0 : i32
    %c0_i32_0 = arith.constant 0 : i32
    %c0_i32_1 = arith.constant 0 : i32
    return %c0_i32, %c0_i32_0 : i32, i32
  }
  func.func @transform_7(%arg0: i32) -> (i32, i32) {
    %c0_i32 = arith.constant 0 : i32
    %c0_i32_0 = arith.constant 0 : i32
    %c0_i32_1 = arith.constant 0 : i32
    return %c0_i32, %c0_i32_0 : i32, i32
  }
  func.func @transform_8(%arg0: i32) -> (i32, i32) {
    %c0_i32 = arith.constant 0 : i32
    %c0_i32_0 = arith.constant 0 : i32
    return %arg0, %c0_i32 : i32, i32
  }
}

module attributes {stable_mosaic.version = 14 : i64} {
  func.func @body(%arg0: memref<2x1252x128xf32, #tpu.memory_space<vmem>>, %arg1: memref<1252x128xf32, #tpu.memory_space<vmem>>, %arg2: memref<128x128xf32, #tpu.memory_space<vmem>>, %arg3: memref<1x128xf32, #tpu.memory_space<vmem>>, %arg4: memref<128x128xf32, #tpu.memory_space<vmem>>, %arg5: memref<128x128xf32, #tpu.memory_space<vmem>>, %arg6: memref<128x128xf32, #tpu.memory_space<vmem>>, %arg7: memref<128x128xf32, #tpu.memory_space<vmem>>, %arg8: memref<128x128xf32, #tpu.memory_space<vmem>>, %arg9: memref<128x128xf32, #tpu.memory_space<vmem>>, %arg10: memref<1x384xf32, #tpu.memory_space<vmem>>, %arg11: memref<1x384xf32, #tpu.memory_space<vmem>>, %arg12: memref<1252x128xf32, #tpu.memory_space<vmem>>) attributes {dimension_semantics = [], scalar_prefetch = 0 : i64, scratch_operands = 0 : i64, tpu.core_type = #tpu.core_type<tc>} {
    %get3A = arith.constant 0 : index
    %get3A_0 = arith.constant 0 : index
    %get3A_1 = vector.load %arg1[%get3A, %get3A_0] : memref<1252x128xf32, #tpu.memory_space<vmem>>, vector<1252x128xf32>
    %get3A_2 = arith.constant 0 : index
    %get3A_3 = arith.constant 0 : index
    %get3A_4 = arith.constant 0 : index
    %get3A_5 = vector.load %arg0[%get3A_2, %get3A_3, %get3A_4] : memref<2x1252x128xf32, #tpu.memory_space<vmem>>, vector<1x1252x128xf32>
    %get3A_6 = vector.shape_cast %get3A_5 : vector<1x1252x128xf32> to vector<1252x128xf32>
    %get3A_7 = arith.constant 1 : index
    %get3A_8 = arith.constant 0 : index
    %get3A_9 = arith.constant 0 : index
    %get3A_10 = vector.load %arg0[%get3A_7, %get3A_8, %get3A_9] : memref<2x1252x128xf32, #tpu.memory_space<vmem>>, vector<1x1252x128xf32>
    %get3A_11 = vector.shape_cast %get3A_10 : vector<1x1252x128xf32> to vector<1252x128xf32>
    %add3A = arith.addf %get3A_6, %get3A_11 : vector<1252x128xf32>
    %get3A_12 = arith.constant 0 : index
    %get3A_13 = arith.constant 0 : index
    %get3A_14 = vector.load %arg2[%get3A_12, %get3A_13] : memref<128x128xf32, #tpu.memory_space<vmem>>, vector<128x128xf32>
    %dot_general3A = arith.constant dense<0.000000e+00> : vector<1252x128xf32>
    %dot_general3A_15 = tpu.matmul %get3A_1, %get3A_14, %dot_general3A {dimension_numbers = #tpu.dot_dimension_numbers<[1], [0], [0], [1], [0, 0, 1, 1], [], []>, transpose_lhs_hint = false} : vector<1252x128xf32>, vector<128x128xf32>, vector<1252x128xf32> -> vector<1252x128xf32>
    %add3A_16 = arith.addf %add3A, %dot_general3A_15 : vector<1252x128xf32>
    %get3A_17 = arith.constant 0 : index
    %get3A_18 = arith.constant 0 : index
    %get3A_19 = vector.load %arg3[%get3A_17, %get3A_18] : memref<1x128xf32, #tpu.memory_space<vmem>>, vector<1x128xf32>
    %add3A_20 = vector.broadcast %get3A_19 : vector<1x128xf32> to vector<1252x128xf32>
    %add3A_21 = arith.addf %add3A_16, %add3A_20 : vector<1252x128xf32>
    %max3A = arith.constant 0.000000e+00 : f32
    %max3A_22 = vector.broadcast %max3A : f32 to vector<1252x128xf32>
    %max3A_23 = arith.maximumf %add3A_21, %max3A_22 : vector<1252x128xf32>
    %get3A_24 = arith.constant 0 : index
    %get3A_25 = arith.constant 0 : index
    %get3A_26 = vector.load %arg10[%get3A_24, %get3A_25] : memref<1x384xf32, #tpu.memory_space<vmem>>, vector<1x384xf32>
    %get3A_27 = arith.constant 0 : index
    %get3A_28 = arith.constant 0 : index
    %get3A_29 = vector.load %arg11[%get3A_27, %get3A_28] : memref<1x384xf32, #tpu.memory_space<vmem>>, vector<1x384xf32>
    %get3A_30 = arith.constant 0 : index
    %get3A_31 = arith.constant 0 : index
    %get3A_32 = vector.load %arg4[%get3A_30, %get3A_31] : memref<128x128xf32, #tpu.memory_space<vmem>>, vector<128x128xf32>
    %dot_general3A_33 = arith.constant dense<0.000000e+00> : vector<1252x128xf32>
    %dot_general3A_34 = tpu.matmul %max3A_23, %get3A_32, %dot_general3A_33 {dimension_numbers = #tpu.dot_dimension_numbers<[1], [0], [0], [1], [0, 0, 1, 1], [], []>, transpose_lhs_hint = false} : vector<1252x128xf32>, vector<128x128xf32>, vector<1252x128xf32> -> vector<1252x128xf32>
    %slice3A = vector.extract_strided_slice %get3A_26 {offsets = [0, 0], sizes = [1, 128], strides = [1, 1]} : vector<1x384xf32> to vector<1x128xf32>
    %add3A_35 = vector.broadcast %slice3A : vector<1x128xf32> to vector<1252x128xf32>
    %add3A_36 = arith.addf %dot_general3A_34, %add3A_35 : vector<1252x128xf32>
    %get3A_37 = arith.constant 0 : index
    %get3A_38 = arith.constant 0 : index
    %get3A_39 = vector.load %arg5[%get3A_37, %get3A_38] : memref<128x128xf32, #tpu.memory_space<vmem>>, vector<128x128xf32>
    %dot_general3A_40 = arith.constant dense<0.000000e+00> : vector<1252x128xf32>
    %dot_general3A_41 = tpu.matmul %max3A_23, %get3A_39, %dot_general3A_40 {dimension_numbers = #tpu.dot_dimension_numbers<[1], [0], [0], [1], [0, 0, 1, 1], [], []>, transpose_lhs_hint = false} : vector<1252x128xf32>, vector<128x128xf32>, vector<1252x128xf32> -> vector<1252x128xf32>
    %slice3A_42 = vector.extract_strided_slice %get3A_26 {offsets = [0, 128], sizes = [1, 128], strides = [1, 1]} : vector<1x384xf32> to vector<1x128xf32>
    %add3A_43 = vector.broadcast %slice3A_42 : vector<1x128xf32> to vector<1252x128xf32>
    %add3A_44 = arith.addf %dot_general3A_41, %add3A_43 : vector<1252x128xf32>
    %get3A_45 = arith.constant 0 : index
    %get3A_46 = arith.constant 0 : index
    %get3A_47 = vector.load %arg6[%get3A_45, %get3A_46] : memref<128x128xf32, #tpu.memory_space<vmem>>, vector<128x128xf32>
    %dot_general3A_48 = arith.constant dense<0.000000e+00> : vector<1252x128xf32>
    %dot_general3A_49 = tpu.matmul %max3A_23, %get3A_47, %dot_general3A_48 {dimension_numbers = #tpu.dot_dimension_numbers<[1], [0], [0], [1], [0, 0, 1, 1], [], []>, transpose_lhs_hint = false} : vector<1252x128xf32>, vector<128x128xf32>, vector<1252x128xf32> -> vector<1252x128xf32>
    %slice3A_50 = vector.extract_strided_slice %get3A_26 {offsets = [0, 256], sizes = [1, 128], strides = [1, 1]} : vector<1x384xf32> to vector<1x128xf32>
    %add3A_51 = vector.broadcast %slice3A_50 : vector<1x128xf32> to vector<1252x128xf32>
    %add3A_52 = arith.addf %dot_general3A_49, %add3A_51 : vector<1252x128xf32>
    %get3A_53 = arith.constant 0 : index
    %get3A_54 = arith.constant 0 : index
    %get3A_55 = vector.load %arg7[%get3A_53, %get3A_54] : memref<128x128xf32, #tpu.memory_space<vmem>>, vector<128x128xf32>
    %dot_general3A_56 = arith.constant dense<0.000000e+00> : vector<1252x128xf32>
    %dot_general3A_57 = tpu.matmul %get3A_1, %get3A_55, %dot_general3A_56 {dimension_numbers = #tpu.dot_dimension_numbers<[1], [0], [0], [1], [0, 0, 1, 1], [], []>, transpose_lhs_hint = false} : vector<1252x128xf32>, vector<128x128xf32>, vector<1252x128xf32> -> vector<1252x128xf32>
    %slice3A_58 = vector.extract_strided_slice %get3A_29 {offsets = [0, 0], sizes = [1, 128], strides = [1, 1]} : vector<1x384xf32> to vector<1x128xf32>
    %add3A_59 = vector.broadcast %slice3A_58 : vector<1x128xf32> to vector<1252x128xf32>
    %add3A_60 = arith.addf %dot_general3A_57, %add3A_59 : vector<1252x128xf32>
    %get3A_61 = arith.constant 0 : index
    %get3A_62 = arith.constant 0 : index
    %get3A_63 = vector.load %arg8[%get3A_61, %get3A_62] : memref<128x128xf32, #tpu.memory_space<vmem>>, vector<128x128xf32>
    %dot_general3A_64 = arith.constant dense<0.000000e+00> : vector<1252x128xf32>
    %dot_general3A_65 = tpu.matmul %get3A_1, %get3A_63, %dot_general3A_64 {dimension_numbers = #tpu.dot_dimension_numbers<[1], [0], [0], [1], [0, 0, 1, 1], [], []>, transpose_lhs_hint = false} : vector<1252x128xf32>, vector<128x128xf32>, vector<1252x128xf32> -> vector<1252x128xf32>
    %slice3A_66 = vector.extract_strided_slice %get3A_29 {offsets = [0, 128], sizes = [1, 128], strides = [1, 1]} : vector<1x384xf32> to vector<1x128xf32>
    %add3A_67 = vector.broadcast %slice3A_66 : vector<1x128xf32> to vector<1252x128xf32>
    %add3A_68 = arith.addf %dot_general3A_65, %add3A_67 : vector<1252x128xf32>
    %get3A_69 = arith.constant 0 : index
    %get3A_70 = arith.constant 0 : index
    %get3A_71 = vector.load %arg9[%get3A_69, %get3A_70] : memref<128x128xf32, #tpu.memory_space<vmem>>, vector<128x128xf32>
    %dot_general3A_72 = arith.constant dense<0.000000e+00> : vector<1252x128xf32>
    %dot_general3A_73 = tpu.matmul %get3A_1, %get3A_71, %dot_general3A_72 {dimension_numbers = #tpu.dot_dimension_numbers<[1], [0], [0], [1], [0, 0, 1, 1], [], []>, transpose_lhs_hint = false} : vector<1252x128xf32>, vector<128x128xf32>, vector<1252x128xf32> -> vector<1252x128xf32>
    %slice3A_74 = vector.extract_strided_slice %get3A_29 {offsets = [0, 256], sizes = [1, 128], strides = [1, 1]} : vector<1x384xf32> to vector<1x128xf32>
    %add3A_75 = vector.broadcast %slice3A_74 : vector<1x128xf32> to vector<1252x128xf32>
    %add3A_76 = arith.addf %dot_general3A_73, %add3A_75 : vector<1252x128xf32>
    %add3A_77 = arith.addf %add3A_36, %add3A_60 : vector<1252x128xf32>
    %logistic3A = arith.negf %add3A_77 : vector<1252x128xf32>
    %logistic3A_78 = math.exp %logistic3A : vector<1252x128xf32>
    %logistic3A_79 = arith.constant 1.000000e+00 : f32
    %logistic3A_80 = vector.broadcast %logistic3A_79 : f32 to vector<1252x128xf32>
    %logistic3A_81 = arith.addf %logistic3A_80, %logistic3A_78 : vector<1252x128xf32>
    %logistic3A_82 = arith.divf %logistic3A_80, %logistic3A_81 : vector<1252x128xf32>
    %add3A_83 = arith.addf %add3A_44, %add3A_68 : vector<1252x128xf32>
    %logistic3A_84 = arith.negf %add3A_83 : vector<1252x128xf32>
    %logistic3A_85 = math.exp %logistic3A_84 : vector<1252x128xf32>
    %logistic3A_86 = arith.constant 1.000000e+00 : f32
    %logistic3A_87 = vector.broadcast %logistic3A_86 : f32 to vector<1252x128xf32>
    %logistic3A_88 = arith.addf %logistic3A_87, %logistic3A_85 : vector<1252x128xf32>
    %logistic3A_89 = arith.divf %logistic3A_87, %logistic3A_88 : vector<1252x128xf32>
    %mul3A = arith.mulf %logistic3A_82, %add3A_76 : vector<1252x128xf32>
    %add3A_90 = arith.addf %add3A_52, %mul3A : vector<1252x128xf32>
    %tanh3A = math.tanh %add3A_90 : vector<1252x128xf32>
    %sub3A = arith.constant 1.000000e+00 : f32
    %sub3A_91 = vector.broadcast %sub3A : f32 to vector<1252x128xf32>
    %sub3A_92 = arith.subf %sub3A_91, %logistic3A_89 : vector<1252x128xf32>
    %mul3A_93 = arith.mulf %sub3A_92, %tanh3A : vector<1252x128xf32>
    %mul3A_94 = arith.mulf %logistic3A_89, %get3A_1 : vector<1252x128xf32>
    %add3A_95 = arith.addf %mul3A_93, %mul3A_94 : vector<1252x128xf32>
    %swap3A = arith.constant 0 : index
    %swap3A_96 = arith.constant 0 : index
    %swap3A_97 = vector.load %arg12[%swap3A, %swap3A_96] : memref<1252x128xf32, #tpu.memory_space<vmem>>, vector<1252x128xf32>
    tpu.vector_store %arg12[%swap3A, %swap3A_96], %add3A_95 {strides = array<i32>} : memref<1252x128xf32, #tpu.memory_space<vmem>>, vector<1252x128xf32>,
    return
  }
}

module attributes {stable_mosaic.version = 14 : i64} {
  func.func @body(%arg0: memref<10016x16xf32, #tpu.memory_space<vmem>>, %arg1: memref<10000x1xi32, #tpu.memory_space<vmem>>, %arg2: memref<64x1xf32, #tpu.memory_space<vmem>>, %arg3: memref<64x1xf32, #tpu.memory_space<vmem>>, %arg4: memref<32x64xf32, #tpu.memory_space<vmem>>, %arg5: memref<16x64xf32, #tpu.memory_space<vmem>>, %arg6: memref<1x64xf32, #tpu.memory_space<vmem>>, %arg7: memref<1x64xf32, #tpu.memory_space<vmem>>, %arg8: memref<34x16xf32, #tpu.memory_space<vmem>>, %arg9: memref<1x16xf32, #tpu.memory_space<vmem>>, %arg10: memref<16x64xf32, #tpu.memory_space<vmem>>, %arg11: memref<1x64xf32, #tpu.memory_space<vmem>>, %arg12: memref<64x1xf32, #tpu.memory_space<vmem>>, %arg13: memref<1x1xf32, #tpu.memory_space<vmem>>, %arg14: memref<64x1xf32, #tpu.memory_space<vmem>>) attributes {dimension_semantics = [], scalar_prefetch = 0 : i64, scratch_operands = 0 : i64, tpu.core_type = #tpu.core_type<tc>} {
    %get3A = arith.constant 0 : index
    %get3A_0 = arith.constant 0 : index
    %get3A_1 = vector.load %arg0[%get3A, %get3A_0] : memref<10016x16xf32, #tpu.memory_space<vmem>>, vector<10016x16xf32>
    %slice3A = vector.extract_strided_slice %get3A_1 {offsets = [0, 0], sizes = [10000, 16], strides = [1, 1]} : vector<10016x16xf32> to vector<10000x16xf32>
    %get3A_2 = arith.constant 0 : index
    %get3A_3 = arith.constant 0 : index
    %get3A_4 = vector.load %arg1[%get3A_2, %get3A_3] : memref<10000x1xi32, #tpu.memory_space<vmem>>, vector<10000x1xi32>
    %iota3A = tpu.iota {dimensions = array<i32: 1>} : vector<1x64xi32>
    %eq3A = vector.broadcast %get3A_4 : vector<10000x1xi32> to vector<10000x64xi32>
    %eq3A_5 = vector.broadcast %iota3A : vector<1x64xi32> to vector<10000x64xi32>
    %eq3A_6 = arith.cmpi eq, %eq3A, %eq3A_5 : vector<10000x64xi32>
    %broadcast_in_dim3A = arith.constant 0.000000e+00 : f32
    %broadcast_in_dim3A_7 = vector.broadcast %broadcast_in_dim3A : f32 to vector<64x32xf32>
    %broadcast_in_dim3A_8 = arith.constant 0.000000e+00 : f32
    %broadcast_in_dim3A_9 = vector.broadcast %broadcast_in_dim3A_8 : f32 to vector<64x16xf32>
    %broadcast_in_dim3A_10 = arith.constant 0.000000e+00 : f32
    %broadcast_in_dim3A_11 = vector.broadcast %broadcast_in_dim3A_10 : f32 to vector<64x16xf32>
    %get3A_12 = arith.constant 0 : index
    %get3A_13 = arith.constant 0 : index
    %get3A_14 = vector.load %arg4[%get3A_12, %get3A_13] : memref<32x64xf32, #tpu.memory_space<vmem>>, vector<32x64xf32>
    %dot_general3A = arith.constant dense<0.000000e+00> : vector<64x64xf32>
    %dot_general3A_15 = tpu.matmul %broadcast_in_dim3A_7, %get3A_14, %dot_general3A {dimension_numbers = #tpu.dot_dimension_numbers<[1], [0], [0], [1], [0, 0, 1, 1], [], []>, transpose_lhs_hint = false} : vector<64x32xf32>, vector<32x64xf32>, vector<64x64xf32> -> vector<64x64xf32>
    %get3A_16 = arith.constant 0 : index
    %get3A_17 = arith.constant 0 : index
    %get3A_18 = vector.load %arg6[%get3A_16, %get3A_17] : memref<1x64xf32, #tpu.memory_space<vmem>>, vector<1x64xf32>
    %add3A = vector.broadcast %get3A_18 : vector<1x64xf32> to vector<64x64xf32>
    %add3A_19 = arith.addf %dot_general3A_15, %add3A : vector<64x64xf32>
    %get3A_20 = arith.constant 0 : index
    %get3A_21 = arith.constant 0 : index
    %get3A_22 = vector.load %arg5[%get3A_20, %get3A_21] : memref<16x64xf32, #tpu.memory_space<vmem>>, vector<16x64xf32>
    %dot_general3A_23 = arith.constant dense<0.000000e+00> : vector<64x64xf32>
    %dot_general3A_24 = tpu.matmul %broadcast_in_dim3A_9, %get3A_22, %dot_general3A_23 {dimension_numbers = #tpu.dot_dimension_numbers<[1], [0], [0], [1], [0, 0, 1, 1], [], []>, transpose_lhs_hint = false} : vector<64x16xf32>, vector<16x64xf32>, vector<64x64xf32> -> vector<64x64xf32>
    %add3A_25 = arith.addf %add3A_19, %dot_general3A_24 : vector<64x64xf32>
    %get3A_26 = arith.constant 0 : index
    %get3A_27 = arith.constant 0 : index
    %get3A_28 = vector.load %arg7[%get3A_26, %get3A_27] : memref<1x64xf32, #tpu.memory_space<vmem>>, vector<1x64xf32>
    %add3A_29 = vector.broadcast %get3A_28 : vector<1x64xf32> to vector<64x64xf32>
    %add3A_30 = arith.addf %add3A_25, %add3A_29 : vector<64x64xf32>
    %slice3A_31 = vector.extract_strided_slice %add3A_30 {offsets = [0, 0], sizes = [64, 16], strides = [1, 1]} : vector<64x64xf32> to vector<64x16xf32>
    %logistic3A = arith.negf %slice3A_31 : vector<64x16xf32>
    %logistic3A_32 = math.exp %logistic3A : vector<64x16xf32>
    %logistic3A_33 = arith.constant 1.000000e+00 : f32
    %logistic3A_34 = vector.broadcast %logistic3A_33 : f32 to vector<64x16xf32>
    %logistic3A_35 = arith.addf %logistic3A_34, %logistic3A_32 : vector<64x16xf32>
    %logistic3A_36 = arith.divf %logistic3A_34, %logistic3A_35 : vector<64x16xf32>
    %slice3A_37 = vector.extract_strided_slice %add3A_30 {offsets = [0, 16], sizes = [64, 16], strides = [1, 1]} : vector<64x64xf32> to vector<64x16xf32>
    %logistic3A_38 = arith.negf %slice3A_37 : vector<64x16xf32>
    %logistic3A_39 = math.exp %logistic3A_38 : vector<64x16xf32>
    %logistic3A_40 = arith.constant 1.000000e+00 : f32
    %logistic3A_41 = vector.broadcast %logistic3A_40 : f32 to vector<64x16xf32>
    %logistic3A_42 = arith.addf %logistic3A_41, %logistic3A_39 : vector<64x16xf32>
    %logistic3A_43 = arith.divf %logistic3A_41, %logistic3A_42 : vector<64x16xf32>
    %slice3A_44 = vector.extract_strided_slice %add3A_30 {offsets = [0, 32], sizes = [64, 16], strides = [1, 1]} : vector<64x64xf32> to vector<64x16xf32>
    %tanh3A = math.tanh %slice3A_44 : vector<64x16xf32>
    %slice3A_45 = vector.extract_strided_slice %add3A_30 {offsets = [0, 48], sizes = [64, 16], strides = [1, 1]} : vector<64x64xf32> to vector<64x16xf32>
    %logistic3A_46 = arith.negf %slice3A_45 : vector<64x16xf32>
    %logistic3A_47 = math.exp %logistic3A_46 : vector<64x16xf32>
    %logistic3A_48 = arith.constant 1.000000e+00 : f32
    %logistic3A_49 = vector.broadcast %logistic3A_48 : f32 to vector<64x16xf32>
    %logistic3A_50 = arith.addf %logistic3A_49, %logistic3A_47 : vector<64x16xf32>
    %logistic3A_51 = arith.divf %logistic3A_49, %logistic3A_50 : vector<64x16xf32>
    %mul3A = arith.mulf %logistic3A_43, %broadcast_in_dim3A_11 : vector<64x16xf32>
    %mul3A_52 = arith.mulf %logistic3A_36, %tanh3A : vector<64x16xf32>
    %add3A_53 = arith.addf %mul3A, %mul3A_52 : vector<64x16xf32>
    %tanh3A_54 = math.tanh %add3A_53 : vector<64x16xf32>
    %mul3A_55 = arith.mulf %logistic3A_51, %tanh3A_54 : vector<64x16xf32>
    %convert_element_type3A = arith.extui %eq3A_6 : vector<10000x64xi1> to vector<10000x64xi32>
    %convert_element_type3A_56 = arith.sitofp %convert_element_type3A : vector<10000x64xi32> to vector<10000x64xf32>
    %dot_general3A_57 = arith.constant dense<0.000000e+00> : vector<10000x16xf32>
    %dot_general3A_58 = tpu.matmul %convert_element_type3A_56, %mul3A_55, %dot_general3A_57 {dimension_numbers = #tpu.dot_dimension_numbers<[1], [0], [0], [1], [0, 0, 1, 1], [], []>, transpose_lhs_hint = false} : vector<10000x64xf32>, vector<64x16xf32>, vector<10000x16xf32> -> vector<10000x16xf32>
    %mul3A_59 = arith.mulf %slice3A, %dot_general3A_58 : vector<10000x16xf32>
    %reduce_sum3A = arith.constant dense<0.000000e+00> : vector<10000xf32>
    %reduce_sum3A_60 = vector.multi_reduction <add>, %mul3A_59, %reduce_sum3A [1] : vector<10000x16xf32> to vector<10000xf32>
    %broadcast_in_dim3A_61 = vector.shape_cast %reduce_sum3A_60 : vector<10000xf32> to vector<10000x1xf32>
    %jit3A = arith.constant 0xFF800000 : f32
    %broadcast_in_dim3A_62 = vector.shape_cast %broadcast_in_dim3A_61 : vector<10000x1xf32> to vector<10000x1xf32>
    %broadcast_in_dim3A_63 = vector.broadcast %broadcast_in_dim3A_62 : vector<10000x1xf32> to vector<10000x64xf32>
    %broadcast_in_dim3A_64 = vector.broadcast %jit3A : f32 to vector<10000x64xf32>
    %select_n3A = arith.select %eq3A_6, %broadcast_in_dim3A_63, %broadcast_in_dim3A_64 : vector<10000x64xi1>, vector<10000x64xf32>
    %reduce_max3A = arith.constant dense<0xFF800000> : vector<64xf32>
    %reduce_max3A_65 = vector.multi_reduction <maximumf>, %select_n3A, %reduce_max3A [0] : vector<10000x64xf32> to vector<64xf32>
    %broadcast_in_dim3A_66 = vector.shape_cast %reduce_max3A_65 : vector<64xf32> to vector<1x64xf32>
    %sub3A = vector.broadcast %broadcast_in_dim3A_61 : vector<10000x1xf32> to vector<10000x64xf32>
    %sub3A_67 = vector.broadcast %broadcast_in_dim3A_66 : vector<1x64xf32> to vector<10000x64xf32>
    %sub3A_68 = arith.subf %sub3A, %sub3A_67 : vector<10000x64xf32>
    %exp3A = math.exp %sub3A_68 : vector<10000x64xf32>
    %jit3A_69 = arith.constant 0.000000e+00 : f32
    %broadcast_in_dim3A_70 = vector.broadcast %jit3A_69 : f32 to vector<10000x64xf32>
    %select_n3A_71 = arith.select %eq3A_6, %exp3A, %broadcast_in_dim3A_70 : vector<10000x64xi1>, vector<10000x64xf32>
    %reduce_sum3A_72 = arith.constant dense<0.000000e+00> : vector<64xf32>
    %reduce_sum3A_73 = vector.multi_reduction <add>, %select_n3A_71, %reduce_sum3A_72 [0] : vector<10000x64xf32> to vector<64xf32>
    %broadcast_in_dim3A_74 = vector.shape_cast %reduce_sum3A_73 : vector<64xf32> to vector<1x64xf32>
    %eq3A_75 = arith.constant 0.000000e+00 : f32
    %eq3A_76 = vector.broadcast %eq3A_75 : f32 to vector<1x64xf32>
    %eq3A_77 = arith.cmpf oeq, %broadcast_in_dim3A_74, %eq3A_76 : vector<1x64xf32>
    %jit3A_78 = arith.constant 1.000000e+00 : f32
    %broadcast_in_dim3A_79 = vector.broadcast %jit3A_78 : f32 to vector<1x64xf32>
    %select_n3A_80 = arith.select %eq3A_77, %broadcast_in_dim3A_79, %broadcast_in_dim3A_74 : vector<1x64xi1>, vector<1x64xf32>
    %div3A = vector.broadcast %select_n3A_80 : vector<1x64xf32> to vector<10000x64xf32>
    %div3A_81 = arith.divf %select_n3A_71, %div3A : vector<10000x64xf32>
    %dot_general3A_82 = arith.constant dense<0.000000e+00> : vector<64x16xf32>
    %dot_general3A_83 = tpu.matmul %div3A_81, %slice3A, %dot_general3A_82 {dimension_numbers = #tpu.dot_dimension_numbers<[0], [0], [1], [1], [0, 1, 1, 1], [], []>, transpose_lhs_hint = false} : vector<10000x64xf32>, vector<10000x16xf32>, vector<64x16xf32> -> vector<64x16xf32>
    %concatenate3A = tpu.concatenate %mul3A_55, %dot_general3A_83 in 1 : vector<64x16xf32>, vector<64x16xf32> -> vector<64x32xf32>
    %get3A_84 = arith.constant 0 : index
    %get3A_85 = arith.constant 0 : index
    %get3A_86 = vector.load %arg4[%get3A_84, %get3A_85] : memref<32x64xf32, #tpu.memory_space<vmem>>, vector<32x64xf32>
    %dot_general3A_87 = arith.constant dense<0.000000e+00> : vector<64x64xf32>
    %dot_general3A_88 = tpu.matmul %concatenate3A, %get3A_86, %dot_general3A_87 {dimension_numbers = #tpu.dot_dimension_numbers<[1], [0], [0], [1], [0, 0, 1, 1], [], []>, transpose_lhs_hint = false} : vector<64x32xf32>, vector<32x64xf32>, vector<64x64xf32> -> vector<64x64xf32>
    %get3A_89 = arith.constant 0 : index
    %get3A_90 = arith.constant 0 : index
    %get3A_91 = vector.load %arg6[%get3A_89, %get3A_90] : memref<1x64xf32, #tpu.memory_space<vmem>>, vector<1x64xf32>
    %add3A_92 = vector.broadcast %get3A_91 : vector<1x64xf32> to vector<64x64xf32>
    %add3A_93 = arith.addf %dot_general3A_88, %add3A_92 : vector<64x64xf32>
    %get3A_94 = arith.constant 0 : index
    %get3A_95 = arith.constant 0 : index
    %get3A_96 = vector.load %arg5[%get3A_94, %get3A_95] : memref<16x64xf32, #tpu.memory_space<vmem>>, vector<16x64xf32>
    %dot_general3A_97 = arith.constant dense<0.000000e+00> : vector<64x64xf32>
    %dot_general3A_98 = tpu.matmul %mul3A_55, %get3A_96, %dot_general3A_97 {dimension_numbers = #tpu.dot_dimension_numbers<[1], [0], [0], [1], [0, 0, 1, 1], [], []>, transpose_lhs_hint = false} : vector<64x16xf32>, vector<16x64xf32>, vector<64x64xf32> -> vector<64x64xf32>
    %add3A_99 = arith.addf %add3A_93, %dot_general3A_98 : vector<64x64xf32>
    %get3A_100 = arith.constant 0 : index
    %get3A_101 = arith.constant 0 : index
    %get3A_102 = vector.load %arg7[%get3A_100, %get3A_101] : memref<1x64xf32, #tpu.memory_space<vmem>>, vector<1x64xf32>
    %add3A_103 = vector.broadcast %get3A_102 : vector<1x64xf32> to vector<64x64xf32>
    %add3A_104 = arith.addf %add3A_99, %add3A_103 : vector<64x64xf32>
    %slice3A_105 = vector.extract_strided_slice %add3A_104 {offsets = [0, 0], sizes = [64, 16], strides = [1, 1]} : vector<64x64xf32> to vector<64x16xf32>
    %logistic3A_106 = arith.negf %slice3A_105 : vector<64x16xf32>
    %logistic3A_107 = math.exp %logistic3A_106 : vector<64x16xf32>
    %logistic3A_108 = arith.constant 1.000000e+00 : f32
    %logistic3A_109 = vector.broadcast %logistic3A_108 : f32 to vector<64x16xf32>
    %logistic3A_110 = arith.addf %logistic3A_109, %logistic3A_107 : vector<64x16xf32>
    %logistic3A_111 = arith.divf %logistic3A_109, %logistic3A_110 : vector<64x16xf32>
    %slice3A_112 = vector.extract_strided_slice %add3A_104 {offsets = [0, 16], sizes = [64, 16], strides = [1, 1]} : vector<64x64xf32> to vector<64x16xf32>
    %logistic3A_113 = arith.negf %slice3A_112 : vector<64x16xf32>
    %logistic3A_114 = math.exp %logistic3A_113 : vector<64x16xf32>
    %logistic3A_115 = arith.constant 1.000000e+00 : f32
    %logistic3A_116 = vector.broadcast %logistic3A_115 : f32 to vector<64x16xf32>
    %logistic3A_117 = arith.addf %logistic3A_116, %logistic3A_114 : vector<64x16xf32>
    %logistic3A_118 = arith.divf %logistic3A_116, %logistic3A_117 : vector<64x16xf32>
    %slice3A_119 = vector.extract_strided_slice %add3A_104 {offsets = [0, 32], sizes = [64, 16], strides = [1, 1]} : vector<64x64xf32> to vector<64x16xf32>
    %tanh3A_120 = math.tanh %slice3A_119 : vector<64x16xf32>
    %slice3A_121 = vector.extract_strided_slice %add3A_104 {offsets = [0, 48], sizes = [64, 16], strides = [1, 1]} : vector<64x64xf32> to vector<64x16xf32>
    %logistic3A_122 = arith.negf %slice3A_121 : vector<64x16xf32>
    %logistic3A_123 = math.exp %logistic3A_122 : vector<64x16xf32>
    %logistic3A_124 = arith.constant 1.000000e+00 : f32
    %logistic3A_125 = vector.broadcast %logistic3A_124 : f32 to vector<64x16xf32>
    %logistic3A_126 = arith.addf %logistic3A_125, %logistic3A_123 : vector<64x16xf32>
    %logistic3A_127 = arith.divf %logistic3A_125, %logistic3A_126 : vector<64x16xf32>
    %mul3A_128 = arith.mulf %logistic3A_118, %add3A_53 : vector<64x16xf32>
    %mul3A_129 = arith.mulf %logistic3A_111, %tanh3A_120 : vector<64x16xf32>
    %add3A_130 = arith.addf %mul3A_128, %mul3A_129 : vector<64x16xf32>
    %tanh3A_131 = math.tanh %add3A_130 : vector<64x16xf32>
    %mul3A_132 = arith.mulf %logistic3A_127, %tanh3A_131 : vector<64x16xf32>
    %convert_element_type3A_133 = arith.extui %eq3A_6 : vector<10000x64xi1> to vector<10000x64xi32>
    %convert_element_type3A_134 = arith.sitofp %convert_element_type3A_133 : vector<10000x64xi32> to vector<10000x64xf32>
    %dot_general3A_135 = arith.constant dense<0.000000e+00> : vector<10000x16xf32>
    %dot_general3A_136 = tpu.matmul %convert_element_type3A_134, %mul3A_132, %dot_general3A_135 {dimension_numbers = #tpu.dot_dimension_numbers<[1], [0], [0], [1], [0, 0, 1, 1], [], []>, transpose_lhs_hint = false} : vector<10000x64xf32>, vector<64x16xf32>, vector<10000x16xf32> -> vector<10000x16xf32>
    %mul3A_137 = arith.mulf %slice3A, %dot_general3A_136 : vector<10000x16xf32>
    %reduce_sum3A_138 = arith.constant dense<0.000000e+00> : vector<10000xf32>
    %reduce_sum3A_139 = vector.multi_reduction <add>, %mul3A_137, %reduce_sum3A_138 [1] : vector<10000x16xf32> to vector<10000xf32>
    %broadcast_in_dim3A_140 = vector.shape_cast %reduce_sum3A_139 : vector<10000xf32> to vector<10000x1xf32>
    %jit3A_141 = arith.constant 0xFF800000 : f32
    %broadcast_in_dim3A_142 = vector.shape_cast %broadcast_in_dim3A_140 : vector<10000x1xf32> to vector<10000x1xf32>
    %broadcast_in_dim3A_143 = vector.broadcast %broadcast_in_dim3A_142 : vector<10000x1xf32> to vector<10000x64xf32>
    %broadcast_in_dim3A_144 = vector.broadcast %jit3A_141 : f32 to vector<10000x64xf32>
    %select_n3A_145 = arith.select %eq3A_6, %broadcast_in_dim3A_143, %broadcast_in_dim3A_144 : vector<10000x64xi1>, vector<10000x64xf32>
    %reduce_max3A_146 = arith.constant dense<0xFF800000> : vector<64xf32>
    %reduce_max3A_147 = vector.multi_reduction <maximumf>, %select_n3A_145, %reduce_max3A_146 [0] : vector<10000x64xf32> to vector<64xf32>
    %broadcast_in_dim3A_148 = vector.shape_cast %reduce_max3A_147 : vector<64xf32> to vector<1x64xf32>
    %sub3A_149 = vector.broadcast %broadcast_in_dim3A_140 : vector<10000x1xf32> to vector<10000x64xf32>
    %sub3A_150 = vector.broadcast %broadcast_in_dim3A_148 : vector<1x64xf32> to vector<10000x64xf32>
    %sub3A_151 = arith.subf %sub3A_149, %sub3A_150 : vector<10000x64xf32>
    %exp3A_152 = math.exp %sub3A_151 : vector<10000x64xf32>
    %jit3A_153 = arith.constant 0.000000e+00 : f32
    %broadcast_in_dim3A_154 = vector.broadcast %jit3A_153 : f32 to vector<10000x64xf32>
    %select_n3A_155 = arith.select %eq3A_6, %exp3A_152, %broadcast_in_dim3A_154 : vector<10000x64xi1>, vector<10000x64xf32>
    %reduce_sum3A_156 = arith.constant dense<0.000000e+00> : vector<64xf32>
    %reduce_sum3A_157 = vector.multi_reduction <add>, %select_n3A_155, %reduce_sum3A_156 [0] : vector<10000x64xf32> to vector<64xf32>
    %broadcast_in_dim3A_158 = vector.shape_cast %reduce_sum3A_157 : vector<64xf32> to vector<1x64xf32>
    %eq3A_159 = arith.constant 0.000000e+00 : f32
    %eq3A_160 = vector.broadcast %eq3A_159 : f32 to vector<1x64xf32>
    %eq3A_161 = arith.cmpf oeq, %broadcast_in_dim3A_158, %eq3A_160 : vector<1x64xf32>
    %jit3A_162 = arith.constant 1.000000e+00 : f32
    %broadcast_in_dim3A_163 = vector.broadcast %jit3A_162 : f32 to vector<1x64xf32>
    %select_n3A_164 = arith.select %eq3A_161, %broadcast_in_dim3A_163, %broadcast_in_dim3A_158 : vector<1x64xi1>, vector<1x64xf32>
    %div3A_165 = vector.broadcast %select_n3A_164 : vector<1x64xf32> to vector<10000x64xf32>
    %div3A_166 = arith.divf %select_n3A_155, %div3A_165 : vector<10000x64xf32>
    %dot_general3A_167 = arith.constant dense<0.000000e+00> : vector<64x16xf32>
    %dot_general3A_168 = tpu.matmul %div3A_166, %slice3A, %dot_general3A_167 {dimension_numbers = #tpu.dot_dimension_numbers<[0], [0], [1], [1], [0, 1, 1, 1], [], []>, transpose_lhs_hint = false} : vector<10000x64xf32>, vector<10000x16xf32>, vector<64x16xf32> -> vector<64x16xf32>
    %concatenate3A_169 = tpu.concatenate %mul3A_132, %dot_general3A_168 in 1 : vector<64x16xf32>, vector<64x16xf32> -> vector<64x32xf32>
    %get3A_170 = arith.constant 0 : index
    %get3A_171 = arith.constant 0 : index
    %get3A_172 = vector.load %arg4[%get3A_170, %get3A_171] : memref<32x64xf32, #tpu.memory_space<vmem>>, vector<32x64xf32>
    %dot_general3A_173 = arith.constant dense<0.000000e+00> : vector<64x64xf32>
    %dot_general3A_174 = tpu.matmul %concatenate3A_169, %get3A_172, %dot_general3A_173 {dimension_numbers = #tpu.dot_dimension_numbers<[1], [0], [0], [1], [0, 0, 1, 1], [], []>, transpose_lhs_hint = false} : vector<64x32xf32>, vector<32x64xf32>, vector<64x64xf32> -> vector<64x64xf32>
    %get3A_175 = arith.constant 0 : index
    %get3A_176 = arith.constant 0 : index
    %get3A_177 = vector.load %arg6[%get3A_175, %get3A_176] : memref<1x64xf32, #tpu.memory_space<vmem>>, vector<1x64xf32>
    %add3A_178 = vector.broadcast %get3A_177 : vector<1x64xf32> to vector<64x64xf32>
    %add3A_179 = arith.addf %dot_general3A_174, %add3A_178 : vector<64x64xf32>
    %get3A_180 = arith.constant 0 : index
    %get3A_181 = arith.constant 0 : index
    %get3A_182 = vector.load %arg5[%get3A_180, %get3A_181] : memref<16x64xf32, #tpu.memory_space<vmem>>, vector<16x64xf32>
    %dot_general3A_183 = arith.constant dense<0.000000e+00> : vector<64x64xf32>
    %dot_general3A_184 = tpu.matmul %mul3A_132, %get3A_182, %dot_general3A_183 {dimension_numbers = #tpu.dot_dimension_numbers<[1], [0], [0], [1], [0, 0, 1, 1], [], []>, transpose_lhs_hint = false} : vector<64x16xf32>, vector<16x64xf32>, vector<64x64xf32> -> vector<64x64xf32>
    %add3A_185 = arith.addf %add3A_179, %dot_general3A_184 : vector<64x64xf32>
    %get3A_186 = arith.constant 0 : index
    %get3A_187 = arith.constant 0 : index
    %get3A_188 = vector.load %arg7[%get3A_186, %get3A_187] : memref<1x64xf32, #tpu.memory_space<vmem>>, vector<1x64xf32>
    %add3A_189 = vector.broadcast %get3A_188 : vector<1x64xf32> to vector<64x64xf32>
    %add3A_190 = arith.addf %add3A_185, %add3A_189 : vector<64x64xf32>
    %slice3A_191 = vector.extract_strided_slice %add3A_190 {offsets = [0, 0], sizes = [64, 16], strides = [1, 1]} : vector<64x64xf32> to vector<64x16xf32>
    %logistic3A_192 = arith.negf %slice3A_191 : vector<64x16xf32>
    %logistic3A_193 = math.exp %logistic3A_192 : vector<64x16xf32>
    %logistic3A_194 = arith.constant 1.000000e+00 : f32
    %logistic3A_195 = vector.broadcast %logistic3A_194 : f32 to vector<64x16xf32>
    %logistic3A_196 = arith.addf %logistic3A_195, %logistic3A_193 : vector<64x16xf32>
    %logistic3A_197 = arith.divf %logistic3A_195, %logistic3A_196 : vector<64x16xf32>
    %slice3A_198 = vector.extract_strided_slice %add3A_190 {offsets = [0, 16], sizes = [64, 16], strides = [1, 1]} : vector<64x64xf32> to vector<64x16xf32>
    %logistic3A_199 = arith.negf %slice3A_198 : vector<64x16xf32>
    %logistic3A_200 = math.exp %logistic3A_199 : vector<64x16xf32>
    %logistic3A_201 = arith.constant 1.000000e+00 : f32
    %logistic3A_202 = vector.broadcast %logistic3A_201 : f32 to vector<64x16xf32>
    %logistic3A_203 = arith.addf %logistic3A_202, %logistic3A_200 : vector<64x16xf32>
    %logistic3A_204 = arith.divf %logistic3A_202, %logistic3A_203 : vector<64x16xf32>
    %slice3A_205 = vector.extract_strided_slice %add3A_190 {offsets = [0, 32], sizes = [64, 16], strides = [1, 1]} : vector<64x64xf32> to vector<64x16xf32>
    %tanh3A_206 = math.tanh %slice3A_205 : vector<64x16xf32>
    %slice3A_207 = vector.extract_strided_slice %add3A_190 {offsets = [0, 48], sizes = [64, 16], strides = [1, 1]} : vector<64x64xf32> to vector<64x16xf32>
    %logistic3A_208 = arith.negf %slice3A_207 : vector<64x16xf32>
    %logistic3A_209 = math.exp %logistic3A_208 : vector<64x16xf32>
    %logistic3A_210 = arith.constant 1.000000e+00 : f32
    %logistic3A_211 = vector.broadcast %logistic3A_210 : f32 to vector<64x16xf32>
    %logistic3A_212 = arith.addf %logistic3A_211, %logistic3A_209 : vector<64x16xf32>
    %logistic3A_213 = arith.divf %logistic3A_211, %logistic3A_212 : vector<64x16xf32>
    %mul3A_214 = arith.mulf %logistic3A_204, %add3A_130 : vector<64x16xf32>
    %mul3A_215 = arith.mulf %logistic3A_197, %tanh3A_206 : vector<64x16xf32>
    %add3A_216 = arith.addf %mul3A_214, %mul3A_215 : vector<64x16xf32>
    %tanh3A_217 = math.tanh %add3A_216 : vector<64x16xf32>
    %mul3A_218 = arith.mulf %logistic3A_213, %tanh3A_217 : vector<64x16xf32>
    %convert_element_type3A_219 = arith.extui %eq3A_6 : vector<10000x64xi1> to vector<10000x64xi32>
    %convert_element_type3A_220 = arith.sitofp %convert_element_type3A_219 : vector<10000x64xi32> to vector<10000x64xf32>
    %dot_general3A_221 = arith.constant dense<0.000000e+00> : vector<10000x16xf32>
    %dot_general3A_222 = tpu.matmul %convert_element_type3A_220, %mul3A_218, %dot_general3A_221 {dimension_numbers = #tpu.dot_dimension_numbers<[1], [0], [0], [1], [0, 0, 1, 1], [], []>, transpose_lhs_hint = false} : vector<10000x64xf32>, vector<64x16xf32>, vector<10000x16xf32> -> vector<10000x16xf32>
    %mul3A_223 = arith.mulf %slice3A, %dot_general3A_222 : vector<10000x16xf32>
    %reduce_sum3A_224 = arith.constant dense<0.000000e+00> : vector<10000xf32>
    %reduce_sum3A_225 = vector.multi_reduction <add>, %mul3A_223, %reduce_sum3A_224 [1] : vector<10000x16xf32> to vector<10000xf32>
    %broadcast_in_dim3A_226 = vector.shape_cast %reduce_sum3A_225 : vector<10000xf32> to vector<10000x1xf32>
    %jit3A_227 = arith.constant 0xFF800000 : f32
    %broadcast_in_dim3A_228 = vector.shape_cast %broadcast_in_dim3A_226 : vector<10000x1xf32> to vector<10000x1xf32>
    %broadcast_in_dim3A_229 = vector.broadcast %broadcast_in_dim3A_228 : vector<10000x1xf32> to vector<10000x64xf32>
    %broadcast_in_dim3A_230 = vector.broadcast %jit3A_227 : f32 to vector<10000x64xf32>
    %select_n3A_231 = arith.select %eq3A_6, %broadcast_in_dim3A_229, %broadcast_in_dim3A_230 : vector<10000x64xi1>, vector<10000x64xf32>
    %reduce_max3A_232 = arith.constant dense<0xFF800000> : vector<64xf32>
    %reduce_max3A_233 = vector.multi_reduction <maximumf>, %select_n3A_231, %reduce_max3A_232 [0] : vector<10000x64xf32> to vector<64xf32>
    %broadcast_in_dim3A_234 = vector.shape_cast %reduce_max3A_233 : vector<64xf32> to vector<1x64xf32>
    %sub3A_235 = vector.broadcast %broadcast_in_dim3A_226 : vector<10000x1xf32> to vector<10000x64xf32>
    %sub3A_236 = vector.broadcast %broadcast_in_dim3A_234 : vector<1x64xf32> to vector<10000x64xf32>
    %sub3A_237 = arith.subf %sub3A_235, %sub3A_236 : vector<10000x64xf32>
    %exp3A_238 = math.exp %sub3A_237 : vector<10000x64xf32>
    %jit3A_239 = arith.constant 0.000000e+00 : f32
    %broadcast_in_dim3A_240 = vector.broadcast %jit3A_239 : f32 to vector<10000x64xf32>
    %select_n3A_241 = arith.select %eq3A_6, %exp3A_238, %broadcast_in_dim3A_240 : vector<10000x64xi1>, vector<10000x64xf32>
    %reduce_sum3A_242 = arith.constant dense<0.000000e+00> : vector<64xf32>
    %reduce_sum3A_243 = vector.multi_reduction <add>, %select_n3A_241, %reduce_sum3A_242 [0] : vector<10000x64xf32> to vector<64xf32>
    %broadcast_in_dim3A_244 = vector.shape_cast %reduce_sum3A_243 : vector<64xf32> to vector<1x64xf32>
    %eq3A_245 = arith.constant 0.000000e+00 : f32
    %eq3A_246 = vector.broadcast %eq3A_245 : f32 to vector<1x64xf32>
    %eq3A_247 = arith.cmpf oeq, %broadcast_in_dim3A_244, %eq3A_246 : vector<1x64xf32>
    %jit3A_248 = arith.constant 1.000000e+00 : f32
    %broadcast_in_dim3A_249 = vector.broadcast %jit3A_248 : f32 to vector<1x64xf32>
    %select_n3A_250 = arith.select %eq3A_247, %broadcast_in_dim3A_249, %broadcast_in_dim3A_244 : vector<1x64xi1>, vector<1x64xf32>
    %div3A_251 = vector.broadcast %select_n3A_250 : vector<1x64xf32> to vector<10000x64xf32>
    %div3A_252 = arith.divf %select_n3A_241, %div3A_251 : vector<10000x64xf32>
    %dot_general3A_253 = arith.constant dense<0.000000e+00> : vector<64x16xf32>
    %dot_general3A_254 = tpu.matmul %div3A_252, %slice3A, %dot_general3A_253 {dimension_numbers = #tpu.dot_dimension_numbers<[0], [0], [1], [1], [0, 1, 1, 1], [], []>, transpose_lhs_hint = false} : vector<10000x64xf32>, vector<10000x16xf32>, vector<64x16xf32> -> vector<64x16xf32>
    %concatenate3A_255 = tpu.concatenate %mul3A_218, %dot_general3A_254 in 1 : vector<64x16xf32>, vector<64x16xf32> -> vector<64x32xf32>
    %get3A_256 = arith.constant 0 : index
    %get3A_257 = arith.constant 0 : index
    %get3A_258 = vector.load %arg2[%get3A_256, %get3A_257] : memref<64x1xf32, #tpu.memory_space<vmem>>, vector<64x1xf32>
    %get3A_259 = arith.constant 0 : index
    %get3A_260 = arith.constant 0 : index
    %get3A_261 = vector.load %arg3[%get3A_259, %get3A_260] : memref<64x1xf32, #tpu.memory_space<vmem>>, vector<64x1xf32>
    %concatenate3A_262 = tpu.concatenate %concatenate3A_255, %get3A_258, %get3A_261 in 1 : vector<64x32xf32>, vector<64x1xf32>, vector<64x1xf32> -> vector<64x34xf32>
    %get3A_263 = arith.constant 0 : index
    %get3A_264 = arith.constant 0 : index
    %get3A_265 = vector.load %arg8[%get3A_263, %get3A_264] : memref<34x16xf32, #tpu.memory_space<vmem>>, vector<34x16xf32>
    %dot_general3A_266 = arith.constant dense<0.000000e+00> : vector<64x16xf32>
    %dot_general3A_267 = tpu.matmul %concatenate3A_262, %get3A_265, %dot_general3A_266 {dimension_numbers = #tpu.dot_dimension_numbers<[1], [0], [0], [1], [0, 0, 1, 1], [], []>, transpose_lhs_hint = false} : vector<64x34xf32>, vector<34x16xf32>, vector<64x16xf32> -> vector<64x16xf32>
    %get3A_268 = arith.constant 0 : index
    %get3A_269 = arith.constant 0 : index
    %get3A_270 = vector.load %arg9[%get3A_268, %get3A_269] : memref<1x16xf32, #tpu.memory_space<vmem>>, vector<1x16xf32>
    %add3A_271 = vector.broadcast %get3A_270 : vector<1x16xf32> to vector<64x16xf32>
    %add3A_272 = arith.addf %dot_general3A_267, %add3A_271 : vector<64x16xf32>
    %max3A = arith.constant 0.000000e+00 : f32
    %max3A_273 = vector.broadcast %max3A : f32 to vector<64x16xf32>
    %max3A_274 = arith.maximumf %add3A_272, %max3A_273 : vector<64x16xf32>
    %get3A_275 = arith.constant 0 : index
    %get3A_276 = arith.constant 0 : index
    %get3A_277 = vector.load %arg10[%get3A_275, %get3A_276] : memref<16x64xf32, #tpu.memory_space<vmem>>, vector<16x64xf32>
    %dot_general3A_278 = arith.constant dense<0.000000e+00> : vector<64x64xf32>
    %dot_general3A_279 = tpu.matmul %max3A_274, %get3A_277, %dot_general3A_278 {dimension_numbers = #tpu.dot_dimension_numbers<[1], [0], [0], [1], [0, 0, 1, 1], [], []>, transpose_lhs_hint = false} : vector<64x16xf32>, vector<16x64xf32>, vector<64x64xf32> -> vector<64x64xf32>
    %get3A_280 = arith.constant 0 : index
    %get3A_281 = arith.constant 0 : index
    %get3A_282 = vector.load %arg11[%get3A_280, %get3A_281] : memref<1x64xf32, #tpu.memory_space<vmem>>, vector<1x64xf32>
    %add3A_283 = vector.broadcast %get3A_282 : vector<1x64xf32> to vector<64x64xf32>
    %add3A_284 = arith.addf %dot_general3A_279, %add3A_283 : vector<64x64xf32>
    %max3A_285 = arith.constant 0.000000e+00 : f32
    %max3A_286 = vector.broadcast %max3A_285 : f32 to vector<64x64xf32>
    %max3A_287 = arith.maximumf %add3A_284, %max3A_286 : vector<64x64xf32>
    %get3A_288 = arith.constant 0 : index
    %get3A_289 = arith.constant 0 : index
    %get3A_290 = vector.load %arg12[%get3A_288, %get3A_289] : memref<64x1xf32, #tpu.memory_space<vmem>>, vector<64x1xf32>
    %dot_general3A_291 = arith.constant dense<0.000000e+00> : vector<64x1xf32>
    %dot_general3A_292 = tpu.matmul %max3A_287, %get3A_290, %dot_general3A_291 {dimension_numbers = #tpu.dot_dimension_numbers<[1], [0], [0], [1], [0, 0, 1, 1], [], []>, transpose_lhs_hint = false} : vector<64x64xf32>, vector<64x1xf32>, vector<64x1xf32> -> vector<64x1xf32>
    %get3A_293 = arith.constant 0 : index
    %get3A_294 = arith.constant 0 : index
    %get3A_295 = vector.load %arg13[%get3A_293, %get3A_294] : memref<1x1xf32, #tpu.memory_space<vmem>>, vector<1x1xf32>
    %add3A_296 = vector.broadcast %get3A_295 : vector<1x1xf32> to vector<64x1xf32>
    %add3A_297 = arith.addf %dot_general3A_292, %add3A_296 : vector<64x1xf32>
    %swap3A = arith.constant 0 : index
    %swap3A_298 = arith.constant 0 : index
    %swap3A_299 = vector.load %arg14[%swap3A, %swap3A_298] : memref<64x1xf32, #tpu.memory_space<vmem>>, vector<64x1xf32>
    tpu.vector_store %arg14[%swap3A, %swap3A_298], %add3A_297 {strides = array<i32>} : memref<64x1xf32, #tpu.memory_space<vmem>>, vector<64x1xf32>,
    return
  }
}

</mosaic_0001>

<sc_bundles>
// kernel: kernel.20.cloned.1.call-start
scs
__scs_entry_jumppad:
0x0: {  	(pc) =	sbr.rel $0x88, $3  }
0x1: {  	(tag) =	ssettag $0x0;
	lr =	simm.s32 $0x1  }
0x2: {  	[smem:$0x3F85] =	sst lr;
	_ =	strace $0xD0000000  }
0x3: {  	_ = 	snop  }
0x4: {  	_ = 	snop  }
0x5: {  	_ = 	snop  }
0x6: {  	_ = 	snop  }
0x7: {  	_ = 	snop  }
__scs_overlays_trampoline_lowered:
0x8: {  	[smem:$0x3F94] =	sst s0  }
0x9: {  	[smem:$0x3F95] =	sst s1  }
0xa: {  	[smem:$0x3F96] =	sst s2  }
0xb: {  	[smem:$0x3F97] =	sst s3  }
0xc: {  	[smem:$0x3F98] =	sst s4  }
0xd: {  	[smem:$0x3F99] =	sst s5  }
0xe: {  	[smem:$0x3F9A] =	sst s6  }
0xf: {  	[smem:$0x3F9B] =	sst s7  }
0x10: {  	[smem:$0x3F9C] =	sst s8  }
0x11: {  	[smem:$0x3F9D] =	sst s9;
	s0 =	simm.s32 @!p0 $0x0  }
0x12: {  	s1 =	sld [smem:$0x3F83];
	s0 =	simm.s32 @p0 $0x1  }
0x13: {  	[smem:$0x3F9E] =	sst s0;
	s0 =	simm.s32 @!p1 $0x0  }
0x14: {  	s2 =	sld [smem:$0x3F82];
	s0 =	simm.s32 @p1 $0x1  }
0x15: {  	[smem:$0x3F9F] =	sst s0;
	s0 =	simm.s32 @!p2 $0x0  }
0x16: {  	s3 =	sld [smem:$0x3FDB];
	s0 =	simm.s32 @p2 $0x1  }
0x17: {  	s4 =	simm.s32 $0x1BF5;
	[smem:$0x3FA1] =	sst s0  }
0x18: {  	s0 =	sld [smem:$0x3F84];
	_ =	swait.ge [sflag:s4], $0x0  }
0x19: {  	s7 =	sld [smem:$0x3F85]  }
0x1a: {  	s8 =	sadd.s32 $0xFFFFE003, lr  }
0x1b: {  	s9 =	sadd.s32 $0xFFFFFEF7, lr;
	s5 =	simm.s32 $0xFFFFFFFF;
	p2 =	slt.u32 s8, $0xFFFFF086  }
0x1c: {  	p1 =	slt.u32 s9, $0xF7A;
	s5 =	simm.s32 @!p2 $0x0  }
0x1d: {  	s5 =	simm.s32 @p1 $0x1;
	p0 =	seq.s32 s7, s2  }
0x1e: {  	s7 =	smul.u32 @!p0 $0xF7A, s2;
	p2 =	seq.s32 @!p0 s5, $0x0  }
0x1f: {  	s9 =	smul.u32 $0xF7A, s1;
	s8 =	simm.s32 @!p0 $0x1BF5;
	p2 =	por !p2, p0  }
0x20: {  	[sflag:s8] =	ssyncset.s32 @!p0 $0xFFFFF086;
	s6 =	sadd.s32 @!p0 s3, s7;
	s7 =	simm.s32 @!p0 $0x108  }
0x21: {  	s3 =	sadd.s32 s3, s9;
	s6 =	sadd.s32 @!p0 $0x88, s6;
	s7 =	simm.s32 @p2 $0x1082  }
0x22: {  	[simem:s7], [sflag:s8] =	dma.local @!p0 [hbm:s6], $0xF7A  }
0x23: {  	s9 =	sor.u32 $0xD0000000, s2;
	s6 =	simm.s32 $0x108;
	_ =	swait.ge @!p0 [sflag:s8], $0x0  }
0x24: {  	s3 =	sadd.s32 $0x88, s3;
	s6 =	simm.s32 @!p1 $0x1082;
	[sflag:s4] =	ssyncset.s32 $0xFFFFF086  }
0x25: {  	[simem:s6], [sflag:s4] =	dma.local [hbm:s3], $0xF7A  }
0x26: {  	[smem:$0x3F85] =	sst s1;
	(tag) =	ssettag s2;
	_ =	strace s9  }
0x27: {  	s1 =	sld [smem:$0x3F95]  }
0x28: {  	s2 =	sld [smem:$0x3F96]  }
0x29: {  	s4 =	sld [smem:$0x3F98]  }
0x2a: {  	p0 =	seq.s32 s5, $0x0;
	s5 =	sld [smem:$0x3F99]  }
0x2b: {  	s6 =	sld [smem:$0x3F9A]  }
0x2c: {  	s7 =	sld [smem:$0x3F9B]  }
0x2d: {  	s3 =	simm.s32 $0x108;
	s8 =	sld [smem:$0x3F9C]  }
0x2e: {  	s3 =	simm.s32 @!p0 $0x1082;
	s9 =	sld [smem:$0x3F9D]  }
0x2f: {  	lr =	sadd.s32 s0, s3;
	s0 =	sld [smem:$0x3F94]  }
0x30: {  	s3 =	sld [smem:$0x3F97]  }
0x31: {  	[smem:$0x3FA0] =	sst s10  }
0x32: {  	s10 =	sld [smem:$0x3F9E];
	_ =	sdelay $0x3  }
0x33: {  	p0 =	seq.s32 s10, $0x1;
	s10 =	sld [smem:$0x3FA0];
	_ =	sdelay $0x3  }
0x34: {  	[smem:$0x3FA0] =	sst s10  }
0x35: {  	s10 =	sld [smem:$0x3F9F];
	_ =	sdelay $0x3  }
0x36: {  	p1 =	seq.s32 s10, $0x1;
	s10 =	sld [smem:$0x3FA0];
	_ =	sdelay $0x3  }
0x37: {  	[smem:$0x3FA0] =	sst s10  }
0x38: {  	s10 =	sld [smem:$0x3FA1]  }
0x39: {  	_ = 	snop;
	(pc) =	sbr.ind lr, $3  }
0x3a: {  	_ = 	snop  }
0x3b: {  	_ = 	snop  }
0x3c: {  	p2 =	seq.s32 s10, $0x1;
	s10 =	sld [smem:$0x3FA0]  }
0x3d: {  	_ =	shalt  }
0x3e: {  	_ =	shalt  }
0x3f: {  	_ =	shalt  }
0x40: {  	_ =	shalt  }
0x41: {  	_ =	shalt  }
0x42: {  	_ =	shalt  }
0x43: {  	_ =	shalt  }
0x44: {  	_ =	shalt  }
0x45: {  	_ =	shalt  }
0x46: {  	_ =	shalt  }
0x47: {  	_ =	shalt  }
0x48: {  	_ =	shalt  }
0x49: {  	_ =	shalt  }
0x4a: {  	_ =	shalt  }
0x4b: {  	_ =	shalt  }
0x4c: {  	_ =	shalt  }
0x4d: {  	_ =	shalt  }
0x4e: {  	_ =	shalt  }
0x4f: {  	_ =	shalt  }
0x50: {  	_ =	shalt  }
0x51: {  	_ =	shalt  }
0x52: {  	_ =	shalt  }
0x53: {  	_ =	shalt  }
0x54: {  	_ =	shalt  }
0x55: {  	_ =	shalt  }
0x56: {  	_ =	shalt  }
0x57: {  	_ =	shalt  }
0x58: {  	_ =	shalt  }
0x59: {  	_ =	shalt  }
0x5a: {  	_ =	shalt  }
0x5b: {  	_ =	shalt  }
0x5c: {  	_ =	shalt  }
0x5d: {  	_ =	shalt  }
0x5e: {  	_ =	shalt  }
0x5f: {  	_ =	shalt  }
0x60: {  	_ =	shalt  }
0x61: {  	_ =	shalt  }
0x62: {  	_ =	shalt  }
0x63: {  	_ =	shalt  }
0x64: {  	_ =	shalt  }
0x65: {  	_ =	shalt  }
0x66: {  	_ =	shalt  }
0x67: {  	_ =	shalt  }
0x68: {  	_ =	shalt  }
0x69: {  	_ =	shalt  }
0x6a: {  	_ =	shalt  }
0x6b: {  	_ =	shalt  }
0x6c: {  	_ =	shalt  }
0x6d: {  	_ =	shalt  }
0x6e: {  	_ =	shalt  }
0x6f: {  	_ =	shalt  }
0x70: {  	_ =	shalt  }
0x71: {  	_ =	shalt  }
0x72: {  	_ =	shalt  }
0x73: {  	_ =	shalt  }
0x74: {  	_ =	shalt  }
0x75: {  	_ =	shalt  }
0x76: {  	_ =	shalt  }
0x77: {  	_ =	shalt  }
0x78: {  	_ =	shalt  }
0x79: {  	_ =	shalt  }
0x7a: {  	_ =	shalt  }
0x7b: {  	_ =	shalt  }
0x7c: {  	_ =	shalt  }
0x7d: {  	_ =	shalt  }
0x7e: {  	_ =	shalt  }
0x7f: {  	_ =	shalt  }
0x80: {  	_ =	shalt  }
0x81: {  	_ =	shalt  }
0x82: {  	_ =	shalt  }
0x83: {  	_ =	shalt  }
0x84: {  	_ =	shalt  }
0x85: {  	_ =	shalt  }
0x86: {  	_ =	shalt  }
0x87: {  	_ =	shalt  }
.Lfunc_end0:
.L_simem_size_0:
called_computation_lowered:
.L_overlay_start_0:
0x88: {  	s2 =	sld [smem:$0x3FD9]  }
0x89: {  	s3 =	sld [smem:$0x3FFE];
	_ =	sdelay $0x1  }
0x8a: {  	s1 =	srdreg.scid  }
0x8b: {  	s0 =	sand.u32 $0x1, s1  }
0x8c: {  	s16 =	sshll.u32 s0, $0xA;
	s2 =	sadd.s32 s3, s2  }
0x8d: {  	s2 =	sadd.s32 s2, s16  }
0x8e: {  	[smem:$0x3FAC] =	sst s2  }
0x8f: {  	_ = 	snop  }
0x90: {  	(tm) =	ssettm $0x1  }
0x91: {  	s17 =	sld [smem:$0x3FFB];
	_ =	sdelay $0x3  }
0x92: {  	_ =	strace s17  }
0x93: {  	s2 =	sld [smem:$0x3FFC];
	_ =	sdelay $0x3  }
0x94: {  	_ =	strace s2  }
0x95: {  	s2 =	sld [smem:$0x3FFD];
	_ =	sdelay $0x3  }
0x96: {  	_ =	strace s2  }
0x97: {  	_ =	strace $0x8FFFFFFF  }
0x98: {  	s18 =	sld [smem:$0x3FDB];
	_ =	sdelay $0x1  }
0x99: {  	s19 =	simm.s32 $_scs_section_size  }
0x9a: {  	s4 =	simm.s32 $_size__tile_overlayer_lowered;
	s5 =	simm.s32 $_tile_overlayer_lowered  }
0x9b: {  	s22 =	simm.s32 $0x1BFF;
	s21 =	sshll.u32 s5, $0x1;
	s2 =	sadd.s32 s19, s18  }
0x9c: {  	s6 =	simm.s32 $0x0;
	s20 =	sshll.u32 s4, $0x1;
	s4 =	sadd.s32 s21, s2  }
0x9d: {  	[timem:s6], [sflag:s22] =	dma.local [hbm:s4], s20  }
0x9e: {  	_ =	swait.ge [sflag:s22], s20  }
0x9f: {  	s3 =	ssub.s32 $0x0, s20;
	[sflag:s22] =	ssyncset.done $0x0  }
0xa0: {  	[sflag:s22] =	ssyncadd.s32 s3;
	_ =	sdelay $0x1  }
0xa1: {  	s23 =	simm.s32 $0x1B8B  }
0xa2: {  	_ =	swait.ge [sflag:s23], $0x1  }
0xa3: {  	[sflag:s23] =	ssyncset.done $0x0  }
0xa4: {  	s25 =	simm.s32 $0x1B8E;
	s24 =	sld [smem:$0x3FFE];
	[sflag:s23] =	ssyncadd.s32 $0xFFFFFFFF  }
0xa5: {  	s26 =	simm.s32 $execute0_lowered;
	[smem:$0x3FD2] =	sst s25  }
0xa6: {  	s4 =	sshll.u32 s26, $0x1;
	_ =	strace $0x80000046;
	[dreg:$0x1] =	wrdreg $0xFFFFFFFF  }
0xa7: {  	s28 =	simm.s32 $_size_execute0_lowered;
	s2 =	sadd.s32 s2, s4;
	[dreg:$0x0] =	wrdreg $0x0  }
0xa8: {  	s4 =	sshll.u32 s28, $0x1;
	[dreg:$0x2] =	wrdreg s2  }
0xa9: {  	[dreg:$0x3] =	wrdreg s4  }
0xaa: {  	[dreg:$0x4] =	wrdreg $0xC0  }
0xab: {  	_ =	task [dreg:s6], $0x5FFFF  }
0xac: {  	[dreg:$0x1] =	wrdreg $0xFFFFFFFF  }
0xad: {  	[dreg:$0x0] =	wrdreg $0x60  }
0xae: {  	[dreg:$0x2] =	wrdreg s24  }
0xaf: {  	[dreg:$0x3] =	wrdreg $0x9  }
0xb0: {  	_ =	task.clear_ibuf [dreg:s6], $0x4FFFF;
	_ =	strace $0x90000046  }
0xb1: {  	s29 =	simm.s32 $0x9;
	_ =	strace $0x80000048  }
0xb2: {  	_ =	swait.ge [sflag:s29], $0x1  }
0xb3: {  	[sflag:s29] =	ssyncadd.s32 $0xFFFFFFFF  }
0xb4: {  	_ =	strace $0x90000048  }
0xb5: {  	_ =	sfence  }
0xb6: {  	s30 =	sld [smem:$0x0];
	_ =	sdelay $0x2  }
0xb7: {  	s31 =	sshll.u32 s1, $0xD;
	s1 =	sshrl.u32 s1, $0x2  }
0xb8: {  	s3 =	sand.u32 $0x4000, s31;
	s1 =	sadd.s32 s1, s30  }
0xb9: {  	s0 =	sor.u32 s3, s0;
	s1 =	sshll.u32 s1, $0x11  }
0xba: {  	s0 =	sor.u32 s1, s0  }
0xbb: {  	s0 =	sadd.s32 $0x8F2B, s0  }
0xbc: {  	[sflag:s0] =	ssyncadd.remote.s32 $0x1  }
0xbd: {  	_ =	sfence.sel $0xFFFF  }
0xbe: {  	[dreg:$0x0] =	wrdreg $0xFFFFFFFF;
	(pc) =	sbr.abs _section_cstart, $3  }
0xbf: {  	[dreg:$0x1] =	wrdreg $0xFFFFFFFF  }
0xc0: {  	_ =	task.clear_ibuf [dreg:s6], $0x2FFFF;
	_ =	strace $0x9FFFFFFF  }
0xc1: {  	(tm) =	ssettm $0x7FFFFFFF  }
tec
execute0_lowered:
.L_overlay_start_1:
0x0: {  	(tag) =	ssettag $0x1  }
0x1: {  	s1 =	srdreg.scid;
	s0 =	stileid.u32  }
0x2: {  	s5 =	rddreg [dreg:$0x0];
	s2 =	simm.s32 $0x0;
	s8 =	simm.s32 $0x80  }
0x3: {  	s9 =	simm.s32 $0x1;
	s4 =	sand.u32 $0x1, s1;
	s30 =	sshll.u32 s0, $0x1  }
0x4: {  	s10 =	simm.s32 $0x1400;
	s1 =	rddreg [dreg:$0x1];
	s3 =	sor.u32 s4, s30  }
0x5: {  	s11 =	simm.s32 $0x0;
	[smem:$0x7FF] =	sst s2;
	s6 =	smul.u32 $0x280, s3  }
0x6: {  	_ =	strace $0x80000047;
	s4 =	ssub.s32 $0x2, s4;
	s7 =	smul.u32 $0x2800, s3  }
0x7: {  	s3 =	sadd.s32 $0xBC00, s5;
	s31 =	sshrl.u32 s4, $0x1;
	s6 =	sadd.s32 s6, s5  }
0x8: {  	s5 =	sadd.s32 s7, s5;
	s7 =	ssub.s32 s4, s31;
	s4 =	sadd.s32 $0x6C00, s6  }
0x9: {  	s5 =	sadd.s32 $0x10C00, s5;
	s6 =	smax.u32 s7, $0x1;
	s7 =	simm.s32 $0x2  }
.LBB2_1:
0xa: {  	[tilespmem:s2], [sflag:$0x2] =	stream.linear.gather [hbm4b:s4+s2], $0x1400, $0x38;
	[tilespmem:$0x15400] =	vst v63  }
0xb: {  	_ =	swait.ge [sflag:s7], $0x1400  }
0xc: {  	s12 =	simm.s32 $0x200;
	s15 =	simm.s32 $0x0;
	[sflag:s7] =	ssyncset.done $0x0  }
0xd: {  	s13 =	simm.s32 $0x1C00;
	s14 =	simm.s32 $0x1400;
	[sflag:s7] =	ssyncadd.s32 $0xFFFFEC00  }
.LBB2_2:
0xe: {  	[tilespmem:s14], [sflag:$0x1] =	stream.indirect.gather [hbm4b:s3+s8], $0x10, s15, s8, $0xb8;
	[tilespmem:$0x15400] =	vst v63  }
0xf: {  	s15 =	smov.u32 s12;
	s14 =	smov.u32 s13;
	p0 =	sne.s32 s12, $0x4E00  }
.Ltmp0:
0x10: {  	s12 =	sadd.s32 $0x200, s12;
	(pc) =	sbr.rel @p0 .LBB2_2-.Ltmp0, $2  }
0x11: {  	_ =	sdelay $0x2  }
0x12: {  	s13 =	sadd.s32 $0x800, s13;
	s15 =	sshra.s32 s15, $0x2  }
0x13: {  	[tilespmem:s14], [sflag:$0x1] =	stream.indirect.gather [hbm4b:s3+s8], $0x10, s15, s8, $0xb8;
	[tilespmem:$0x15400] =	vst v63  }
0x14: {  	s11 =	sadd.s32 $0x1, s11;
	_ =	swait.ge [sflag:s9], $0x14000  }
0x15: {  	p0 =	sne.s32 s11, s6;
	[sflag:s9] =	ssyncset.done $0x0  }
.Ltmp1:
0x16: {  	[sflag:s9] =	ssyncadd.s32 $0xFFFEC000;
	(pc) =	sbr.rel @p0 .LBB2_1-.Ltmp1, $4  }
0x17: {  	[hbm4b:s5+s2] =	stream.linear.scatter [tilespmem:s10], [sflag:$0x2], $0x14000, $0x38;
	[tilespmem:$0x15400] =	vst v63  }
0x18: {  	_ =	swait.ge [sflag:s7], $0x14000  }
0x19: {  	[sflag:s7] =	ssyncset.done $0x0  }
0x1a: {  	[sflag:s7] =	ssyncadd.s32 $0xFFFEC000  }
0x1b: {  	_ =	sfence.sel $0x180000  }
0x1c: {  	[bflag:$0x0] =	sbarrier.arrive $0xFFFF  }
0x1d: {  	p0 =	sne.s32 s0, $0x0;
	_ =	strace $0x90000047  }
0x1e: {  	s0 =	sadd.s32 @!p0 $0x100000, s1;
	[bflag:$0x2] =	sbarrier.arrive $0xFFFF  }
0x1f: {  	[sflag:s0] =	ssyncadd.tile.s32 @!p0 $0x1;
	_ =	shalt  }
.Lfunc_end2:
_tile_overlayer_lowered:
.L_overlay_start_2:
0x20: {  	(tag) =	ssettag $0x2  }
0x21: {  	s0 =	rddreg [dreg:$0x0];
	s2 =	stileid.u32  }
0x22: {  	s1 =	rddreg [dreg:$0x1];
	p0 =	sne.s32 s2, $0x0  }
0x23: {  	s3 =	rddreg [dreg:$0x2];
	[bflag:$0x3] =	sbarrier.arrive $0xFFFF;
	s2 =	simm.s32 @!p0 $0x1C02  }
0x24: {  	[timem:s3], [sflag:s2] =	dma.local @!p0 [hbm:s0], s1  }
0x25: {  	s0 =	simm.s32 @!p0 $0x2  }
0x26: {  	_ =	swait.ge @!p0 [sflag:s0], s1  }
0x27: {  	s1 =	ssub.s32 @!p0 $0x0, s1;
	[sflag:s0] =	ssyncset.done @!p0 $0x0  }
0x28: {  	[sflag:s0] =	ssyncadd.s32 @!p0 s1  }
0x29: {  	[bflag:$0x3] =	sbarrier.arrive $0xFFFF  }
0x2a: {  	_ =	shalt  }

// kernel: kernel.23.cloned.1.call-start
scs
__scs_entry_jumppad:
0x0: {  	(pc) =	sbr.rel $0x88, $3  }
0x1: {  	(tag) =	ssettag $0x0;
	lr =	simm.s32 $0x1  }
0x2: {  	[smem:$0x3F85] =	sst lr;
	_ =	strace $0xD0000000  }
0x3: {  	_ = 	snop  }
0x4: {  	_ = 	snop  }
0x5: {  	_ = 	snop  }
0x6: {  	_ = 	snop  }
0x7: {  	_ = 	snop  }
__scs_overlays_trampoline_lowered:
0x8: {  	[smem:$0x3F94] =	sst s0  }
0x9: {  	[smem:$0x3F95] =	sst s1  }
0xa: {  	[smem:$0x3F96] =	sst s2  }
0xb: {  	[smem:$0x3F97] =	sst s3  }
0xc: {  	[smem:$0x3F98] =	sst s4  }
0xd: {  	[smem:$0x3F99] =	sst s5  }
0xe: {  	[smem:$0x3F9A] =	sst s6  }
0xf: {  	[smem:$0x3F9B] =	sst s7  }
0x10: {  	[smem:$0x3F9C] =	sst s8  }
0x11: {  	[smem:$0x3F9D] =	sst s9;
	s0 =	simm.s32 @!p0 $0x0  }
0x12: {  	s1 =	sld [smem:$0x3F83];
	s0 =	simm.s32 @p0 $0x1  }
0x13: {  	[smem:$0x3F9E] =	sst s0;
	s0 =	simm.s32 @!p1 $0x0  }
0x14: {  	s2 =	sld [smem:$0x3F82];
	s0 =	simm.s32 @p1 $0x1  }
0x15: {  	[smem:$0x3F9F] =	sst s0;
	s0 =	simm.s32 @!p2 $0x0  }
0x16: {  	s3 =	sld [smem:$0x3FDB];
	s0 =	simm.s32 @p2 $0x1  }
0x17: {  	s4 =	simm.s32 $0x1BF5;
	[smem:$0x3FA1] =	sst s0  }
0x18: {  	s0 =	sld [smem:$0x3F84];
	_ =	swait.ge [sflag:s4], $0x0  }
0x19: {  	s7 =	sld [smem:$0x3F85]  }
0x1a: {  	s8 =	sadd.s32 $0xFFFFE003, lr  }
0x1b: {  	s9 =	sadd.s32 $0xFFFFFEF7, lr;
	s5 =	simm.s32 $0xFFFFFFFF;
	p2 =	slt.u32 s8, $0xFFFFF086  }
0x1c: {  	p1 =	slt.u32 s9, $0xF7A;
	s5 =	simm.s32 @!p2 $0x0  }
0x1d: {  	s5 =	simm.s32 @p1 $0x1;
	p0 =	seq.s32 s7, s2  }
0x1e: {  	s7 =	smul.u32 @!p0 $0xF7A, s2;
	p2 =	seq.s32 @!p0 s5, $0x0  }
0x1f: {  	s9 =	smul.u32 $0xF7A, s1;
	s8 =	simm.s32 @!p0 $0x1BF5;
	p2 =	por !p2, p0  }
0x20: {  	[sflag:s8] =	ssyncset.s32 @!p0 $0xFFFFF086;
	s6 =	sadd.s32 @!p0 s3, s7;
	s7 =	simm.s32 @!p0 $0x108  }
0x21: {  	s3 =	sadd.s32 s3, s9;
	s6 =	sadd.s32 @!p0 $0x88, s6;
	s7 =	simm.s32 @p2 $0x1082  }
0x22: {  	[simem:s7], [sflag:s8] =	dma.local @!p0 [hbm:s6], $0xF7A  }
0x23: {  	s9 =	sor.u32 $0xD0000000, s2;
	s6 =	simm.s32 $0x108;
	_ =	swait.ge @!p0 [sflag:s8], $0x0  }
0x24: {  	s3 =	sadd.s32 $0x88, s3;
	s6 =	simm.s32 @!p1 $0x1082;
	[sflag:s4] =	ssyncset.s32 $0xFFFFF086  }
0x25: {  	[simem:s6], [sflag:s4] =	dma.local [hbm:s3], $0xF7A  }
0x26: {  	[smem:$0x3F85] =	sst s1;
	(tag) =	ssettag s2;
	_ =	strace s9  }
0x27: {  	s1 =	sld [smem:$0x3F95]  }
0x28: {  	s2 =	sld [smem:$0x3F96]  }
0x29: {  	s4 =	sld [smem:$0x3F98]  }
0x2a: {  	p0 =	seq.s32 s5, $0x0;
	s5 =	sld [smem:$0x3F99]  }
0x2b: {  	s6 =	sld [smem:$0x3F9A]  }
0x2c: {  	s7 =	sld [smem:$0x3F9B]  }
0x2d: {  	s3 =	simm.s32 $0x108;
	s8 =	sld [smem:$0x3F9C]  }
0x2e: {  	s3 =	simm.s32 @!p0 $0x1082;
	s9 =	sld [smem:$0x3F9D]  }
0x2f: {  	lr =	sadd.s32 s0, s3;
	s0 =	sld [smem:$0x3F94]  }
0x30: {  	s3 =	sld [smem:$0x3F97]  }
0x31: {  	[smem:$0x3FA0] =	sst s10  }
0x32: {  	s10 =	sld [smem:$0x3F9E];
	_ =	sdelay $0x3  }
0x33: {  	p0 =	seq.s32 s10, $0x1;
	s10 =	sld [smem:$0x3FA0];
	_ =	sdelay $0x3  }
0x34: {  	[smem:$0x3FA0] =	sst s10  }
0x35: {  	s10 =	sld [smem:$0x3F9F];
	_ =	sdelay $0x3  }
0x36: {  	p1 =	seq.s32 s10, $0x1;
	s10 =	sld [smem:$0x3FA0];
	_ =	sdelay $0x3  }
0x37: {  	[smem:$0x3FA0] =	sst s10  }
0x38: {  	s10 =	sld [smem:$0x3FA1]  }
0x39: {  	_ = 	snop;
	(pc) =	sbr.ind lr, $3  }
0x3a: {  	_ = 	snop  }
0x3b: {  	_ = 	snop  }
0x3c: {  	p2 =	seq.s32 s10, $0x1;
	s10 =	sld [smem:$0x3FA0]  }
0x3d: {  	_ =	shalt  }
0x3e: {  	_ =	shalt  }
0x3f: {  	_ =	shalt  }
0x40: {  	_ =	shalt  }
0x41: {  	_ =	shalt  }
0x42: {  	_ =	shalt  }
0x43: {  	_ =	shalt  }
0x44: {  	_ =	shalt  }
0x45: {  	_ =	shalt  }
0x46: {  	_ =	shalt  }
0x47: {  	_ =	shalt  }
0x48: {  	_ =	shalt  }
0x49: {  	_ =	shalt  }
0x4a: {  	_ =	shalt  }
0x4b: {  	_ =	shalt  }
0x4c: {  	_ =	shalt  }
0x4d: {  	_ =	shalt  }
0x4e: {  	_ =	shalt  }
0x4f: {  	_ =	shalt  }
0x50: {  	_ =	shalt  }
0x51: {  	_ =	shalt  }
0x52: {  	_ =	shalt  }
0x53: {  	_ =	shalt  }
0x54: {  	_ =	shalt  }
0x55: {  	_ =	shalt  }
0x56: {  	_ =	shalt  }
0x57: {  	_ =	shalt  }
0x58: {  	_ =	shalt  }
0x59: {  	_ =	shalt  }
0x5a: {  	_ =	shalt  }
0x5b: {  	_ =	shalt  }
0x5c: {  	_ =	shalt  }
0x5d: {  	_ =	shalt  }
0x5e: {  	_ =	shalt  }
0x5f: {  	_ =	shalt  }
0x60: {  	_ =	shalt  }
0x61: {  	_ =	shalt  }
0x62: {  	_ =	shalt  }
0x63: {  	_ =	shalt  }
0x64: {  	_ =	shalt  }
0x65: {  	_ =	shalt  }
0x66: {  	_ =	shalt  }
0x67: {  	_ =	shalt  }
0x68: {  	_ =	shalt  }
0x69: {  	_ =	shalt  }
0x6a: {  	_ =	shalt  }
0x6b: {  	_ =	shalt  }
0x6c: {  	_ =	shalt  }
0x6d: {  	_ =	shalt  }
0x6e: {  	_ =	shalt  }
0x6f: {  	_ =	shalt  }
0x70: {  	_ =	shalt  }
0x71: {  	_ =	shalt  }
0x72: {  	_ =	shalt  }
0x73: {  	_ =	shalt  }
0x74: {  	_ =	shalt  }
0x75: {  	_ =	shalt  }
0x76: {  	_ =	shalt  }
0x77: {  	_ =	shalt  }
0x78: {  	_ =	shalt  }
0x79: {  	_ =	shalt  }
0x7a: {  	_ =	shalt  }
0x7b: {  	_ =	shalt  }
0x7c: {  	_ =	shalt  }
0x7d: {  	_ =	shalt  }
0x7e: {  	_ =	shalt  }
0x7f: {  	_ =	shalt  }
0x80: {  	_ =	shalt  }
0x81: {  	_ =	shalt  }
0x82: {  	_ =	shalt  }
0x83: {  	_ =	shalt  }
0x84: {  	_ =	shalt  }
0x85: {  	_ =	shalt  }
0x86: {  	_ =	shalt  }
0x87: {  	_ =	shalt  }
.Lfunc_end0:
.L_simem_size_0:
called_computation.1_lowered:
.L_overlay_start_0:
0x88: {  	s2 =	sld [smem:$0x3FD9]  }
0x89: {  	s3 =	sld [smem:$0x3FFE];
	_ =	sdelay $0x1  }
0x8a: {  	s1 =	srdreg.scid  }
0x8b: {  	s0 =	sand.u32 $0x1, s1  }
0x8c: {  	s16 =	sshll.u32 s0, $0xA;
	s2 =	sadd.s32 s3, s2  }
0x8d: {  	s2 =	sadd.s32 s2, s16  }
0x8e: {  	[smem:$0x3FAC] =	sst s2  }
0x8f: {  	_ = 	snop  }
0x90: {  	(tm) =	ssettm $0x1  }
0x91: {  	s17 =	sld [smem:$0x3FFB];
	_ =	sdelay $0x3  }
0x92: {  	_ =	strace s17  }
0x93: {  	s2 =	sld [smem:$0x3FFC];
	_ =	sdelay $0x3  }
0x94: {  	_ =	strace s2  }
0x95: {  	s2 =	sld [smem:$0x3FFD];
	_ =	sdelay $0x3  }
0x96: {  	_ =	strace s2  }
0x97: {  	_ =	strace $0x8FFFFFFF  }
0x98: {  	s18 =	sld [smem:$0x3FDB];
	_ =	sdelay $0x1  }
0x99: {  	s19 =	simm.s32 $_scs_section_size  }
0x9a: {  	s4 =	simm.s32 $_size__tile_overlayer_lowered;
	s5 =	simm.s32 $_tile_overlayer_lowered  }
0x9b: {  	s22 =	simm.s32 $0x1BFF;
	s21 =	sshll.u32 s5, $0x1;
	s2 =	sadd.s32 s19, s18  }
0x9c: {  	s6 =	simm.s32 $0x0;
	s20 =	sshll.u32 s4, $0x1;
	s4 =	sadd.s32 s21, s2  }
0x9d: {  	[timem:s6], [sflag:s22] =	dma.local [hbm:s4], s20  }
0x9e: {  	_ =	swait.ge [sflag:s22], s20  }
0x9f: {  	s3 =	ssub.s32 $0x0, s20;
	[sflag:s22] =	ssyncset.done $0x0  }
0xa0: {  	[sflag:s22] =	ssyncadd.s32 s3;
	_ =	sdelay $0x1  }
0xa1: {  	s23 =	simm.s32 $0x1B8B  }
0xa2: {  	_ =	swait.ge [sflag:s23], $0x1  }
0xa3: {  	[sflag:s23] =	ssyncset.done $0x0  }
0xa4: {  	s25 =	simm.s32 $0x1B8E;
	s24 =	sld [smem:$0x3FFE];
	[sflag:s23] =	ssyncadd.s32 $0xFFFFFFFF  }
0xa5: {  	s26 =	simm.s32 $execute0_lowered;
	[smem:$0x3FD2] =	sst s25  }
0xa6: {  	s4 =	sshll.u32 s26, $0x1;
	_ =	strace $0x80000049;
	[dreg:$0x1] =	wrdreg $0xFFFFFFFF  }
0xa7: {  	s28 =	simm.s32 $_size_execute0_lowered;
	s2 =	sadd.s32 s2, s4;
	[dreg:$0x0] =	wrdreg $0x0  }
0xa8: {  	s4 =	sshll.u32 s28, $0x1;
	[dreg:$0x2] =	wrdreg s2  }
0xa9: {  	[dreg:$0x3] =	wrdreg s4  }
0xaa: {  	[dreg:$0x4] =	wrdreg $0xC0  }
0xab: {  	_ =	task [dreg:s6], $0x5FFFF  }
0xac: {  	[dreg:$0x1] =	wrdreg $0xFFFFFFFF  }
0xad: {  	[dreg:$0x0] =	wrdreg $0x60  }
0xae: {  	[dreg:$0x2] =	wrdreg s24  }
0xaf: {  	[dreg:$0x3] =	wrdreg $0x154000  }
0xb0: {  	[dreg:$0x4] =	wrdreg $0x9  }
0xb1: {  	_ =	task.clear_ibuf [dreg:s6], $0x5FFFF;
	_ =	strace $0x90000049  }
0xb2: {  	s29 =	simm.s32 $0x9;
	_ =	strace $0x8000004B  }
0xb3: {  	_ =	swait.ge [sflag:s29], $0x1  }
0xb4: {  	[sflag:s29] =	ssyncadd.s32 $0xFFFFFFFF  }
0xb5: {  	_ =	strace $0x9000004B  }
0xb6: {  	_ =	sfence  }
0xb7: {  	s30 =	sld [smem:$0x0];
	_ =	sdelay $0x2  }
0xb8: {  	s31 =	sshll.u32 s1, $0xD;
	s1 =	sshrl.u32 s1, $0x2  }
0xb9: {  	s3 =	sand.u32 $0x4000, s31;
	s1 =	sadd.s32 s1, s30  }
0xba: {  	s0 =	sor.u32 s3, s0;
	s1 =	sshll.u32 s1, $0x11  }
0xbb: {  	s0 =	sor.u32 s1, s0  }
0xbc: {  	s0 =	sadd.s32 $0x8F2B, s0  }
0xbd: {  	[sflag:s0] =	ssyncadd.remote.s32 $0x1  }
0xbe: {  	_ =	sfence.sel $0xFFFF  }
0xbf: {  	[dreg:$0x0] =	wrdreg $0xFFFFFFFF;
	(pc) =	sbr.abs _section_cstart, $3  }
0xc0: {  	[dreg:$0x1] =	wrdreg $0xFFFFFFFF  }
0xc1: {  	_ =	task.clear_ibuf [dreg:s6], $0x2FFFF;
	_ =	strace $0x9FFFFFFF  }
0xc2: {  	(tm) =	ssettm $0x7FFFFFFF  }
0xc3: {  	_ =	shalt  }
tec
execute0_lowered:
.L_overlay_start_1:
0x0: {  	(tag) =	ssettag $0x1  }
0x1: {  	s1 =	srdreg.scid;
	s5 =	rddreg [dreg:$0x0]  }
0x2: {  	s0 =	stileid.u32;
	s2 =	rddreg [dreg:$0x1];
	s3 =	simm.s32 $0x0  }
0x3: {  	s4 =	sand.u32 $0x1, s1;
	s28 =	sshll.u32 s0, $0x1;
	s8 =	smul.u32 $0x2720, s0  }
0x4: {  	s13 =	simm.s32 $0x1;
	s1 =	sor.u32 s4, s28;
	s9 =	smul.u32 $0x27200, s4  }
0x5: {  	s14 =	simm.s32 $0x0;
	[smem:$0x7FF] =	sst s3;
	s6 =	smul.u32 $0x2800, s1  }
0x6: {  	s31 =	sshll.u32 s0, $0x6;
	s4 =	ssub.s32 $0x2, s4;
	s7 =	smul.u32 $0x280, s1  }
0x7: {  	s1 =	rddreg [dreg:$0x2];
	_ =	strace $0x8000004A;
	s30 =	sshrl.u32 s8, $0x3  }
0x8: {  	s11 =	sshrl.u32 s4, $0x1;
	s12 =	sadd.s32 s8, s2;
	s9 =	sadd.s32 s8, s9  }
0x9: {  	s11 =	ssub.s32 s4, s11;
	s10 =	sadd.s32 s6, s5;
	s9 =	sshrl.u32 s9, $0x3  }
0xa: {  	s29 =	sadd.s32 s7, s5;
	s7 =	sadd.s32 s30, s5;
	s9 =	sadd.s32 s9, s5  }
0xb: {  	s4 =	sadd.s32 $0x65C00, s7;
	s5 =	sor.u32 $0x1C02, s31;
	s6 =	sadd.s32 $0x60C00, s29  }
0xc: {  	s7 =	sadd.s32 $0x10C00, s10;
	s10 =	sshrl.u32 s12, $0x3;
	s12 =	simm.s32 $0x80  }
0xd: {  	s8 =	sadd.s32 $0x6AC00, s9;
	s9 =	smax.u32 s11, $0x1;
	s11 =	simm.s32 $0x2  }
.LBB2_1:
0xe: {  	[spmem:s10], [sflag:s5] =	dma.local [hbm:s4], $0x4E4  }
0xf: {  	_ =	swait.ge [sflag:s11], $0x4E4  }
0x10: {  	[sflag:s11] =	ssyncset.done $0x0  }
0x11: {  	[sflag:s11] =	ssyncadd.s32 $0xFFFFFB1C  }
0x12: {  	[tilespmem:s3], [sflag:$0x2] =	stream.linear.gather [hbm4b:s6+s3], $0x1400, $0x38;
	[tilespmem:$0x17B20] =	vst v63  }
0x13: {  	_ =	swait.ge [sflag:s11], $0x1400  }
0x14: {  	[sflag:s11] =	ssyncset.done $0x0  }
0x15: {  	s15 =	simm.s32 $0x1400;
	[sflag:s11] =	ssyncadd.s32 $0xFFFFEC00  }
0x16: {  	[tilespmem:s15], [sflag:$0x2] =	stream.linear.gather [hbm4b:s7+s3], $0x14000, $0x38;
	[tilespmem:$0x17B20] =	vst v63  }
0x17: {  	_ =	swait.ge [sflag:s11], $0x14000  }
0x18: {  	[sflag:s11] =	ssyncset.done $0x0  }
0x19: {  	s16 =	simm.s32 $0x200;
	[sflag:s11] =	ssyncadd.s32 $0xFFFEC000  }
0x1a: {  	s18 =	simm.s32 $0x0;
	s17 =	simm.s32 $0x1C00;
	[bflag:$0x0] =	sbarrier.arrive $0xFFFF  }
.LBB2_2:
0x1b: {  	[spmem:s2] =	stream.indirect.scatter.add.f32 [tilespmem:s15], [sflag:$0x1], $0x10, s18, s12, $0xb8;
	[tilespmem:$0x17B20] =	vst v63  }
0x1c: {  	s18 =	smov.u32 s16;
	s15 =	smov.u32 s17;
	p0 =	sne.s32 s16, $0x4E00  }
.Ltmp0:
0x1d: {  	s16 =	sadd.s32 $0x200, s16;
	(pc) =	sbr.rel @p0 .LBB2_2-.Ltmp0, $2  }
0x1e: {  	_ =	sdelay $0x2  }
0x1f: {  	s17 =	sadd.s32 $0x800, s17;
	s18 =	sshra.s32 s18, $0x2  }
0x20: {  	[spmem:s2] =	stream.indirect.scatter.add.f32 [tilespmem:s15], [sflag:$0x1], $0x10, s18, s12, $0xb8;
	[tilespmem:$0x17B20] =	vst v63  }
0x21: {  	_ =	swait.ge [sflag:s13], $0x14000  }
0x22: {  	s14 =	sadd.s32 $0x1, s14;
	[sflag:s13] =	ssyncset.done $0x0  }
0x23: {  	p0 =	sne.s32 s14, s9;
	[sflag:s13] =	ssyncadd.s32 $0xFFFEC000  }
.Ltmp1:
0x24: {  	[bflag:$0x0] =	sbarrier.arrive $0xFFFF;
	(pc) =	sbr.rel @p0 .LBB2_1-.Ltmp1, $4  }
0x25: {  	[hbm:s8], [sflag:s5] =	dma.local [spmem:s10], $0x4E4  }
0x26: {  	_ =	swait.ge [sflag:s11], $0x4E4  }
0x27: {  	[sflag:s11] =	ssyncset.done $0x0  }
0x28: {  	[sflag:s11] =	ssyncadd.s32 $0xFFFFFB1C  }
0x29: {  	_ =	sfence.sel $0x180000  }
0x2a: {  	[bflag:$0x0] =	sbarrier.arrive $0xFFFF  }
0x2b: {  	p0 =	sne.s32 s0, $0x0;
	_ =	strace $0x9000004A  }
0x2c: {  	s0 =	sadd.s32 @!p0 $0x100000, s1;
	[bflag:$0x2] =	sbarrier.arrive $0xFFFF  }
0x2d: {  	[sflag:s0] =	ssyncadd.tile.s32 @!p0 $0x1;
	_ =	shalt  }
.Lfunc_end2:
_tile_overlayer_lowered:
.L_overlay_start_2:
0x2e: {  	(tag) =	ssettag $0x2  }
0x2f: {  	s0 =	rddreg [dreg:$0x0];
	s2 =	stileid.u32  }
0x30: {  	s1 =	rddreg [dreg:$0x1];
	p0 =	sne.s32 s2, $0x0  }
0x31: {  	s3 =	rddreg [dreg:$0x2];
	[bflag:$0x3] =	sbarrier.arrive $0xFFFF;
	s2 =	simm.s32 @!p0 $0x1C02  }
0x32: {  	[timem:s3], [sflag:s2] =	dma.local @!p0 [hbm:s0], s1  }
0x33: {  	s0 =	simm.s32 @!p0 $0x2  }
0x34: {  	_ =	swait.ge @!p0 [sflag:s0], s1  }
0x35: {  	s1 =	ssub.s32 @!p0 $0x0, s1;
	[sflag:s0] =	ssyncset.done @!p0 $0x0  }
0x36: {  	[sflag:s0] =	ssyncadd.s32 @!p0 s1  }
0x37: {  	[bflag:$0x3] =	sbarrier.arrive $0xFFFF  }
0x38: {  	_ =	shalt  }

// kernel: kernel.26.cloned.1.call-start
scs
__scs_entry_jumppad:
0x0: {  	(pc) =	sbr.rel $0x88, $3  }
0x1: {  	(tag) =	ssettag $0x0;
	lr =	simm.s32 $0x1  }
0x2: {  	[smem:$0x3F85] =	sst lr;
	_ =	strace $0xD0000000  }
0x3: {  	_ = 	snop  }
0x4: {  	_ = 	snop  }
0x5: {  	_ = 	snop  }
0x6: {  	_ = 	snop  }
0x7: {  	_ = 	snop  }
__scs_overlays_trampoline_lowered:
0x8: {  	[smem:$0x3F94] =	sst s0  }
0x9: {  	[smem:$0x3F95] =	sst s1  }
0xa: {  	[smem:$0x3F96] =	sst s2  }
0xb: {  	[smem:$0x3F97] =	sst s3  }
0xc: {  	[smem:$0x3F98] =	sst s4  }
0xd: {  	[smem:$0x3F99] =	sst s5  }
0xe: {  	[smem:$0x3F9A] =	sst s6  }
0xf: {  	[smem:$0x3F9B] =	sst s7  }
0x10: {  	[smem:$0x3F9C] =	sst s8  }
0x11: {  	[smem:$0x3F9D] =	sst s9;
	s0 =	simm.s32 @!p0 $0x0  }
0x12: {  	s1 =	sld [smem:$0x3F83];
	s0 =	simm.s32 @p0 $0x1  }
0x13: {  	[smem:$0x3F9E] =	sst s0;
	s0 =	simm.s32 @!p1 $0x0  }
0x14: {  	s2 =	sld [smem:$0x3F82];
	s0 =	simm.s32 @p1 $0x1  }
0x15: {  	[smem:$0x3F9F] =	sst s0;
	s0 =	simm.s32 @!p2 $0x0  }
0x16: {  	s3 =	sld [smem:$0x3FDB];
	s0 =	simm.s32 @p2 $0x1  }
0x17: {  	s4 =	simm.s32 $0x1BF5;
	[smem:$0x3FA1] =	sst s0  }
0x18: {  	s0 =	sld [smem:$0x3F84];
	_ =	swait.ge [sflag:s4], $0x0  }
0x19: {  	s7 =	sld [smem:$0x3F85]  }
0x1a: {  	s8 =	sadd.s32 $0xFFFFE003, lr  }
0x1b: {  	s9 =	sadd.s32 $0xFFFFFEF7, lr;
	s5 =	simm.s32 $0xFFFFFFFF;
	p2 =	slt.u32 s8, $0xFFFFF086  }
0x1c: {  	p1 =	slt.u32 s9, $0xF7A;
	s5 =	simm.s32 @!p2 $0x0  }
0x1d: {  	s5 =	simm.s32 @p1 $0x1;
	p0 =	seq.s32 s7, s2  }
0x1e: {  	s7 =	smul.u32 @!p0 $0xF7A, s2;
	p2 =	seq.s32 @!p0 s5, $0x0  }
0x1f: {  	s9 =	smul.u32 $0xF7A, s1;
	s8 =	simm.s32 @!p0 $0x1BF5;
	p2 =	por !p2, p0  }
0x20: {  	[sflag:s8] =	ssyncset.s32 @!p0 $0xFFFFF086;
	s6 =	sadd.s32 @!p0 s3, s7;
	s7 =	simm.s32 @!p0 $0x108  }
0x21: {  	s3 =	sadd.s32 s3, s9;
	s6 =	sadd.s32 @!p0 $0x88, s6;
	s7 =	simm.s32 @p2 $0x1082  }
0x22: {  	[simem:s7], [sflag:s8] =	dma.local @!p0 [hbm:s6], $0xF7A  }
0x23: {  	s9 =	sor.u32 $0xD0000000, s2;
	s6 =	simm.s32 $0x108;
	_ =	swait.ge @!p0 [sflag:s8], $0x0  }
0x24: {  	s3 =	sadd.s32 $0x88, s3;
	s6 =	simm.s32 @!p1 $0x1082;
	[sflag:s4] =	ssyncset.s32 $0xFFFFF086  }
0x25: {  	[simem:s6], [sflag:s4] =	dma.local [hbm:s3], $0xF7A  }
0x26: {  	[smem:$0x3F85] =	sst s1;
	(tag) =	ssettag s2;
	_ =	strace s9  }
0x27: {  	s1 =	sld [smem:$0x3F95]  }
0x28: {  	s2 =	sld [smem:$0x3F96]  }
0x29: {  	s4 =	sld [smem:$0x3F98]  }
0x2a: {  	p0 =	seq.s32 s5, $0x0;
	s5 =	sld [smem:$0x3F99]  }
0x2b: {  	s6 =	sld [smem:$0x3F9A]  }
0x2c: {  	s7 =	sld [smem:$0x3F9B]  }
0x2d: {  	s3 =	simm.s32 $0x108;
	s8 =	sld [smem:$0x3F9C]  }
0x2e: {  	s3 =	simm.s32 @!p0 $0x1082;
	s9 =	sld [smem:$0x3F9D]  }
0x2f: {  	lr =	sadd.s32 s0, s3;
	s0 =	sld [smem:$0x3F94]  }
0x30: {  	s3 =	sld [smem:$0x3F97]  }
0x31: {  	[smem:$0x3FA0] =	sst s10  }
0x32: {  	s10 =	sld [smem:$0x3F9E];
	_ =	sdelay $0x3  }
0x33: {  	p0 =	seq.s32 s10, $0x1;
	s10 =	sld [smem:$0x3FA0];
	_ =	sdelay $0x3  }
0x34: {  	[smem:$0x3FA0] =	sst s10  }
0x35: {  	s10 =	sld [smem:$0x3F9F];
	_ =	sdelay $0x3  }
0x36: {  	p1 =	seq.s32 s10, $0x1;
	s10 =	sld [smem:$0x3FA0];
	_ =	sdelay $0x3  }
0x37: {  	[smem:$0x3FA0] =	sst s10  }
0x38: {  	s10 =	sld [smem:$0x3FA1]  }
0x39: {  	_ = 	snop;
	(pc) =	sbr.ind lr, $3  }
0x3a: {  	_ = 	snop  }
0x3b: {  	_ = 	snop  }
0x3c: {  	p2 =	seq.s32 s10, $0x1;
	s10 =	sld [smem:$0x3FA0]  }
0x3d: {  	_ =	shalt  }
0x3e: {  	_ =	shalt  }
0x3f: {  	_ =	shalt  }
0x40: {  	_ =	shalt  }
0x41: {  	_ =	shalt  }
0x42: {  	_ =	shalt  }
0x43: {  	_ =	shalt  }
0x44: {  	_ =	shalt  }
0x45: {  	_ =	shalt  }
0x46: {  	_ =	shalt  }
0x47: {  	_ =	shalt  }
0x48: {  	_ =	shalt  }
0x49: {  	_ =	shalt  }
0x4a: {  	_ =	shalt  }
0x4b: {  	_ =	shalt  }
0x4c: {  	_ =	shalt  }
0x4d: {  	_ =	shalt  }
0x4e: {  	_ =	shalt  }
0x4f: {  	_ =	shalt  }
0x50: {  	_ =	shalt  }
0x51: {  	_ =	shalt  }
0x52: {  	_ =	shalt  }
0x53: {  	_ =	shalt  }
0x54: {  	_ =	shalt  }
0x55: {  	_ =	shalt  }
0x56: {  	_ =	shalt  }
0x57: {  	_ =	shalt  }
0x58: {  	_ =	shalt  }
0x59: {  	_ =	shalt  }
0x5a: {  	_ =	shalt  }
0x5b: {  	_ =	shalt  }
0x5c: {  	_ =	shalt  }
0x5d: {  	_ =	shalt  }
0x5e: {  	_ =	shalt  }
0x5f: {  	_ =	shalt  }
0x60: {  	_ =	shalt  }
0x61: {  	_ =	shalt  }
0x62: {  	_ =	shalt  }
0x63: {  	_ =	shalt  }
0x64: {  	_ =	shalt  }
0x65: {  	_ =	shalt  }
0x66: {  	_ =	shalt  }
0x67: {  	_ =	shalt  }
0x68: {  	_ =	shalt  }
0x69: {  	_ =	shalt  }
0x6a: {  	_ =	shalt  }
0x6b: {  	_ =	shalt  }
0x6c: {  	_ =	shalt  }
0x6d: {  	_ =	shalt  }
0x6e: {  	_ =	shalt  }
0x6f: {  	_ =	shalt  }
0x70: {  	_ =	shalt  }
0x71: {  	_ =	shalt  }
0x72: {  	_ =	shalt  }
0x73: {  	_ =	shalt  }
0x74: {  	_ =	shalt  }
0x75: {  	_ =	shalt  }
0x76: {  	_ =	shalt  }
0x77: {  	_ =	shalt  }
0x78: {  	_ =	shalt  }
0x79: {  	_ =	shalt  }
0x7a: {  	_ =	shalt  }
0x7b: {  	_ =	shalt  }
0x7c: {  	_ =	shalt  }
0x7d: {  	_ =	shalt  }
0x7e: {  	_ =	shalt  }
0x7f: {  	_ =	shalt  }
0x80: {  	_ =	shalt  }
0x81: {  	_ =	shalt  }
0x82: {  	_ =	shalt  }
0x83: {  	_ =	shalt  }
0x84: {  	_ =	shalt  }
0x85: {  	_ =	shalt  }
0x86: {  	_ =	shalt  }
0x87: {  	_ =	shalt  }
.Lfunc_end0:
.L_simem_size_0:
called_computation.2_lowered:
.L_overlay_start_0:
0x88: {  	s2 =	sld [smem:$0x3FD9]  }
0x89: {  	s3 =	sld [smem:$0x3FFE];
	_ =	sdelay $0x1  }
0x8a: {  	s1 =	srdreg.scid  }
0x8b: {  	s0 =	sand.u32 $0x1, s1  }
0x8c: {  	s16 =	sshll.u32 s0, $0xA;
	s2 =	sadd.s32 s3, s2  }
0x8d: {  	s2 =	sadd.s32 s2, s16  }
0x8e: {  	[smem:$0x3FAC] =	sst s2  }
0x8f: {  	_ = 	snop  }
0x90: {  	(tm) =	ssettm $0x1  }
0x91: {  	s17 =	sld [smem:$0x3FFB];
	_ =	sdelay $0x3  }
0x92: {  	_ =	strace s17  }
0x93: {  	s2 =	sld [smem:$0x3FFC];
	_ =	sdelay $0x3  }
0x94: {  	_ =	strace s2  }
0x95: {  	s2 =	sld [smem:$0x3FFD];
	_ =	sdelay $0x3  }
0x96: {  	_ =	strace s2  }
0x97: {  	_ =	strace $0x8FFFFFFF  }
0x98: {  	s18 =	sld [smem:$0x3FDB];
	_ =	sdelay $0x1  }
0x99: {  	s19 =	simm.s32 $_scs_section_size  }
0x9a: {  	s4 =	simm.s32 $_size__tile_overlayer_lowered;
	s5 =	simm.s32 $_tile_overlayer_lowered  }
0x9b: {  	s22 =	simm.s32 $0x1BFF;
	s21 =	sshll.u32 s5, $0x1;
	s2 =	sadd.s32 s19, s18  }
0x9c: {  	s6 =	simm.s32 $0x0;
	s20 =	sshll.u32 s4, $0x1;
	s4 =	sadd.s32 s21, s2  }
0x9d: {  	[timem:s6], [sflag:s22] =	dma.local [hbm:s4], s20  }
0x9e: {  	_ =	swait.ge [sflag:s22], s20  }
0x9f: {  	s3 =	ssub.s32 $0x0, s20;
	[sflag:s22] =	ssyncset.done $0x0  }
0xa0: {  	[sflag:s22] =	ssyncadd.s32 s3;
	_ =	sdelay $0x1  }
0xa1: {  	s23 =	simm.s32 $0x1B8B  }
0xa2: {  	_ =	swait.ge [sflag:s23], $0x1  }
0xa3: {  	[sflag:s23] =	ssyncset.done $0x0  }
0xa4: {  	s25 =	simm.s32 $0x1B8E;
	s24 =	sld [smem:$0x3FFE];
	[sflag:s23] =	ssyncadd.s32 $0xFFFFFFFF  }
0xa5: {  	s26 =	simm.s32 $execute0_lowered;
	[smem:$0x3FD2] =	sst s25  }
0xa6: {  	s4 =	sshll.u32 s26, $0x1;
	_ =	strace $0x8000004C;
	[dreg:$0x1] =	wrdreg $0xFFFFFFFF  }
0xa7: {  	s28 =	simm.s32 $_size_execute0_lowered;
	s2 =	sadd.s32 s2, s4;
	[dreg:$0x0] =	wrdreg $0x0  }
0xa8: {  	s4 =	sshll.u32 s28, $0x1;
	[dreg:$0x2] =	wrdreg s2  }
0xa9: {  	[dreg:$0x3] =	wrdreg s4  }
0xaa: {  	[dreg:$0x4] =	wrdreg $0xC0  }
0xab: {  	_ =	task [dreg:s6], $0x5FFFF  }
0xac: {  	[dreg:$0x1] =	wrdreg $0xFFFFFFFF  }
0xad: {  	[dreg:$0x0] =	wrdreg $0x60  }
0xae: {  	[dreg:$0x2] =	wrdreg s24  }
0xaf: {  	[dreg:$0x3] =	wrdreg $0x9  }
0xb0: {  	_ =	task.clear_ibuf [dreg:s6], $0x4FFFF;
	_ =	strace $0x9000004C  }
0xb1: {  	s29 =	simm.s32 $0x9;
	_ =	strace $0x8000004E  }
0xb2: {  	_ =	swait.ge [sflag:s29], $0x1  }
0xb3: {  	[sflag:s29] =	ssyncadd.s32 $0xFFFFFFFF  }
0xb4: {  	_ =	strace $0x9000004E  }
0xb5: {  	_ =	sfence  }
0xb6: {  	s30 =	sld [smem:$0x0];
	_ =	sdelay $0x2  }
0xb7: {  	s31 =	sshll.u32 s1, $0xD;
	s1 =	sshrl.u32 s1, $0x2  }
0xb8: {  	s3 =	sand.u32 $0x4000, s31;
	s1 =	sadd.s32 s1, s30  }
0xb9: {  	s0 =	sor.u32 s3, s0;
	s1 =	sshll.u32 s1, $0x11  }
0xba: {  	s0 =	sor.u32 s1, s0  }
0xbb: {  	s0 =	sadd.s32 $0x8F2B, s0  }
0xbc: {  	[sflag:s0] =	ssyncadd.remote.s32 $0x1  }
0xbd: {  	_ =	sfence.sel $0xFFFF  }
0xbe: {  	[dreg:$0x0] =	wrdreg $0xFFFFFFFF;
	(pc) =	sbr.abs _section_cstart, $3  }
0xbf: {  	[dreg:$0x1] =	wrdreg $0xFFFFFFFF  }
0xc0: {  	_ =	task.clear_ibuf [dreg:s6], $0x2FFFF;
	_ =	strace $0x9FFFFFFF  }
0xc1: {  	(tm) =	ssettm $0x7FFFFFFF  }
tec
execute0_lowered:
.L_overlay_start_1:
0x0: {  	(tag) =	ssettag $0x1  }
0x1: {  	s1 =	srdreg.scid;
	s0 =	stileid.u32  }
0x2: {  	s5 =	rddreg [dreg:$0x0];
	s2 =	simm.s32 $0x0;
	s8 =	simm.s32 $0x80  }
0x3: {  	s9 =	simm.s32 $0x1;
	s4 =	sand.u32 $0x1, s1;
	s30 =	sshll.u32 s0, $0x1  }
0x4: {  	s10 =	simm.s32 $0x1400;
	s1 =	rddreg [dreg:$0x1];
	s3 =	sor.u32 s4, s30  }
0x5: {  	s11 =	simm.s32 $0x0;
	[smem:$0x7FF] =	sst s2;
	s6 =	smul.u32 $0x280, s3  }
0x6: {  	_ =	strace $0x8000004D;
	s4 =	ssub.s32 $0x2, s4;
	s7 =	smul.u32 $0x2800, s3  }
0x7: {  	s3 =	sadd.s32 $0xBC00, s5;
	s31 =	sshrl.u32 s4, $0x1;
	s6 =	sadd.s32 s6, s5  }
0x8: {  	s5 =	sadd.s32 s7, s5;
	s7 =	ssub.s32 s4, s31;
	s4 =	sadd.s32 $0x6C00, s6  }
0x9: {  	s5 =	sadd.s32 $0x10C00, s5;
	s6 =	smax.u32 s7, $0x1;
	s7 =	simm.s32 $0x2  }
.LBB2_1:
0xa: {  	[tilespmem:s2], [sflag:$0x2] =	stream.linear.gather [hbm4b:s4+s2], $0x1400, $0x38;
	[tilespmem:$0x15400] =	vst v63  }
0xb: {  	_ =	swait.ge [sflag:s7], $0x1400  }
0xc: {  	s12 =	simm.s32 $0x200;
	s15 =	simm.s32 $0x0;
	[sflag:s7] =	ssyncset.done $0x0  }
0xd: {  	s13 =	simm.s32 $0x1C00;
	s14 =	simm.s32 $0x1400;
	[sflag:s7] =	ssyncadd.s32 $0xFFFFEC00  }
.LBB2_2:
0xe: {  	[tilespmem:s14], [sflag:$0x1] =	stream.indirect.gather [hbm4b:s3+s8], $0x10, s15, s8, $0xb8;
	[tilespmem:$0x15400] =	vst v63  }
0xf: {  	s15 =	smov.u32 s12;
	s14 =	smov.u32 s13;
	p0 =	sne.s32 s12, $0x4E00  }
.Ltmp0:
0x10: {  	s12 =	sadd.s32 $0x200, s12;
	(pc) =	sbr.rel @p0 .LBB2_2-.Ltmp0, $2  }
0x11: {  	_ =	sdelay $0x2  }
0x12: {  	s13 =	sadd.s32 $0x800, s13;
	s15 =	sshra.s32 s15, $0x2  }
0x13: {  	[tilespmem:s14], [sflag:$0x1] =	stream.indirect.gather [hbm4b:s3+s8], $0x10, s15, s8, $0xb8;
	[tilespmem:$0x15400] =	vst v63  }
0x14: {  	s11 =	sadd.s32 $0x1, s11;
	_ =	swait.ge [sflag:s9], $0x14000  }
0x15: {  	p0 =	sne.s32 s11, s6;
	[sflag:s9] =	ssyncset.done $0x0  }
.Ltmp1:
0x16: {  	[sflag:s9] =	ssyncadd.s32 $0xFFFEC000;
	(pc) =	sbr.rel @p0 .LBB2_1-.Ltmp1, $4  }
0x17: {  	[hbm4b:s5+s2] =	stream.linear.scatter [tilespmem:s10], [sflag:$0x2], $0x14000, $0x38;
	[tilespmem:$0x15400] =	vst v63  }
0x18: {  	_ =	swait.ge [sflag:s7], $0x14000  }
0x19: {  	[sflag:s7] =	ssyncset.done $0x0  }
0x1a: {  	[sflag:s7] =	ssyncadd.s32 $0xFFFEC000  }
0x1b: {  	_ =	sfence.sel $0x180000  }
0x1c: {  	[bflag:$0x0] =	sbarrier.arrive $0xFFFF  }
0x1d: {  	p0 =	sne.s32 s0, $0x0;
	_ =	strace $0x9000004D  }
0x1e: {  	s0 =	sadd.s32 @!p0 $0x100000, s1;
	[bflag:$0x2] =	sbarrier.arrive $0xFFFF  }
0x1f: {  	[sflag:s0] =	ssyncadd.tile.s32 @!p0 $0x1;
	_ =	shalt  }
.Lfunc_end2:
_tile_overlayer_lowered:
.L_overlay_start_2:
0x20: {  	(tag) =	ssettag $0x2  }
0x21: {  	s0 =	rddreg [dreg:$0x0];
	s2 =	stileid.u32  }
0x22: {  	s1 =	rddreg [dreg:$0x1];
	p0 =	sne.s32 s2, $0x0  }
0x23: {  	s3 =	rddreg [dreg:$0x2];
	[bflag:$0x3] =	sbarrier.arrive $0xFFFF;
	s2 =	simm.s32 @!p0 $0x1C02  }
0x24: {  	[timem:s3], [sflag:s2] =	dma.local @!p0 [hbm:s0], s1  }
0x25: {  	s0 =	simm.s32 @!p0 $0x2  }
0x26: {  	_ =	swait.ge @!p0 [sflag:s0], s1  }
0x27: {  	s1 =	ssub.s32 @!p0 $0x0, s1;
	[sflag:s0] =	ssyncset.done @!p0 $0x0  }
0x28: {  	[sflag:s0] =	ssyncadd.s32 @!p0 s1  }
0x29: {  	[bflag:$0x3] =	sbarrier.arrive $0xFFFF  }
0x2a: {  	_ =	shalt  }

// kernel: kernel.29.cloned.1.call-start
scs
__scs_entry_jumppad:
0x0: {  	(pc) =	sbr.rel $0x88, $3  }
0x1: {  	(tag) =	ssettag $0x0;
	lr =	simm.s32 $0x1  }
0x2: {  	[smem:$0x3F85] =	sst lr;
	_ =	strace $0xD0000000  }
0x3: {  	_ = 	snop  }
0x4: {  	_ = 	snop  }
0x5: {  	_ = 	snop  }
0x6: {  	_ = 	snop  }
0x7: {  	_ = 	snop  }
__scs_overlays_trampoline_lowered:
0x8: {  	[smem:$0x3F94] =	sst s0  }
0x9: {  	[smem:$0x3F95] =	sst s1  }
0xa: {  	[smem:$0x3F96] =	sst s2  }
0xb: {  	[smem:$0x3F97] =	sst s3  }
0xc: {  	[smem:$0x3F98] =	sst s4  }
0xd: {  	[smem:$0x3F99] =	sst s5  }
0xe: {  	[smem:$0x3F9A] =	sst s6  }
0xf: {  	[smem:$0x3F9B] =	sst s7  }
0x10: {  	[smem:$0x3F9C] =	sst s8  }
0x11: {  	[smem:$0x3F9D] =	sst s9;
	s0 =	simm.s32 @!p0 $0x0  }
0x12: {  	s1 =	sld [smem:$0x3F83];
	s0 =	simm.s32 @p0 $0x1  }
0x13: {  	[smem:$0x3F9E] =	sst s0;
	s0 =	simm.s32 @!p1 $0x0  }
0x14: {  	s2 =	sld [smem:$0x3F82];
	s0 =	simm.s32 @p1 $0x1  }
0x15: {  	[smem:$0x3F9F] =	sst s0;
	s0 =	simm.s32 @!p2 $0x0  }
0x16: {  	s3 =	sld [smem:$0x3FDB];
	s0 =	simm.s32 @p2 $0x1  }
0x17: {  	s4 =	simm.s32 $0x1BF5;
	[smem:$0x3FA1] =	sst s0  }
0x18: {  	s0 =	sld [smem:$0x3F84];
	_ =	swait.ge [sflag:s4], $0x0  }
0x19: {  	s7 =	sld [smem:$0x3F85]  }
0x1a: {  	s8 =	sadd.s32 $0xFFFFE003, lr  }
0x1b: {  	s9 =	sadd.s32 $0xFFFFFEF7, lr;
	s5 =	simm.s32 $0xFFFFFFFF;
	p2 =	slt.u32 s8, $0xFFFFF086  }
0x1c: {  	p1 =	slt.u32 s9, $0xF7A;
	s5 =	simm.s32 @!p2 $0x0  }
0x1d: {  	s5 =	simm.s32 @p1 $0x1;
	p0 =	seq.s32 s7, s2  }
0x1e: {  	s7 =	smul.u32 @!p0 $0xF7A, s2;
	p2 =	seq.s32 @!p0 s5, $0x0  }
0x1f: {  	s9 =	smul.u32 $0xF7A, s1;
	s8 =	simm.s32 @!p0 $0x1BF5;
	p2 =	por !p2, p0  }
0x20: {  	[sflag:s8] =	ssyncset.s32 @!p0 $0xFFFFF086;
	s6 =	sadd.s32 @!p0 s3, s7;
	s7 =	simm.s32 @!p0 $0x108  }
0x21: {  	s3 =	sadd.s32 s3, s9;
	s6 =	sadd.s32 @!p0 $0x88, s6;
	s7 =	simm.s32 @p2 $0x1082  }
0x22: {  	[simem:s7], [sflag:s8] =	dma.local @!p0 [hbm:s6], $0xF7A  }
0x23: {  	s9 =	sor.u32 $0xD0000000, s2;
	s6 =	simm.s32 $0x108;
	_ =	swait.ge @!p0 [sflag:s8], $0x0  }
0x24: {  	s3 =	sadd.s32 $0x88, s3;
	s6 =	simm.s32 @!p1 $0x1082;
	[sflag:s4] =	ssyncset.s32 $0xFFFFF086  }
0x25: {  	[simem:s6], [sflag:s4] =	dma.local [hbm:s3], $0xF7A  }
0x26: {  	[smem:$0x3F85] =	sst s1;
	(tag) =	ssettag s2;
	_ =	strace s9  }
0x27: {  	s1 =	sld [smem:$0x3F95]  }
0x28: {  	s2 =	sld [smem:$0x3F96]  }
0x29: {  	s4 =	sld [smem:$0x3F98]  }
0x2a: {  	p0 =	seq.s32 s5, $0x0;
	s5 =	sld [smem:$0x3F99]  }
0x2b: {  	s6 =	sld [smem:$0x3F9A]  }
0x2c: {  	s7 =	sld [smem:$0x3F9B]  }
0x2d: {  	s3 =	simm.s32 $0x108;
	s8 =	sld [smem:$0x3F9C]  }
0x2e: {  	s3 =	simm.s32 @!p0 $0x1082;
	s9 =	sld [smem:$0x3F9D]  }
0x2f: {  	lr =	sadd.s32 s0, s3;
	s0 =	sld [smem:$0x3F94]  }
0x30: {  	s3 =	sld [smem:$0x3F97]  }
0x31: {  	[smem:$0x3FA0] =	sst s10  }
0x32: {  	s10 =	sld [smem:$0x3F9E];
	_ =	sdelay $0x3  }
0x33: {  	p0 =	seq.s32 s10, $0x1;
	s10 =	sld [smem:$0x3FA0];
	_ =	sdelay $0x3  }
0x34: {  	[smem:$0x3FA0] =	sst s10  }
0x35: {  	s10 =	sld [smem:$0x3F9F];
	_ =	sdelay $0x3  }
0x36: {  	p1 =	seq.s32 s10, $0x1;
	s10 =	sld [smem:$0x3FA0];
	_ =	sdelay $0x3  }
0x37: {  	[smem:$0x3FA0] =	sst s10  }
0x38: {  	s10 =	sld [smem:$0x3FA1]  }
0x39: {  	_ = 	snop;
	(pc) =	sbr.ind lr, $3  }
0x3a: {  	_ = 	snop  }
0x3b: {  	_ = 	snop  }
0x3c: {  	p2 =	seq.s32 s10, $0x1;
	s10 =	sld [smem:$0x3FA0]  }
0x3d: {  	_ =	shalt  }
0x3e: {  	_ =	shalt  }
0x3f: {  	_ =	shalt  }
0x40: {  	_ =	shalt  }
0x41: {  	_ =	shalt  }
0x42: {  	_ =	shalt  }
0x43: {  	_ =	shalt  }
0x44: {  	_ =	shalt  }
0x45: {  	_ =	shalt  }
0x46: {  	_ =	shalt  }
0x47: {  	_ =	shalt  }
0x48: {  	_ =	shalt  }
0x49: {  	_ =	shalt  }
0x4a: {  	_ =	shalt  }
0x4b: {  	_ =	shalt  }
0x4c: {  	_ =	shalt  }
0x4d: {  	_ =	shalt  }
0x4e: {  	_ =	shalt  }
0x4f: {  	_ =	shalt  }
0x50: {  	_ =	shalt  }
0x51: {  	_ =	shalt  }
0x52: {  	_ =	shalt  }
0x53: {  	_ =	shalt  }
0x54: {  	_ =	shalt  }
0x55: {  	_ =	shalt  }
0x56: {  	_ =	shalt  }
0x57: {  	_ =	shalt  }
0x58: {  	_ =	shalt  }
0x59: {  	_ =	shalt  }
0x5a: {  	_ =	shalt  }
0x5b: {  	_ =	shalt  }
0x5c: {  	_ =	shalt  }
0x5d: {  	_ =	shalt  }
0x5e: {  	_ =	shalt  }
0x5f: {  	_ =	shalt  }
0x60: {  	_ =	shalt  }
0x61: {  	_ =	shalt  }
0x62: {  	_ =	shalt  }
0x63: {  	_ =	shalt  }
0x64: {  	_ =	shalt  }
0x65: {  	_ =	shalt  }
0x66: {  	_ =	shalt  }
0x67: {  	_ =	shalt  }
0x68: {  	_ =	shalt  }
0x69: {  	_ =	shalt  }
0x6a: {  	_ =	shalt  }
0x6b: {  	_ =	shalt  }
0x6c: {  	_ =	shalt  }
0x6d: {  	_ =	shalt  }
0x6e: {  	_ =	shalt  }
0x6f: {  	_ =	shalt  }
0x70: {  	_ =	shalt  }
0x71: {  	_ =	shalt  }
0x72: {  	_ =	shalt  }
0x73: {  	_ =	shalt  }
0x74: {  	_ =	shalt  }
0x75: {  	_ =	shalt  }
0x76: {  	_ =	shalt  }
0x77: {  	_ =	shalt  }
0x78: {  	_ =	shalt  }
0x79: {  	_ =	shalt  }
0x7a: {  	_ =	shalt  }
0x7b: {  	_ =	shalt  }
0x7c: {  	_ =	shalt  }
0x7d: {  	_ =	shalt  }
0x7e: {  	_ =	shalt  }
0x7f: {  	_ =	shalt  }
0x80: {  	_ =	shalt  }
0x81: {  	_ =	shalt  }
0x82: {  	_ =	shalt  }
0x83: {  	_ =	shalt  }
0x84: {  	_ =	shalt  }
0x85: {  	_ =	shalt  }
0x86: {  	_ =	shalt  }
0x87: {  	_ =	shalt  }
.Lfunc_end0:
.L_simem_size_0:
called_computation.3_lowered:
.L_overlay_start_0:
0x88: {  	s2 =	sld [smem:$0x3FD9]  }
0x89: {  	s3 =	sld [smem:$0x3FFE];
	_ =	sdelay $0x1  }
0x8a: {  	s1 =	srdreg.scid  }
0x8b: {  	s0 =	sand.u32 $0x1, s1  }
0x8c: {  	s16 =	sshll.u32 s0, $0xA;
	s2 =	sadd.s32 s3, s2  }
0x8d: {  	s2 =	sadd.s32 s2, s16  }
0x8e: {  	[smem:$0x3FAC] =	sst s2  }
0x8f: {  	_ = 	snop  }
0x90: {  	(tm) =	ssettm $0x1  }
0x91: {  	s17 =	sld [smem:$0x3FFB];
	_ =	sdelay $0x3  }
0x92: {  	_ =	strace s17  }
0x93: {  	s2 =	sld [smem:$0x3FFC];
	_ =	sdelay $0x3  }
0x94: {  	_ =	strace s2  }
0x95: {  	s2 =	sld [smem:$0x3FFD];
	_ =	sdelay $0x3  }
0x96: {  	_ =	strace s2  }
0x97: {  	_ =	strace $0x8FFFFFFF  }
0x98: {  	s18 =	sld [smem:$0x3FDB];
	_ =	sdelay $0x1  }
0x99: {  	s19 =	simm.s32 $_scs_section_size  }
0x9a: {  	s4 =	simm.s32 $_size__tile_overlayer_lowered;
	s5 =	simm.s32 $_tile_overlayer_lowered  }
0x9b: {  	s22 =	simm.s32 $0x1BFF;
	s21 =	sshll.u32 s5, $0x1;
	s2 =	sadd.s32 s19, s18  }
0x9c: {  	s6 =	simm.s32 $0x0;
	s20 =	sshll.u32 s4, $0x1;
	s4 =	sadd.s32 s21, s2  }
0x9d: {  	[timem:s6], [sflag:s22] =	dma.local [hbm:s4], s20  }
0x9e: {  	_ =	swait.ge [sflag:s22], s20  }
0x9f: {  	s3 =	ssub.s32 $0x0, s20;
	[sflag:s22] =	ssyncset.done $0x0  }
0xa0: {  	[sflag:s22] =	ssyncadd.s32 s3;
	_ =	sdelay $0x1  }
0xa1: {  	s23 =	simm.s32 $0x1B8B  }
0xa2: {  	_ =	swait.ge [sflag:s23], $0x1  }
0xa3: {  	[sflag:s23] =	ssyncset.done $0x0  }
0xa4: {  	s25 =	simm.s32 $0x1B8E;
	s24 =	sld [smem:$0x3FFE];
	[sflag:s23] =	ssyncadd.s32 $0xFFFFFFFF  }
0xa5: {  	s26 =	simm.s32 $execute0_lowered;
	[smem:$0x3FD2] =	sst s25  }
0xa6: {  	s4 =	sshll.u32 s26, $0x1;
	_ =	strace $0x8000004F;
	[dreg:$0x1] =	wrdreg $0xFFFFFFFF  }
0xa7: {  	s28 =	simm.s32 $_size_execute0_lowered;
	s2 =	sadd.s32 s2, s4;
	[dreg:$0x0] =	wrdreg $0x0  }
0xa8: {  	s4 =	sshll.u32 s28, $0x1;
	[dreg:$0x2] =	wrdreg s2  }
0xa9: {  	[dreg:$0x3] =	wrdreg s4  }
0xaa: {  	[dreg:$0x4] =	wrdreg $0xC0  }
0xab: {  	_ =	task [dreg:s6], $0x5FFFF  }
0xac: {  	[dreg:$0x1] =	wrdreg $0xFFFFFFFF  }
0xad: {  	[dreg:$0x0] =	wrdreg $0x60  }
0xae: {  	[dreg:$0x2] =	wrdreg s24  }
0xaf: {  	[dreg:$0x3] =	wrdreg $0x154000  }
0xb0: {  	[dreg:$0x4] =	wrdreg $0x9  }
0xb1: {  	_ =	task.clear_ibuf [dreg:s6], $0x5FFFF;
	_ =	strace $0x9000004F  }
0xb2: {  	s29 =	simm.s32 $0x9;
	_ =	strace $0x80000051  }
0xb3: {  	_ =	swait.ge [sflag:s29], $0x1  }
0xb4: {  	[sflag:s29] =	ssyncadd.s32 $0xFFFFFFFF  }
0xb5: {  	_ =	strace $0x90000051  }
0xb6: {  	_ =	sfence  }
0xb7: {  	s30 =	sld [smem:$0x0];
	_ =	sdelay $0x2  }
0xb8: {  	s31 =	sshll.u32 s1, $0xD;
	s1 =	sshrl.u32 s1, $0x2  }
0xb9: {  	s3 =	sand.u32 $0x4000, s31;
	s1 =	sadd.s32 s1, s30  }
0xba: {  	s0 =	sor.u32 s3, s0;
	s1 =	sshll.u32 s1, $0x11  }
0xbb: {  	s0 =	sor.u32 s1, s0  }
0xbc: {  	s0 =	sadd.s32 $0x8F2B, s0  }
0xbd: {  	[sflag:s0] =	ssyncadd.remote.s32 $0x1  }
0xbe: {  	_ =	sfence.sel $0xFFFF  }
0xbf: {  	[dreg:$0x0] =	wrdreg $0xFFFFFFFF;
	(pc) =	sbr.abs _section_cstart, $3  }
0xc0: {  	[dreg:$0x1] =	wrdreg $0xFFFFFFFF  }
0xc1: {  	_ =	task.clear_ibuf [dreg:s6], $0x2FFFF;
	_ =	strace $0x9FFFFFFF  }
0xc2: {  	(tm) =	ssettm $0x7FFFFFFF  }
0xc3: {  	_ =	shalt  }
tec
execute0_lowered:
.L_overlay_start_1:
0x0: {  	(tag) =	ssettag $0x1  }
0x1: {  	s1 =	srdreg.scid;
	s5 =	rddreg [dreg:$0x0]  }
0x2: {  	s0 =	stileid.u32;
	s2 =	rddreg [dreg:$0x1];
	s3 =	simm.s32 $0x0  }
0x3: {  	s4 =	sand.u32 $0x1, s1;
	s28 =	sshll.u32 s0, $0x1;
	s8 =	smul.u32 $0x2720, s0  }
0x4: {  	s13 =	simm.s32 $0x1;
	s1 =	sor.u32 s4, s28;
	s9 =	smul.u32 $0x27200, s4  }
0x5: {  	s14 =	simm.s32 $0x0;
	[smem:$0x7FF] =	sst s3;
	s6 =	smul.u32 $0x2800, s1  }
0x6: {  	s31 =	sshll.u32 s0, $0x6;
	s4 =	ssub.s32 $0x2, s4;
	s7 =	smul.u32 $0x280, s1  }
0x7: {  	s1 =	rddreg [dreg:$0x2];
	_ =	strace $0x80000050;
	s30 =	sshrl.u32 s8, $0x3  }
0x8: {  	s11 =	sshrl.u32 s4, $0x1;
	s12 =	sadd.s32 s8, s2;
	s9 =	sadd.s32 s8, s9  }
0x9: {  	s11 =	ssub.s32 s4, s11;
	s10 =	sadd.s32 s6, s5;
	s9 =	sshrl.u32 s9, $0x3  }
0xa: {  	s29 =	sadd.s32 s7, s5;
	s7 =	sadd.s32 s30, s5;
	s9 =	sadd.s32 s9, s5  }
0xb: {  	s4 =	sadd.s32 $0x65C00, s7;
	s5 =	sor.u32 $0x1C02, s31;
	s6 =	sadd.s32 $0x60C00, s29  }
0xc: {  	s7 =	sadd.s32 $0x10C00, s10;
	s10 =	sshrl.u32 s12, $0x3;
	s12 =	simm.s32 $0x80  }
0xd: {  	s8 =	sadd.s32 $0x6AC00, s9;
	s9 =	smax.u32 s11, $0x1;
	s11 =	simm.s32 $0x2  }
.LBB2_1:
0xe: {  	[spmem:s10], [sflag:s5] =	dma.local [hbm:s4], $0x4E4  }
0xf: {  	_ =	swait.ge [sflag:s11], $0x4E4  }
0x10: {  	[sflag:s11] =	ssyncset.done $0x0  }
0x11: {  	[sflag:s11] =	ssyncadd.s32 $0xFFFFFB1C  }
0x12: {  	[tilespmem:s3], [sflag:$0x2] =	stream.linear.gather [hbm4b:s6+s3], $0x1400, $0x38;
	[tilespmem:$0x17B20] =	vst v63  }
0x13: {  	_ =	swait.ge [sflag:s11], $0x1400  }
0x14: {  	[sflag:s11] =	ssyncset.done $0x0  }
0x15: {  	s15 =	simm.s32 $0x1400;
	[sflag:s11] =	ssyncadd.s32 $0xFFFFEC00  }
0x16: {  	[tilespmem:s15], [sflag:$0x2] =	stream.linear.gather [hbm4b:s7+s3], $0x14000, $0x38;
	[tilespmem:$0x17B20] =	vst v63  }
0x17: {  	_ =	swait.ge [sflag:s11], $0x14000  }
0x18: {  	[sflag:s11] =	ssyncset.done $0x0  }
0x19: {  	s16 =	simm.s32 $0x200;
	[sflag:s11] =	ssyncadd.s32 $0xFFFEC000  }
0x1a: {  	s18 =	simm.s32 $0x0;
	s17 =	simm.s32 $0x1C00;
	[bflag:$0x0] =	sbarrier.arrive $0xFFFF  }
.LBB2_2:
0x1b: {  	[spmem:s2] =	stream.indirect.scatter.add.f32 [tilespmem:s15], [sflag:$0x1], $0x10, s18, s12, $0xb8;
	[tilespmem:$0x17B20] =	vst v63  }
0x1c: {  	s18 =	smov.u32 s16;
	s15 =	smov.u32 s17;
	p0 =	sne.s32 s16, $0x4E00  }
.Ltmp0:
0x1d: {  	s16 =	sadd.s32 $0x200, s16;
	(pc) =	sbr.rel @p0 .LBB2_2-.Ltmp0, $2  }
0x1e: {  	_ =	sdelay $0x2  }
0x1f: {  	s17 =	sadd.s32 $0x800, s17;
	s18 =	sshra.s32 s18, $0x2  }
0x20: {  	[spmem:s2] =	stream.indirect.scatter.add.f32 [tilespmem:s15], [sflag:$0x1], $0x10, s18, s12, $0xb8;
	[tilespmem:$0x17B20] =	vst v63  }
0x21: {  	_ =	swait.ge [sflag:s13], $0x14000  }
0x22: {  	s14 =	sadd.s32 $0x1, s14;
	[sflag:s13] =	ssyncset.done $0x0  }
0x23: {  	p0 =	sne.s32 s14, s9;
	[sflag:s13] =	ssyncadd.s32 $0xFFFEC000  }
.Ltmp1:
0x24: {  	[bflag:$0x0] =	sbarrier.arrive $0xFFFF;
	(pc) =	sbr.rel @p0 .LBB2_1-.Ltmp1, $4  }
0x25: {  	[hbm:s8], [sflag:s5] =	dma.local [spmem:s10], $0x4E4  }
0x26: {  	_ =	swait.ge [sflag:s11], $0x4E4  }
0x27: {  	[sflag:s11] =	ssyncset.done $0x0  }
0x28: {  	[sflag:s11] =	ssyncadd.s32 $0xFFFFFB1C  }
0x29: {  	_ =	sfence.sel $0x180000  }
0x2a: {  	[bflag:$0x0] =	sbarrier.arrive $0xFFFF  }
0x2b: {  	p0 =	sne.s32 s0, $0x0;
	_ =	strace $0x90000050  }
0x2c: {  	s0 =	sadd.s32 @!p0 $0x100000, s1;
	[bflag:$0x2] =	sbarrier.arrive $0xFFFF  }
0x2d: {  	[sflag:s0] =	ssyncadd.tile.s32 @!p0 $0x1;
	_ =	shalt  }
.Lfunc_end2:
_tile_overlayer_lowered:
.L_overlay_start_2:
0x2e: {  	(tag) =	ssettag $0x2  }
0x2f: {  	s0 =	rddreg [dreg:$0x0];
	s2 =	stileid.u32  }
0x30: {  	s1 =	rddreg [dreg:$0x1];
	p0 =	sne.s32 s2, $0x0  }
0x31: {  	s3 =	rddreg [dreg:$0x2];
	[bflag:$0x3] =	sbarrier.arrive $0xFFFF;
	s2 =	simm.s32 @!p0 $0x1C02  }
0x32: {  	[timem:s3], [sflag:s2] =	dma.local @!p0 [hbm:s0], s1  }
0x33: {  	s0 =	simm.s32 @!p0 $0x2  }
0x34: {  	_ =	swait.ge @!p0 [sflag:s0], s1  }
0x35: {  	s1 =	ssub.s32 @!p0 $0x0, s1;
	[sflag:s0] =	ssyncset.done @!p0 $0x0  }
0x36: {  	[sflag:s0] =	ssyncadd.s32 @!p0 s1  }
0x37: {  	[bflag:$0x3] =	sbarrier.arrive $0xFFFF  }
0x38: {  	_ =	shalt  }

// kernel: kernel.32.cloned.1.call-start
scs
__scs_entry_jumppad:
0x0: {  	(pc) =	sbr.rel $0x88, $3  }
0x1: {  	(tag) =	ssettag $0x0;
	lr =	simm.s32 $0x1  }
0x2: {  	[smem:$0x3F85] =	sst lr;
	_ =	strace $0xD0000000  }
0x3: {  	_ = 	snop  }
0x4: {  	_ = 	snop  }
0x5: {  	_ = 	snop  }
0x6: {  	_ = 	snop  }
0x7: {  	_ = 	snop  }
__scs_overlays_trampoline_lowered:
0x8: {  	[smem:$0x3F94] =	sst s0  }
0x9: {  	[smem:$0x3F95] =	sst s1  }
0xa: {  	[smem:$0x3F96] =	sst s2  }
0xb: {  	[smem:$0x3F97] =	sst s3  }
0xc: {  	[smem:$0x3F98] =	sst s4  }
0xd: {  	[smem:$0x3F99] =	sst s5  }
0xe: {  	[smem:$0x3F9A] =	sst s6  }
0xf: {  	[smem:$0x3F9B] =	sst s7  }
0x10: {  	[smem:$0x3F9C] =	sst s8  }
0x11: {  	[smem:$0x3F9D] =	sst s9;
	s0 =	simm.s32 @!p0 $0x0  }
0x12: {  	s1 =	sld [smem:$0x3F83];
	s0 =	simm.s32 @p0 $0x1  }
0x13: {  	[smem:$0x3F9E] =	sst s0;
	s0 =	simm.s32 @!p1 $0x0  }
0x14: {  	s2 =	sld [smem:$0x3F82];
	s0 =	simm.s32 @p1 $0x1  }
0x15: {  	[smem:$0x3F9F] =	sst s0;
	s0 =	simm.s32 @!p2 $0x0  }
0x16: {  	s3 =	sld [smem:$0x3FDB];
	s0 =	simm.s32 @p2 $0x1  }
0x17: {  	s4 =	simm.s32 $0x1BF5;
	[smem:$0x3FA1] =	sst s0  }
0x18: {  	s0 =	sld [smem:$0x3F84];
	_ =	swait.ge [sflag:s4], $0x0  }
0x19: {  	s7 =	sld [smem:$0x3F85]  }
0x1a: {  	s8 =	sadd.s32 $0xFFFFE003, lr  }
0x1b: {  	s9 =	sadd.s32 $0xFFFFFEF7, lr;
	s5 =	simm.s32 $0xFFFFFFFF;
	p2 =	slt.u32 s8, $0xFFFFF086  }
0x1c: {  	p1 =	slt.u32 s9, $0xF7A;
	s5 =	simm.s32 @!p2 $0x0  }
0x1d: {  	s5 =	simm.s32 @p1 $0x1;
	p0 =	seq.s32 s7, s2  }
0x1e: {  	s7 =	smul.u32 @!p0 $0xF7A, s2;
	p2 =	seq.s32 @!p0 s5, $0x0  }
0x1f: {  	s9 =	smul.u32 $0xF7A, s1;
	s8 =	simm.s32 @!p0 $0x1BF5;
	p2 =	por !p2, p0  }
0x20: {  	[sflag:s8] =	ssyncset.s32 @!p0 $0xFFFFF086;
	s6 =	sadd.s32 @!p0 s3, s7;
	s7 =	simm.s32 @!p0 $0x108  }
0x21: {  	s3 =	sadd.s32 s3, s9;
	s6 =	sadd.s32 @!p0 $0x88, s6;
	s7 =	simm.s32 @p2 $0x1082  }
0x22: {  	[simem:s7], [sflag:s8] =	dma.local @!p0 [hbm:s6], $0xF7A  }
0x23: {  	s9 =	sor.u32 $0xD0000000, s2;
	s6 =	simm.s32 $0x108;
	_ =	swait.ge @!p0 [sflag:s8], $0x0  }
0x24: {  	s3 =	sadd.s32 $0x88, s3;
	s6 =	simm.s32 @!p1 $0x1082;
	[sflag:s4] =	ssyncset.s32 $0xFFFFF086  }
0x25: {  	[simem:s6], [sflag:s4] =	dma.local [hbm:s3], $0xF7A  }
0x26: {  	[smem:$0x3F85] =	sst s1;
	(tag) =	ssettag s2;
	_ =	strace s9  }
0x27: {  	s1 =	sld [smem:$0x3F95]  }
0x28: {  	s2 =	sld [smem:$0x3F96]  }
0x29: {  	s4 =	sld [smem:$0x3F98]  }
0x2a: {  	p0 =	seq.s32 s5, $0x0;
	s5 =	sld [smem:$0x3F99]  }
0x2b: {  	s6 =	sld [smem:$0x3F9A]  }
0x2c: {  	s7 =	sld [smem:$0x3F9B]  }
0x2d: {  	s3 =	simm.s32 $0x108;
	s8 =	sld [smem:$0x3F9C]  }
0x2e: {  	s3 =	simm.s32 @!p0 $0x1082;
	s9 =	sld [smem:$0x3F9D]  }
0x2f: {  	lr =	sadd.s32 s0, s3;
	s0 =	sld [smem:$0x3F94]  }
0x30: {  	s3 =	sld [smem:$0x3F97]  }
0x31: {  	[smem:$0x3FA0] =	sst s10  }
0x32: {  	s10 =	sld [smem:$0x3F9E];
	_ =	sdelay $0x3  }
0x33: {  	p0 =	seq.s32 s10, $0x1;
	s10 =	sld [smem:$0x3FA0];
	_ =	sdelay $0x3  }
0x34: {  	[smem:$0x3FA0] =	sst s10  }
0x35: {  	s10 =	sld [smem:$0x3F9F];
	_ =	sdelay $0x3  }
0x36: {  	p1 =	seq.s32 s10, $0x1;
	s10 =	sld [smem:$0x3FA0];
	_ =	sdelay $0x3  }
0x37: {  	[smem:$0x3FA0] =	sst s10  }
0x38: {  	s10 =	sld [smem:$0x3FA1]  }
0x39: {  	_ = 	snop;
	(pc) =	sbr.ind lr, $3  }
0x3a: {  	_ = 	snop  }
0x3b: {  	_ = 	snop  }
0x3c: {  	p2 =	seq.s32 s10, $0x1;
	s10 =	sld [smem:$0x3FA0]  }
0x3d: {  	_ =	shalt  }
0x3e: {  	_ =	shalt  }
0x3f: {  	_ =	shalt  }
0x40: {  	_ =	shalt  }
0x41: {  	_ =	shalt  }
0x42: {  	_ =	shalt  }
0x43: {  	_ =	shalt  }
0x44: {  	_ =	shalt  }
0x45: {  	_ =	shalt  }
0x46: {  	_ =	shalt  }
0x47: {  	_ =	shalt  }
0x48: {  	_ =	shalt  }
0x49: {  	_ =	shalt  }
0x4a: {  	_ =	shalt  }
0x4b: {  	_ =	shalt  }
0x4c: {  	_ =	shalt  }
0x4d: {  	_ =	shalt  }
0x4e: {  	_ =	shalt  }
0x4f: {  	_ =	shalt  }
0x50: {  	_ =	shalt  }
0x51: {  	_ =	shalt  }
0x52: {  	_ =	shalt  }
0x53: {  	_ =	shalt  }
0x54: {  	_ =	shalt  }
0x55: {  	_ =	shalt  }
0x56: {  	_ =	shalt  }
0x57: {  	_ =	shalt  }
0x58: {  	_ =	shalt  }
0x59: {  	_ =	shalt  }
0x5a: {  	_ =	shalt  }
0x5b: {  	_ =	shalt  }
0x5c: {  	_ =	shalt  }
0x5d: {  	_ =	shalt  }
0x5e: {  	_ =	shalt  }
0x5f: {  	_ =	shalt  }
0x60: {  	_ =	shalt  }
0x61: {  	_ =	shalt  }
0x62: {  	_ =	shalt  }
0x63: {  	_ =	shalt  }
0x64: {  	_ =	shalt  }
0x65: {  	_ =	shalt  }
0x66: {  	_ =	shalt  }
0x67: {  	_ =	shalt  }
0x68: {  	_ =	shalt  }
0x69: {  	_ =	shalt  }
0x6a: {  	_ =	shalt  }
0x6b: {  	_ =	shalt  }
0x6c: {  	_ =	shalt  }
0x6d: {  	_ =	shalt  }
0x6e: {  	_ =	shalt  }
0x6f: {  	_ =	shalt  }
0x70: {  	_ =	shalt  }
0x71: {  	_ =	shalt  }
0x72: {  	_ =	shalt  }
0x73: {  	_ =	shalt  }
0x74: {  	_ =	shalt  }
0x75: {  	_ =	shalt  }
0x76: {  	_ =	shalt  }
0x77: {  	_ =	shalt  }
0x78: {  	_ =	shalt  }
0x79: {  	_ =	shalt  }
0x7a: {  	_ =	shalt  }
0x7b: {  	_ =	shalt  }
0x7c: {  	_ =	shalt  }
0x7d: {  	_ =	shalt  }
0x7e: {  	_ =	shalt  }
0x7f: {  	_ =	shalt  }
0x80: {  	_ =	shalt  }
0x81: {  	_ =	shalt  }
0x82: {  	_ =	shalt  }
0x83: {  	_ =	shalt  }
0x84: {  	_ =	shalt  }
0x85: {  	_ =	shalt  }
0x86: {  	_ =	shalt  }
0x87: {  	_ =	shalt  }
.Lfunc_end0:
.L_simem_size_0:
called_computation.4_lowered:
.L_overlay_start_0:
0x88: {  	s2 =	sld [smem:$0x3FD9]  }
0x89: {  	s3 =	sld [smem:$0x3FFE];
	_ =	sdelay $0x1  }
0x8a: {  	s1 =	srdreg.scid  }
0x8b: {  	s0 =	sand.u32 $0x1, s1  }
0x8c: {  	s16 =	sshll.u32 s0, $0xA;
	s2 =	sadd.s32 s3, s2  }
0x8d: {  	s2 =	sadd.s32 s2, s16  }
0x8e: {  	[smem:$0x3FAC] =	sst s2  }
0x8f: {  	_ = 	snop  }
0x90: {  	(tm) =	ssettm $0x1  }
0x91: {  	s17 =	sld [smem:$0x3FFB];
	_ =	sdelay $0x3  }
0x92: {  	_ =	strace s17  }
0x93: {  	s2 =	sld [smem:$0x3FFC];
	_ =	sdelay $0x3  }
0x94: {  	_ =	strace s2  }
0x95: {  	s2 =	sld [smem:$0x3FFD];
	_ =	sdelay $0x3  }
0x96: {  	_ =	strace s2  }
0x97: {  	_ =	strace $0x8FFFFFFF  }
0x98: {  	s18 =	sld [smem:$0x3FDB];
	_ =	sdelay $0x1  }
0x99: {  	s19 =	simm.s32 $_scs_section_size  }
0x9a: {  	s4 =	simm.s32 $_size__tile_overlayer_lowered;
	s5 =	simm.s32 $_tile_overlayer_lowered  }
0x9b: {  	s22 =	simm.s32 $0x1BFF;
	s21 =	sshll.u32 s5, $0x1;
	s2 =	sadd.s32 s19, s18  }
0x9c: {  	s6 =	simm.s32 $0x0;
	s20 =	sshll.u32 s4, $0x1;
	s4 =	sadd.s32 s21, s2  }
0x9d: {  	[timem:s6], [sflag:s22] =	dma.local [hbm:s4], s20  }
0x9e: {  	_ =	swait.ge [sflag:s22], s20  }
0x9f: {  	s3 =	ssub.s32 $0x0, s20;
	[sflag:s22] =	ssyncset.done $0x0  }
0xa0: {  	[sflag:s22] =	ssyncadd.s32 s3;
	_ =	sdelay $0x1  }
0xa1: {  	s23 =	simm.s32 $0x1B8B  }
0xa2: {  	_ =	swait.ge [sflag:s23], $0x1  }
0xa3: {  	[sflag:s23] =	ssyncset.done $0x0  }
0xa4: {  	s25 =	simm.s32 $0x1B8E;
	s24 =	sld [smem:$0x3FFE];
	[sflag:s23] =	ssyncadd.s32 $0xFFFFFFFF  }
0xa5: {  	s26 =	simm.s32 $execute0_lowered;
	[smem:$0x3FD2] =	sst s25  }
0xa6: {  	s4 =	sshll.u32 s26, $0x1;
	_ =	strace $0x80000052;
	[dreg:$0x1] =	wrdreg $0xFFFFFFFF  }
0xa7: {  	s28 =	simm.s32 $_size_execute0_lowered;
	s2 =	sadd.s32 s2, s4;
	[dreg:$0x0] =	wrdreg $0x0  }
0xa8: {  	s4 =	sshll.u32 s28, $0x1;
	[dreg:$0x2] =	wrdreg s2  }
0xa9: {  	[dreg:$0x3] =	wrdreg s4  }
0xaa: {  	[dreg:$0x4] =	wrdreg $0xC0  }
0xab: {  	_ =	task [dreg:s6], $0x5FFFF  }
0xac: {  	[dreg:$0x1] =	wrdreg $0xFFFFFFFF  }
0xad: {  	[dreg:$0x0] =	wrdreg $0x60  }
0xae: {  	[dreg:$0x2] =	wrdreg s24  }
0xaf: {  	[dreg:$0x3] =	wrdreg $0x9  }
0xb0: {  	_ =	task.clear_ibuf [dreg:s6], $0x4FFFF;
	_ =	strace $0x90000052  }
0xb1: {  	s29 =	simm.s32 $0x9;
	_ =	strace $0x80000054  }
0xb2: {  	_ =	swait.ge [sflag:s29], $0x1  }
0xb3: {  	[sflag:s29] =	ssyncadd.s32 $0xFFFFFFFF  }
0xb4: {  	_ =	strace $0x90000054  }
0xb5: {  	_ =	sfence  }
0xb6: {  	s30 =	sld [smem:$0x0];
	_ =	sdelay $0x2  }
0xb7: {  	s31 =	sshll.u32 s1, $0xD;
	s1 =	sshrl.u32 s1, $0x2  }
0xb8: {  	s3 =	sand.u32 $0x4000, s31;
	s1 =	sadd.s32 s1, s30  }
0xb9: {  	s0 =	sor.u32 s3, s0;
	s1 =	sshll.u32 s1, $0x11  }
0xba: {  	s0 =	sor.u32 s1, s0  }
0xbb: {  	s0 =	sadd.s32 $0x8F2B, s0  }
0xbc: {  	[sflag:s0] =	ssyncadd.remote.s32 $0x1  }
0xbd: {  	_ =	sfence.sel $0xFFFF  }
0xbe: {  	[dreg:$0x0] =	wrdreg $0xFFFFFFFF;
	(pc) =	sbr.abs _section_cstart, $3  }
0xbf: {  	[dreg:$0x1] =	wrdreg $0xFFFFFFFF  }
0xc0: {  	_ =	task.clear_ibuf [dreg:s6], $0x2FFFF;
	_ =	strace $0x9FFFFFFF  }
0xc1: {  	(tm) =	ssettm $0x7FFFFFFF  }
tec
execute0_lowered:
.L_overlay_start_1:
0x0: {  	(tag) =	ssettag $0x1  }
0x1: {  	s1 =	srdreg.scid;
	s0 =	stileid.u32  }
0x2: {  	s5 =	rddreg [dreg:$0x0];
	s2 =	simm.s32 $0x0;
	s8 =	simm.s32 $0x80  }
0x3: {  	s9 =	simm.s32 $0x1;
	s4 =	sand.u32 $0x1, s1;
	s30 =	sshll.u32 s0, $0x1  }
0x4: {  	s10 =	simm.s32 $0x1400;
	s1 =	rddreg [dreg:$0x1];
	s3 =	sor.u32 s4, s30  }
0x5: {  	s11 =	simm.s32 $0x0;
	[smem:$0x7FF] =	sst s2;
	s6 =	smul.u32 $0x280, s3  }
0x6: {  	_ =	strace $0x80000053;
	s4 =	ssub.s32 $0x2, s4;
	s7 =	smul.u32 $0x2800, s3  }
0x7: {  	s3 =	sadd.s32 $0xBC00, s5;
	s31 =	sshrl.u32 s4, $0x1;
	s6 =	sadd.s32 s6, s5  }
0x8: {  	s5 =	sadd.s32 s7, s5;
	s7 =	ssub.s32 s4, s31;
	s4 =	sadd.s32 $0x6C00, s6  }
0x9: {  	s5 =	sadd.s32 $0x10C00, s5;
	s6 =	smax.u32 s7, $0x1;
	s7 =	simm.s32 $0x2  }
.LBB2_1:
0xa: {  	[tilespmem:s2], [sflag:$0x2] =	stream.linear.gather [hbm4b:s4+s2], $0x1400, $0x38;
	[tilespmem:$0x15400] =	vst v63  }
0xb: {  	_ =	swait.ge [sflag:s7], $0x1400  }
0xc: {  	s12 =	simm.s32 $0x200;
	s15 =	simm.s32 $0x0;
	[sflag:s7] =	ssyncset.done $0x0  }
0xd: {  	s13 =	simm.s32 $0x1C00;
	s14 =	simm.s32 $0x1400;
	[sflag:s7] =	ssyncadd.s32 $0xFFFFEC00  }
.LBB2_2:
0xe: {  	[tilespmem:s14], [sflag:$0x1] =	stream.indirect.gather [hbm4b:s3+s8], $0x10, s15, s8, $0xb8;
	[tilespmem:$0x15400] =	vst v63  }
0xf: {  	s15 =	smov.u32 s12;
	s14 =	smov.u32 s13;
	p0 =	sne.s32 s12, $0x4E00  }
.Ltmp0:
0x10: {  	s12 =	sadd.s32 $0x200, s12;
	(pc) =	sbr.rel @p0 .LBB2_2-.Ltmp0, $2  }
0x11: {  	_ =	sdelay $0x2  }
0x12: {  	s13 =	sadd.s32 $0x800, s13;
	s15 =	sshra.s32 s15, $0x2  }
0x13: {  	[tilespmem:s14], [sflag:$0x1] =	stream.indirect.gather [hbm4b:s3+s8], $0x10, s15, s8, $0xb8;
	[tilespmem:$0x15400] =	vst v63  }
0x14: {  	s11 =	sadd.s32 $0x1, s11;
	_ =	swait.ge [sflag:s9], $0x14000  }
0x15: {  	p0 =	sne.s32 s11, s6;
	[sflag:s9] =	ssyncset.done $0x0  }
.Ltmp1:
0x16: {  	[sflag:s9] =	ssyncadd.s32 $0xFFFEC000;
	(pc) =	sbr.rel @p0 .LBB2_1-.Ltmp1, $4  }
0x17: {  	[hbm4b:s5+s2] =	stream.linear.scatter [tilespmem:s10], [sflag:$0x2], $0x14000, $0x38;
	[tilespmem:$0x15400] =	vst v63  }
0x18: {  	_ =	swait.ge [sflag:s7], $0x14000  }
0x19: {  	[sflag:s7] =	ssyncset.done $0x0  }
0x1a: {  	[sflag:s7] =	ssyncadd.s32 $0xFFFEC000  }
0x1b: {  	_ =	sfence.sel $0x180000  }
0x1c: {  	[bflag:$0x0] =	sbarrier.arrive $0xFFFF  }
0x1d: {  	p0 =	sne.s32 s0, $0x0;
	_ =	strace $0x90000053  }
0x1e: {  	s0 =	sadd.s32 @!p0 $0x100000, s1;
	[bflag:$0x2] =	sbarrier.arrive $0xFFFF  }
0x1f: {  	[sflag:s0] =	ssyncadd.tile.s32 @!p0 $0x1;
	_ =	shalt  }
.Lfunc_end2:
_tile_overlayer_lowered:
.L_overlay_start_2:
0x20: {  	(tag) =	ssettag $0x2  }
0x21: {  	s0 =	rddreg [dreg:$0x0];
	s2 =	stileid.u32  }
0x22: {  	s1 =	rddreg [dreg:$0x1];
	p0 =	sne.s32 s2, $0x0  }
0x23: {  	s3 =	rddreg [dreg:$0x2];
	[bflag:$0x3] =	sbarrier.arrive $0xFFFF;
	s2 =	simm.s32 @!p0 $0x1C02  }
0x24: {  	[timem:s3], [sflag:s2] =	dma.local @!p0 [hbm:s0], s1  }
0x25: {  	s0 =	simm.s32 @!p0 $0x2  }
0x26: {  	_ =	swait.ge @!p0 [sflag:s0], s1  }
0x27: {  	s1 =	ssub.s32 @!p0 $0x0, s1;
	[sflag:s0] =	ssyncset.done @!p0 $0x0  }
0x28: {  	[sflag:s0] =	ssyncadd.s32 @!p0 s1  }
0x29: {  	[bflag:$0x3] =	sbarrier.arrive $0xFFFF  }
0x2a: {  	_ =	shalt  }

// kernel: kernel.35.cloned.1.call-start
scs
__scs_entry_jumppad:
0x0: {  	(pc) =	sbr.rel $0x88, $3  }
0x1: {  	(tag) =	ssettag $0x0;
	lr =	simm.s32 $0x1  }
0x2: {  	[smem:$0x3F85] =	sst lr;
	_ =	strace $0xD0000000  }
0x3: {  	_ = 	snop  }
0x4: {  	_ = 	snop  }
0x5: {  	_ = 	snop  }
0x6: {  	_ = 	snop  }
0x7: {  	_ = 	snop  }
__scs_overlays_trampoline_lowered:
0x8: {  	[smem:$0x3F94] =	sst s0  }
0x9: {  	[smem:$0x3F95] =	sst s1  }
0xa: {  	[smem:$0x3F96] =	sst s2  }
0xb: {  	[smem:$0x3F97] =	sst s3  }
0xc: {  	[smem:$0x3F98] =	sst s4  }
0xd: {  	[smem:$0x3F99] =	sst s5  }
0xe: {  	[smem:$0x3F9A] =	sst s6  }
0xf: {  	[smem:$0x3F9B] =	sst s7  }
0x10: {  	[smem:$0x3F9C] =	sst s8  }
0x11: {  	[smem:$0x3F9D] =	sst s9;
	s0 =	simm.s32 @!p0 $0x0  }
0x12: {  	s1 =	sld [smem:$0x3F83];
	s0 =	simm.s32 @p0 $0x1  }
0x13: {  	[smem:$0x3F9E] =	sst s0;
	s0 =	simm.s32 @!p1 $0x0  }
0x14: {  	s2 =	sld [smem:$0x3F82];
	s0 =	simm.s32 @p1 $0x1  }
0x15: {  	[smem:$0x3F9F] =	sst s0;
	s0 =	simm.s32 @!p2 $0x0  }
0x16: {  	s3 =	sld [smem:$0x3FDB];
	s0 =	simm.s32 @p2 $0x1  }
0x17: {  	s4 =	simm.s32 $0x1BF5;
	[smem:$0x3FA1] =	sst s0  }
0x18: {  	s0 =	sld [smem:$0x3F84];
	_ =	swait.ge [sflag:s4], $0x0  }
0x19: {  	s7 =	sld [smem:$0x3F85]  }
0x1a: {  	s8 =	sadd.s32 $0xFFFFE003, lr  }
0x1b: {  	s9 =	sadd.s32 $0xFFFFFEF7, lr;
	s5 =	simm.s32 $0xFFFFFFFF;
	p2 =	slt.u32 s8, $0xFFFFF086  }
0x1c: {  	p1 =	slt.u32 s9, $0xF7A;
	s5 =	simm.s32 @!p2 $0x0  }
0x1d: {  	s5 =	simm.s32 @p1 $0x1;
	p0 =	seq.s32 s7, s2  }
0x1e: {  	s7 =	smul.u32 @!p0 $0xF7A, s2;
	p2 =	seq.s32 @!p0 s5, $0x0  }
0x1f: {  	s9 =	smul.u32 $0xF7A, s1;
	s8 =	simm.s32 @!p0 $0x1BF5;
	p2 =	por !p2, p0  }
0x20: {  	[sflag:s8] =	ssyncset.s32 @!p0 $0xFFFFF086;
	s6 =	sadd.s32 @!p0 s3, s7;
	s7 =	simm.s32 @!p0 $0x108  }
0x21: {  	s3 =	sadd.s32 s3, s9;
	s6 =	sadd.s32 @!p0 $0x88, s6;
	s7 =	simm.s32 @p2 $0x1082  }
0x22: {  	[simem:s7], [sflag:s8] =	dma.local @!p0 [hbm:s6], $0xF7A  }
0x23: {  	s9 =	sor.u32 $0xD0000000, s2;
	s6 =	simm.s32 $0x108;
	_ =	swait.ge @!p0 [sflag:s8], $0x0  }
0x24: {  	s3 =	sadd.s32 $0x88, s3;
	s6 =	simm.s32 @!p1 $0x1082;
	[sflag:s4] =	ssyncset.s32 $0xFFFFF086  }
0x25: {  	[simem:s6], [sflag:s4] =	dma.local [hbm:s3], $0xF7A  }
0x26: {  	[smem:$0x3F85] =	sst s1;
	(tag) =	ssettag s2;
	_ =	strace s9  }
0x27: {  	s1 =	sld [smem:$0x3F95]  }
0x28: {  	s2 =	sld [smem:$0x3F96]  }
0x29: {  	s4 =	sld [smem:$0x3F98]  }
0x2a: {  	p0 =	seq.s32 s5, $0x0;
	s5 =	sld [smem:$0x3F99]  }
0x2b: {  	s6 =	sld [smem:$0x3F9A]  }
0x2c: {  	s7 =	sld [smem:$0x3F9B]  }
0x2d: {  	s3 =	simm.s32 $0x108;
	s8 =	sld [smem:$0x3F9C]  }
0x2e: {  	s3 =	simm.s32 @!p0 $0x1082;
	s9 =	sld [smem:$0x3F9D]  }
0x2f: {  	lr =	sadd.s32 s0, s3;
	s0 =	sld [smem:$0x3F94]  }
0x30: {  	s3 =	sld [smem:$0x3F97]  }
0x31: {  	[smem:$0x3FA0] =	sst s10  }
0x32: {  	s10 =	sld [smem:$0x3F9E];
	_ =	sdelay $0x3  }
0x33: {  	p0 =	seq.s32 s10, $0x1;
	s10 =	sld [smem:$0x3FA0];
	_ =	sdelay $0x3  }
0x34: {  	[smem:$0x3FA0] =	sst s10  }
0x35: {  	s10 =	sld [smem:$0x3F9F];
	_ =	sdelay $0x3  }
0x36: {  	p1 =	seq.s32 s10, $0x1;
	s10 =	sld [smem:$0x3FA0];
	_ =	sdelay $0x3  }
0x37: {  	[smem:$0x3FA0] =	sst s10  }
0x38: {  	s10 =	sld [smem:$0x3FA1]  }
0x39: {  	_ = 	snop;
	(pc) =	sbr.ind lr, $3  }
0x3a: {  	_ = 	snop  }
0x3b: {  	_ = 	snop  }
0x3c: {  	p2 =	seq.s32 s10, $0x1;
	s10 =	sld [smem:$0x3FA0]  }
0x3d: {  	_ =	shalt  }
0x3e: {  	_ =	shalt  }
0x3f: {  	_ =	shalt  }
0x40: {  	_ =	shalt  }
0x41: {  	_ =	shalt  }
0x42: {  	_ =	shalt  }
0x43: {  	_ =	shalt  }
0x44: {  	_ =	shalt  }
0x45: {  	_ =	shalt  }
0x46: {  	_ =	shalt  }
0x47: {  	_ =	shalt  }
0x48: {  	_ =	shalt  }
0x49: {  	_ =	shalt  }
0x4a: {  	_ =	shalt  }
0x4b: {  	_ =	shalt  }
0x4c: {  	_ =	shalt  }
0x4d: {  	_ =	shalt  }
0x4e: {  	_ =	shalt  }
0x4f: {  	_ =	shalt  }
0x50: {  	_ =	shalt  }
0x51: {  	_ =	shalt  }
0x52: {  	_ =	shalt  }
0x53: {  	_ =	shalt  }
0x54: {  	_ =	shalt  }
0x55: {  	_ =	shalt  }
0x56: {  	_ =	shalt  }
0x57: {  	_ =	shalt  }
0x58: {  	_ =	shalt  }
0x59: {  	_ =	shalt  }
0x5a: {  	_ =	shalt  }
0x5b: {  	_ =	shalt  }
0x5c: {  	_ =	shalt  }
0x5d: {  	_ =	shalt  }
0x5e: {  	_ =	shalt  }
0x5f: {  	_ =	shalt  }
0x60: {  	_ =	shalt  }
0x61: {  	_ =	shalt  }
0x62: {  	_ =	shalt  }
0x63: {  	_ =	shalt  }
0x64: {  	_ =	shalt  }
0x65: {  	_ =	shalt  }
0x66: {  	_ =	shalt  }
0x67: {  	_ =	shalt  }
0x68: {  	_ =	shalt  }
0x69: {  	_ =	shalt  }
0x6a: {  	_ =	shalt  }
0x6b: {  	_ =	shalt  }
0x6c: {  	_ =	shalt  }
0x6d: {  	_ =	shalt  }
0x6e: {  	_ =	shalt  }
0x6f: {  	_ =	shalt  }
0x70: {  	_ =	shalt  }
0x71: {  	_ =	shalt  }
0x72: {  	_ =	shalt  }
0x73: {  	_ =	shalt  }
0x74: {  	_ =	shalt  }
0x75: {  	_ =	shalt  }
0x76: {  	_ =	shalt  }
0x77: {  	_ =	shalt  }
0x78: {  	_ =	shalt  }
0x79: {  	_ =	shalt  }
0x7a: {  	_ =	shalt  }
0x7b: {  	_ =	shalt  }
0x7c: {  	_ =	shalt  }
0x7d: {  	_ =	shalt  }
0x7e: {  	_ =	shalt  }
0x7f: {  	_ =	shalt  }
0x80: {  	_ =	shalt  }
0x81: {  	_ =	shalt  }
0x82: {  	_ =	shalt  }
0x83: {  	_ =	shalt  }
0x84: {  	_ =	shalt  }
0x85: {  	_ =	shalt  }
0x86: {  	_ =	shalt  }
0x87: {  	_ =	shalt  }
.Lfunc_end0:
.L_simem_size_0:
called_computation.5_lowered:
.L_overlay_start_0:
0x88: {  	s2 =	sld [smem:$0x3FD9]  }
0x89: {  	s3 =	sld [smem:$0x3FFE];
	_ =	sdelay $0x1  }
0x8a: {  	s1 =	srdreg.scid  }
0x8b: {  	s0 =	sand.u32 $0x1, s1  }
0x8c: {  	s16 =	sshll.u32 s0, $0xA;
	s2 =	sadd.s32 s3, s2  }
0x8d: {  	s2 =	sadd.s32 s2, s16  }
0x8e: {  	[smem:$0x3FAC] =	sst s2  }
0x8f: {  	_ = 	snop  }
0x90: {  	(tm) =	ssettm $0x1  }
0x91: {  	s17 =	sld [smem:$0x3FFB];
	_ =	sdelay $0x3  }
0x92: {  	_ =	strace s17  }
0x93: {  	s2 =	sld [smem:$0x3FFC];
	_ =	sdelay $0x3  }
0x94: {  	_ =	strace s2  }
0x95: {  	s2 =	sld [smem:$0x3FFD];
	_ =	sdelay $0x3  }
0x96: {  	_ =	strace s2  }
0x97: {  	_ =	strace $0x8FFFFFFF  }
0x98: {  	s18 =	sld [smem:$0x3FDB];
	_ =	sdelay $0x1  }
0x99: {  	s19 =	simm.s32 $_scs_section_size  }
0x9a: {  	s4 =	simm.s32 $_size__tile_overlayer_lowered;
	s5 =	simm.s32 $_tile_overlayer_lowered  }
0x9b: {  	s22 =	simm.s32 $0x1BFF;
	s21 =	sshll.u32 s5, $0x1;
	s2 =	sadd.s32 s19, s18  }
0x9c: {  	s6 =	simm.s32 $0x0;
	s20 =	sshll.u32 s4, $0x1;
	s4 =	sadd.s32 s21, s2  }
0x9d: {  	[timem:s6], [sflag:s22] =	dma.local [hbm:s4], s20  }
0x9e: {  	_ =	swait.ge [sflag:s22], s20  }
0x9f: {  	s3 =	ssub.s32 $0x0, s20;
	[sflag:s22] =	ssyncset.done $0x0  }
0xa0: {  	[sflag:s22] =	ssyncadd.s32 s3;
	_ =	sdelay $0x1  }
0xa1: {  	s23 =	simm.s32 $0x1B8B  }
0xa2: {  	_ =	swait.ge [sflag:s23], $0x1  }
0xa3: {  	[sflag:s23] =	ssyncset.done $0x0  }
0xa4: {  	s25 =	simm.s32 $0x1B8E;
	s24 =	sld [smem:$0x3FFE];
	[sflag:s23] =	ssyncadd.s32 $0xFFFFFFFF  }
0xa5: {  	s26 =	simm.s32 $execute0_lowered;
	[smem:$0x3FD2] =	sst s25  }
0xa6: {  	s4 =	sshll.u32 s26, $0x1;
	_ =	strace $0x80000055;
	[dreg:$0x1] =	wrdreg $0xFFFFFFFF  }
0xa7: {  	s28 =	simm.s32 $_size_execute0_lowered;
	s2 =	sadd.s32 s2, s4;
	[dreg:$0x0] =	wrdreg $0x0  }
0xa8: {  	s4 =	sshll.u32 s28, $0x1;
	[dreg:$0x2] =	wrdreg s2  }
0xa9: {  	[dreg:$0x3] =	wrdreg s4  }
0xaa: {  	[dreg:$0x4] =	wrdreg $0xC0  }
0xab: {  	_ =	task [dreg:s6], $0x5FFFF  }
0xac: {  	[dreg:$0x1] =	wrdreg $0xFFFFFFFF  }
0xad: {  	[dreg:$0x0] =	wrdreg $0x60  }
0xae: {  	[dreg:$0x2] =	wrdreg s24  }
0xaf: {  	[dreg:$0x3] =	wrdreg $0x154000  }
0xb0: {  	[dreg:$0x4] =	wrdreg $0x9  }
0xb1: {  	_ =	task.clear_ibuf [dreg:s6], $0x5FFFF;
	_ =	strace $0x90000055  }
0xb2: {  	s29 =	simm.s32 $0x9;
	_ =	strace $0x80000057  }
0xb3: {  	_ =	swait.ge [sflag:s29], $0x1  }
0xb4: {  	[sflag:s29] =	ssyncadd.s32 $0xFFFFFFFF  }
0xb5: {  	_ =	strace $0x90000057  }
0xb6: {  	_ =	sfence  }
0xb7: {  	s30 =	sld [smem:$0x0];
	_ =	sdelay $0x2  }
0xb8: {  	s31 =	sshll.u32 s1, $0xD;
	s1 =	sshrl.u32 s1, $0x2  }
0xb9: {  	s3 =	sand.u32 $0x4000, s31;
	s1 =	sadd.s32 s1, s30  }
0xba: {  	s0 =	sor.u32 s3, s0;
	s1 =	sshll.u32 s1, $0x11  }
0xbb: {  	s0 =	sor.u32 s1, s0  }
0xbc: {  	s0 =	sadd.s32 $0x8F2B, s0  }
0xbd: {  	[sflag:s0] =	ssyncadd.remote.s32 $0x1  }
0xbe: {  	_ =	sfence.sel $0xFFFF  }
0xbf: {  	[dreg:$0x0] =	wrdreg $0xFFFFFFFF;
	(pc) =	sbr.abs _section_cstart, $3  }
0xc0: {  	[dreg:$0x1] =	wrdreg $0xFFFFFFFF  }
0xc1: {  	_ =	task.clear_ibuf [dreg:s6], $0x2FFFF;
	_ =	strace $0x9FFFFFFF  }
0xc2: {  	(tm) =	ssettm $0x7FFFFFFF  }
0xc3: {  	_ =	shalt  }
tec
execute0_lowered:
.L_overlay_start_1:
0x0: {  	(tag) =	ssettag $0x1  }
0x1: {  	s1 =	srdreg.scid;
	s5 =	rddreg [dreg:$0x0]  }
0x2: {  	s0 =	stileid.u32;
	s2 =	rddreg [dreg:$0x1];
	s3 =	simm.s32 $0x0  }
0x3: {  	s4 =	sand.u32 $0x1, s1;
	s28 =	sshll.u32 s0, $0x1;
	s8 =	smul.u32 $0x2720, s0  }
0x4: {  	s13 =	simm.s32 $0x1;
	s1 =	sor.u32 s4, s28;
	s9 =	smul.u32 $0x27200, s4  }
0x5: {  	s14 =	simm.s32 $0x0;
	[smem:$0x7FF] =	sst s3;
	s6 =	smul.u32 $0x2800, s1  }
0x6: {  	s31 =	sshll.u32 s0, $0x6;
	s4 =	ssub.s32 $0x2, s4;
	s7 =	smul.u32 $0x280, s1  }
0x7: {  	s1 =	rddreg [dreg:$0x2];
	_ =	strace $0x80000056;
	s30 =	sshrl.u32 s8, $0x3  }
0x8: {  	s11 =	sshrl.u32 s4, $0x1;
	s12 =	sadd.s32 s8, s2;
	s9 =	sadd.s32 s8, s9  }
0x9: {  	s11 =	ssub.s32 s4, s11;
	s10 =	sadd.s32 s6, s5;
	s9 =	sshrl.u32 s9, $0x3  }
0xa: {  	s29 =	sadd.s32 s7, s5;
	s7 =	sadd.s32 s30, s5;
	s9 =	sadd.s32 s9, s5  }
0xb: {  	s4 =	sadd.s32 $0x65C00, s7;
	s5 =	sor.u32 $0x1C02, s31;
	s6 =	sadd.s32 $0x60C00, s29  }
0xc: {  	s7 =	sadd.s32 $0x10C00, s10;
	s10 =	sshrl.u32 s12, $0x3;
	s12 =	simm.s32 $0x80  }
0xd: {  	s8 =	sadd.s32 $0x6AC00, s9;
	s9 =	smax.u32 s11, $0x1;
	s11 =	simm.s32 $0x2  }
.LBB2_1:
0xe: {  	[spmem:s10], [sflag:s5] =	dma.local [hbm:s4], $0x4E4  }
0xf: {  	_ =	swait.ge [sflag:s11], $0x4E4  }
0x10: {  	[sflag:s11] =	ssyncset.done $0x0  }
0x11: {  	[sflag:s11] =	ssyncadd.s32 $0xFFFFFB1C  }
0x12: {  	[tilespmem:s3], [sflag:$0x2] =	stream.linear.gather [hbm4b:s6+s3], $0x1400, $0x38;
	[tilespmem:$0x17B20] =	vst v63  }
0x13: {  	_ =	swait.ge [sflag:s11], $0x1400  }
0x14: {  	[sflag:s11] =	ssyncset.done $0x0  }
0x15: {  	s15 =	simm.s32 $0x1400;
	[sflag:s11] =	ssyncadd.s32 $0xFFFFEC00  }
0x16: {  	[tilespmem:s15], [sflag:$0x2] =	stream.linear.gather [hbm4b:s7+s3], $0x14000, $0x38;
	[tilespmem:$0x17B20] =	vst v63  }
0x17: {  	_ =	swait.ge [sflag:s11], $0x14000  }
0x18: {  	[sflag:s11] =	ssyncset.done $0x0  }
0x19: {  	s16 =	simm.s32 $0x200;
	[sflag:s11] =	ssyncadd.s32 $0xFFFEC000  }
0x1a: {  	s18 =	simm.s32 $0x0;
	s17 =	simm.s32 $0x1C00;
	[bflag:$0x0] =	sbarrier.arrive $0xFFFF  }
.LBB2_2:
0x1b: {  	[spmem:s2] =	stream.indirect.scatter.add.f32 [tilespmem:s15], [sflag:$0x1], $0x10, s18, s12, $0xb8;
	[tilespmem:$0x17B20] =	vst v63  }
0x1c: {  	s18 =	smov.u32 s16;
	s15 =	smov.u32 s17;
	p0 =	sne.s32 s16, $0x4E00  }
.Ltmp0:
0x1d: {  	s16 =	sadd.s32 $0x200, s16;
	(pc) =	sbr.rel @p0 .LBB2_2-.Ltmp0, $2  }
0x1e: {  	_ =	sdelay $0x2  }
0x1f: {  	s17 =	sadd.s32 $0x800, s17;
	s18 =	sshra.s32 s18, $0x2  }
0x20: {  	[spmem:s2] =	stream.indirect.scatter.add.f32 [tilespmem:s15], [sflag:$0x1], $0x10, s18, s12, $0xb8;
	[tilespmem:$0x17B20] =	vst v63  }
0x21: {  	_ =	swait.ge [sflag:s13], $0x14000  }
0x22: {  	s14 =	sadd.s32 $0x1, s14;
	[sflag:s13] =	ssyncset.done $0x0  }
0x23: {  	p0 =	sne.s32 s14, s9;
	[sflag:s13] =	ssyncadd.s32 $0xFFFEC000  }
.Ltmp1:
0x24: {  	[bflag:$0x0] =	sbarrier.arrive $0xFFFF;
	(pc) =	sbr.rel @p0 .LBB2_1-.Ltmp1, $4  }
0x25: {  	[hbm:s8], [sflag:s5] =	dma.local [spmem:s10], $0x4E4  }
0x26: {  	_ =	swait.ge [sflag:s11], $0x4E4  }
0x27: {  	[sflag:s11] =	ssyncset.done $0x0  }
0x28: {  	[sflag:s11] =	ssyncadd.s32 $0xFFFFFB1C  }
0x29: {  	_ =	sfence.sel $0x180000  }
0x2a: {  	[bflag:$0x0] =	sbarrier.arrive $0xFFFF  }
0x2b: {  	p0 =	sne.s32 s0, $0x0;
	_ =	strace $0x90000056  }
0x2c: {  	s0 =	sadd.s32 @!p0 $0x100000, s1;
	[bflag:$0x2] =	sbarrier.arrive $0xFFFF  }
0x2d: {  	[sflag:s0] =	ssyncadd.tile.s32 @!p0 $0x1;
	_ =	shalt  }
.Lfunc_end2:
_tile_overlayer_lowered:
.L_overlay_start_2:
0x2e: {  	(tag) =	ssettag $0x2  }
0x2f: {  	s0 =	rddreg [dreg:$0x0];
	s2 =	stileid.u32  }
0x30: {  	s1 =	rddreg [dreg:$0x1];
	p0 =	sne.s32 s2, $0x0  }
0x31: {  	s3 =	rddreg [dreg:$0x2];
	[bflag:$0x3] =	sbarrier.arrive $0xFFFF;
	s2 =	simm.s32 @!p0 $0x1C02  }
0x32: {  	[timem:s3], [sflag:s2] =	dma.local @!p0 [hbm:s0], s1  }
0x33: {  	s0 =	simm.s32 @!p0 $0x2  }
0x34: {  	_ =	swait.ge @!p0 [sflag:s0], s1  }
0x35: {  	s1 =	ssub.s32 @!p0 $0x0, s1;
	[sflag:s0] =	ssyncset.done @!p0 $0x0  }
0x36: {  	[sflag:s0] =	ssyncadd.s32 @!p0 s1  }
0x37: {  	[bflag:$0x3] =	sbarrier.arrive $0xFFFF  }
0x38: {  	_ =	shalt  }

// kernel: kernel.38.cloned.1.call-start
scs
__scs_entry_jumppad:
0x0: {  	(pc) =	sbr.rel $0x88, $3  }
0x1: {  	(tag) =	ssettag $0x0;
	lr =	simm.s32 $0x1  }
0x2: {  	[smem:$0x3F85] =	sst lr;
	_ =	strace $0xD0000000  }
0x3: {  	_ = 	snop  }
0x4: {  	_ = 	snop  }
0x5: {  	_ = 	snop  }
0x6: {  	_ = 	snop  }
0x7: {  	_ = 	snop  }
__scs_overlays_trampoline_lowered:
0x8: {  	[smem:$0x3F94] =	sst s0  }
0x9: {  	[smem:$0x3F95] =	sst s1  }
0xa: {  	[smem:$0x3F96] =	sst s2  }
0xb: {  	[smem:$0x3F97] =	sst s3  }
0xc: {  	[smem:$0x3F98] =	sst s4  }
0xd: {  	[smem:$0x3F99] =	sst s5  }
0xe: {  	[smem:$0x3F9A] =	sst s6  }
0xf: {  	[smem:$0x3F9B] =	sst s7  }
0x10: {  	[smem:$0x3F9C] =	sst s8  }
0x11: {  	[smem:$0x3F9D] =	sst s9;
	s0 =	simm.s32 @!p0 $0x0  }
0x12: {  	s1 =	sld [smem:$0x3F83];
	s0 =	simm.s32 @p0 $0x1  }
0x13: {  	[smem:$0x3F9E] =	sst s0;
	s0 =	simm.s32 @!p1 $0x0  }
0x14: {  	s2 =	sld [smem:$0x3F82];
	s0 =	simm.s32 @p1 $0x1  }
0x15: {  	[smem:$0x3F9F] =	sst s0;
	s0 =	simm.s32 @!p2 $0x0  }
0x16: {  	s3 =	sld [smem:$0x3FDB];
	s0 =	simm.s32 @p2 $0x1  }
0x17: {  	s4 =	simm.s32 $0x1BF5;
	[smem:$0x3FA1] =	sst s0  }
0x18: {  	s0 =	sld [smem:$0x3F84];
	_ =	swait.ge [sflag:s4], $0x0  }
0x19: {  	s7 =	sld [smem:$0x3F85]  }
0x1a: {  	s8 =	sadd.s32 $0xFFFFE003, lr  }
0x1b: {  	s9 =	sadd.s32 $0xFFFFFEF7, lr;
	s5 =	simm.s32 $0xFFFFFFFF;
	p2 =	slt.u32 s8, $0xFFFFF086  }
0x1c: {  	p1 =	slt.u32 s9, $0xF7A;
	s5 =	simm.s32 @!p2 $0x0  }
0x1d: {  	s5 =	simm.s32 @p1 $0x1;
	p0 =	seq.s32 s7, s2  }
0x1e: {  	s7 =	smul.u32 @!p0 $0xF7A, s2;
	p2 =	seq.s32 @!p0 s5, $0x0  }
0x1f: {  	s9 =	smul.u32 $0xF7A, s1;
	s8 =	simm.s32 @!p0 $0x1BF5;
	p2 =	por !p2, p0  }
0x20: {  	[sflag:s8] =	ssyncset.s32 @!p0 $0xFFFFF086;
	s6 =	sadd.s32 @!p0 s3, s7;
	s7 =	simm.s32 @!p0 $0x108  }
0x21: {  	s3 =	sadd.s32 s3, s9;
	s6 =	sadd.s32 @!p0 $0x88, s6;
	s7 =	simm.s32 @p2 $0x1082  }
0x22: {  	[simem:s7], [sflag:s8] =	dma.local @!p0 [hbm:s6], $0xF7A  }
0x23: {  	s9 =	sor.u32 $0xD0000000, s2;
	s6 =	simm.s32 $0x108;
	_ =	swait.ge @!p0 [sflag:s8], $0x0  }
0x24: {  	s3 =	sadd.s32 $0x88, s3;
	s6 =	simm.s32 @!p1 $0x1082;
	[sflag:s4] =	ssyncset.s32 $0xFFFFF086  }
0x25: {  	[simem:s6], [sflag:s4] =	dma.local [hbm:s3], $0xF7A  }
0x26: {  	[smem:$0x3F85] =	sst s1;
	(tag) =	ssettag s2;
	_ =	strace s9  }
0x27: {  	s1 =	sld [smem:$0x3F95]  }
0x28: {  	s2 =	sld [smem:$0x3F96]  }
0x29: {  	s4 =	sld [smem:$0x3F98]  }
0x2a: {  	p0 =	seq.s32 s5, $0x0;
	s5 =	sld [smem:$0x3F99]  }
0x2b: {  	s6 =	sld [smem:$0x3F9A]  }
0x2c: {  	s7 =	sld [smem:$0x3F9B]  }
0x2d: {  	s3 =	simm.s32 $0x108;
	s8 =	sld [smem:$0x3F9C]  }
0x2e: {  	s3 =	simm.s32 @!p0 $0x1082;
	s9 =	sld [smem:$0x3F9D]  }
0x2f: {  	lr =	sadd.s32 s0, s3;
	s0 =	sld [smem:$0x3F94]  }
0x30: {  	s3 =	sld [smem:$0x3F97]  }
0x31: {  	[smem:$0x3FA0] =	sst s10  }
0x32: {  	s10 =	sld [smem:$0x3F9E];
	_ =	sdelay $0x3  }
0x33: {  	p0 =	seq.s32 s10, $0x1;
	s10 =	sld [smem:$0x3FA0];
	_ =	sdelay $0x3  }
0x34: {  	[smem:$0x3FA0] =	sst s10  }
0x35: {  	s10 =	sld [smem:$0x3F9F];
	_ =	sdelay $0x3  }
0x36: {  	p1 =	seq.s32 s10, $0x1;
	s10 =	sld [smem:$0x3FA0];
	_ =	sdelay $0x3  }
0x37: {  	[smem:$0x3FA0] =	sst s10  }
0x38: {  	s10 =	sld [smem:$0x3FA1]  }
0x39: {  	_ = 	snop;
	(pc) =	sbr.ind lr, $3  }
0x3a: {  	_ = 	snop  }
0x3b: {  	_ = 	snop  }
0x3c: {  	p2 =	seq.s32 s10, $0x1;
	s10 =	sld [smem:$0x3FA0]  }
0x3d: {  	_ =	shalt  }
0x3e: {  	_ =	shalt  }
0x3f: {  	_ =	shalt  }
0x40: {  	_ =	shalt  }
0x41: {  	_ =	shalt  }
0x42: {  	_ =	shalt  }
0x43: {  	_ =	shalt  }
0x44: {  	_ =	shalt  }
0x45: {  	_ =	shalt  }
0x46: {  	_ =	shalt  }
0x47: {  	_ =	shalt  }
0x48: {  	_ =	shalt  }
0x49: {  	_ =	shalt  }
0x4a: {  	_ =	shalt  }
0x4b: {  	_ =	shalt  }
0x4c: {  	_ =	shalt  }
0x4d: {  	_ =	shalt  }
0x4e: {  	_ =	shalt  }
0x4f: {  	_ =	shalt  }
0x50: {  	_ =	shalt  }
0x51: {  	_ =	shalt  }
0x52: {  	_ =	shalt  }
0x53: {  	_ =	shalt  }
0x54: {  	_ =	shalt  }
0x55: {  	_ =	shalt  }
0x56: {  	_ =	shalt  }
0x57: {  	_ =	shalt  }
0x58: {  	_ =	shalt  }
0x59: {  	_ =	shalt  }
0x5a: {  	_ =	shalt  }
0x5b: {  	_ =	shalt  }
0x5c: {  	_ =	shalt  }
0x5d: {  	_ =	shalt  }
0x5e: {  	_ =	shalt  }
0x5f: {  	_ =	shalt  }
0x60: {  	_ =	shalt  }
0x61: {  	_ =	shalt  }
0x62: {  	_ =	shalt  }
0x63: {  	_ =	shalt  }
0x64: {  	_ =	shalt  }
0x65: {  	_ =	shalt  }
0x66: {  	_ =	shalt  }
0x67: {  	_ =	shalt  }
0x68: {  	_ =	shalt  }
0x69: {  	_ =	shalt  }
0x6a: {  	_ =	shalt  }
0x6b: {  	_ =	shalt  }
0x6c: {  	_ =	shalt  }
0x6d: {  	_ =	shalt  }
0x6e: {  	_ =	shalt  }
0x6f: {  	_ =	shalt  }
0x70: {  	_ =	shalt  }
0x71: {  	_ =	shalt  }
0x72: {  	_ =	shalt  }
0x73: {  	_ =	shalt  }
0x74: {  	_ =	shalt  }
0x75: {  	_ =	shalt  }
0x76: {  	_ =	shalt  }
0x77: {  	_ =	shalt  }
0x78: {  	_ =	shalt  }
0x79: {  	_ =	shalt  }
0x7a: {  	_ =	shalt  }
0x7b: {  	_ =	shalt  }
0x7c: {  	_ =	shalt  }
0x7d: {  	_ =	shalt  }
0x7e: {  	_ =	shalt  }
0x7f: {  	_ =	shalt  }
0x80: {  	_ =	shalt  }
0x81: {  	_ =	shalt  }
0x82: {  	_ =	shalt  }
0x83: {  	_ =	shalt  }
0x84: {  	_ =	shalt  }
0x85: {  	_ =	shalt  }
0x86: {  	_ =	shalt  }
0x87: {  	_ =	shalt  }
.Lfunc_end0:
.L_simem_size_0:
called_computation.6_lowered:
.L_overlay_start_0:
0x88: {  	s2 =	sld [smem:$0x3FD9]  }
0x89: {  	s3 =	sld [smem:$0x3FFE];
	_ =	sdelay $0x1  }
0x8a: {  	s1 =	srdreg.scid  }
0x8b: {  	s0 =	sand.u32 $0x1, s1  }
0x8c: {  	s16 =	sshll.u32 s0, $0xA;
	s2 =	sadd.s32 s3, s2  }
0x8d: {  	s2 =	sadd.s32 s2, s16  }
0x8e: {  	[smem:$0x3FAC] =	sst s2  }
0x8f: {  	_ = 	snop  }
0x90: {  	(tm) =	ssettm $0x1  }
0x91: {  	s17 =	sld [smem:$0x3FFB];
	_ =	sdelay $0x3  }
0x92: {  	_ =	strace s17  }
0x93: {  	s2 =	sld [smem:$0x3FFC];
	_ =	sdelay $0x3  }
0x94: {  	_ =	strace s2  }
0x95: {  	s2 =	sld [smem:$0x3FFD];
	_ =	sdelay $0x3  }
0x96: {  	_ =	strace s2  }
0x97: {  	_ =	strace $0x8FFFFFFF  }
0x98: {  	s18 =	sld [smem:$0x3FDB];
	_ =	sdelay $0x1  }
0x99: {  	s19 =	simm.s32 $_scs_section_size  }
0x9a: {  	s4 =	simm.s32 $_size__tile_overlayer_lowered;
	s5 =	simm.s32 $_tile_overlayer_lowered  }
0x9b: {  	s22 =	simm.s32 $0x1BFF;
	s21 =	sshll.u32 s5, $0x1;
	s2 =	sadd.s32 s19, s18  }
0x9c: {  	s6 =	simm.s32 $0x0;
	s20 =	sshll.u32 s4, $0x1;
	s4 =	sadd.s32 s21, s2  }
0x9d: {  	[timem:s6], [sflag:s22] =	dma.local [hbm:s4], s20  }
0x9e: {  	_ =	swait.ge [sflag:s22], s20  }
0x9f: {  	s3 =	ssub.s32 $0x0, s20;
	[sflag:s22] =	ssyncset.done $0x0  }
0xa0: {  	[sflag:s22] =	ssyncadd.s32 s3;
	_ =	sdelay $0x1  }
0xa1: {  	s23 =	simm.s32 $0x1B8B  }
0xa2: {  	_ =	swait.ge [sflag:s23], $0x1  }
0xa3: {  	[sflag:s23] =	ssyncset.done $0x0  }
0xa4: {  	s25 =	simm.s32 $0x1B8E;
	s24 =	sld [smem:$0x3FFE];
	[sflag:s23] =	ssyncadd.s32 $0xFFFFFFFF  }
0xa5: {  	s26 =	simm.s32 $execute0_lowered;
	[smem:$0x3FD2] =	sst s25  }
0xa6: {  	s4 =	sshll.u32 s26, $0x1;
	_ =	strace $0x80000058;
	[dreg:$0x1] =	wrdreg $0xFFFFFFFF  }
0xa7: {  	s28 =	simm.s32 $_size_execute0_lowered;
	s2 =	sadd.s32 s2, s4;
	[dreg:$0x0] =	wrdreg $0x0  }
0xa8: {  	s4 =	sshll.u32 s28, $0x1;
	[dreg:$0x2] =	wrdreg s2  }
0xa9: {  	[dreg:$0x3] =	wrdreg s4  }
0xaa: {  	[dreg:$0x4] =	wrdreg $0xC0  }
0xab: {  	_ =	task [dreg:s6], $0x5FFFF  }
0xac: {  	[dreg:$0x1] =	wrdreg $0xFFFFFFFF  }
0xad: {  	[dreg:$0x0] =	wrdreg $0x60  }
0xae: {  	[dreg:$0x2] =	wrdreg s24  }
0xaf: {  	[dreg:$0x3] =	wrdreg $0x9  }
0xb0: {  	_ =	task.clear_ibuf [dreg:s6], $0x4FFFF;
	_ =	strace $0x90000058  }
0xb1: {  	s29 =	simm.s32 $0x9;
	_ =	strace $0x8000005A  }
0xb2: {  	_ =	swait.ge [sflag:s29], $0x1  }
0xb3: {  	[sflag:s29] =	ssyncadd.s32 $0xFFFFFFFF  }
0xb4: {  	_ =	strace $0x9000005A  }
0xb5: {  	_ =	sfence  }
0xb6: {  	s30 =	sld [smem:$0x0];
	_ =	sdelay $0x2  }
0xb7: {  	s31 =	sshll.u32 s1, $0xD;
	s1 =	sshrl.u32 s1, $0x2  }
0xb8: {  	s3 =	sand.u32 $0x4000, s31;
	s1 =	sadd.s32 s1, s30  }
0xb9: {  	s0 =	sor.u32 s3, s0;
	s1 =	sshll.u32 s1, $0x11  }
0xba: {  	s0 =	sor.u32 s1, s0  }
0xbb: {  	s0 =	sadd.s32 $0x8F2B, s0  }
0xbc: {  	[sflag:s0] =	ssyncadd.remote.s32 $0x1  }
0xbd: {  	_ =	sfence.sel $0xFFFF  }
0xbe: {  	[dreg:$0x0] =	wrdreg $0xFFFFFFFF;
	(pc) =	sbr.abs _section_cstart, $3  }
0xbf: {  	[dreg:$0x1] =	wrdreg $0xFFFFFFFF  }
0xc0: {  	_ =	task.clear_ibuf [dreg:s6], $0x2FFFF;
	_ =	strace $0x9FFFFFFF  }
0xc1: {  	(tm) =	ssettm $0x7FFFFFFF  }
tec
execute0_lowered:
.L_overlay_start_1:
0x0: {  	(tag) =	ssettag $0x1  }
0x1: {  	s1 =	srdreg.scid;
	s0 =	stileid.u32  }
0x2: {  	s5 =	rddreg [dreg:$0x0];
	s2 =	simm.s32 $0x0;
	s8 =	simm.s32 $0x80  }
0x3: {  	s9 =	simm.s32 $0x1;
	s4 =	sand.u32 $0x1, s1;
	s30 =	sshll.u32 s0, $0x1  }
0x4: {  	s10 =	simm.s32 $0x1400;
	s1 =	rddreg [dreg:$0x1];
	s3 =	sor.u32 s4, s30  }
0x5: {  	s11 =	simm.s32 $0x0;
	[smem:$0x7FF] =	sst s2;
	s6 =	smul.u32 $0x280, s3  }
0x6: {  	_ =	strace $0x80000059;
	s4 =	ssub.s32 $0x2, s4;
	s7 =	smul.u32 $0x2800, s3  }
0x7: {  	s3 =	sadd.s32 $0xBC00, s5;
	s31 =	sshrl.u32 s4, $0x1;
	s6 =	sadd.s32 s6, s5  }
0x8: {  	s5 =	sadd.s32 s7, s5;
	s7 =	ssub.s32 s4, s31;
	s4 =	sadd.s32 $0x6C00, s6  }
0x9: {  	s5 =	sadd.s32 $0x10C00, s5;
	s6 =	smax.u32 s7, $0x1;
	s7 =	simm.s32 $0x2  }
.LBB2_1:
0xa: {  	[tilespmem:s2], [sflag:$0x2] =	stream.linear.gather [hbm4b:s4+s2], $0x1400, $0x38;
	[tilespmem:$0x15400] =	vst v63  }
0xb: {  	_ =	swait.ge [sflag:s7], $0x1400  }
0xc: {  	s12 =	simm.s32 $0x200;
	s15 =	simm.s32 $0x0;
	[sflag:s7] =	ssyncset.done $0x0  }
0xd: {  	s13 =	simm.s32 $0x1C00;
	s14 =	simm.s32 $0x1400;
	[sflag:s7] =	ssyncadd.s32 $0xFFFFEC00  }
.LBB2_2:
0xe: {  	[tilespmem:s14], [sflag:$0x1] =	stream.indirect.gather [hbm4b:s3+s8], $0x10, s15, s8, $0xb8;
	[tilespmem:$0x15400] =	vst v63  }
0xf: {  	s15 =	smov.u32 s12;
	s14 =	smov.u32 s13;
	p0 =	sne.s32 s12, $0x4E00  }
.Ltmp0:
0x10: {  	s12 =	sadd.s32 $0x200, s12;
	(pc) =	sbr.rel @p0 .LBB2_2-.Ltmp0, $2  }
0x11: {  	_ =	sdelay $0x2  }
0x12: {  	s13 =	sadd.s32 $0x800, s13;
	s15 =	sshra.s32 s15, $0x2  }
0x13: {  	[tilespmem:s14], [sflag:$0x1] =	stream.indirect.gather [hbm4b:s3+s8], $0x10, s15, s8, $0xb8;
	[tilespmem:$0x15400] =	vst v63  }
0x14: {  	s11 =	sadd.s32 $0x1, s11;
	_ =	swait.ge [sflag:s9], $0x14000  }
0x15: {  	p0 =	sne.s32 s11, s6;
	[sflag:s9] =	ssyncset.done $0x0  }
.Ltmp1:
0x16: {  	[sflag:s9] =	ssyncadd.s32 $0xFFFEC000;
	(pc) =	sbr.rel @p0 .LBB2_1-.Ltmp1, $4  }
0x17: {  	[hbm4b:s5+s2] =	stream.linear.scatter [tilespmem:s10], [sflag:$0x2], $0x14000, $0x38;
	[tilespmem:$0x15400] =	vst v63  }
0x18: {  	_ =	swait.ge [sflag:s7], $0x14000  }
0x19: {  	[sflag:s7] =	ssyncset.done $0x0  }
0x1a: {  	[sflag:s7] =	ssyncadd.s32 $0xFFFEC000  }
0x1b: {  	_ =	sfence.sel $0x180000  }
0x1c: {  	[bflag:$0x0] =	sbarrier.arrive $0xFFFF  }
0x1d: {  	p0 =	sne.s32 s0, $0x0;
	_ =	strace $0x90000059  }
0x1e: {  	s0 =	sadd.s32 @!p0 $0x100000, s1;
	[bflag:$0x2] =	sbarrier.arrive $0xFFFF  }
0x1f: {  	[sflag:s0] =	ssyncadd.tile.s32 @!p0 $0x1;
	_ =	shalt  }
.Lfunc_end2:
_tile_overlayer_lowered:
.L_overlay_start_2:
0x20: {  	(tag) =	ssettag $0x2  }
0x21: {  	s0 =	rddreg [dreg:$0x0];
	s2 =	stileid.u32  }
0x22: {  	s1 =	rddreg [dreg:$0x1];
	p0 =	sne.s32 s2, $0x0  }
0x23: {  	s3 =	rddreg [dreg:$0x2];
	[bflag:$0x3] =	sbarrier.arrive $0xFFFF;
	s2 =	simm.s32 @!p0 $0x1C02  }
0x24: {  	[timem:s3], [sflag:s2] =	dma.local @!p0 [hbm:s0], s1  }
0x25: {  	s0 =	simm.s32 @!p0 $0x2  }
0x26: {  	_ =	swait.ge @!p0 [sflag:s0], s1  }
0x27: {  	s1 =	ssub.s32 @!p0 $0x0, s1;
	[sflag:s0] =	ssyncset.done @!p0 $0x0  }
0x28: {  	[sflag:s0] =	ssyncadd.s32 @!p0 s1  }
0x29: {  	[bflag:$0x3] =	sbarrier.arrive $0xFFFF  }
0x2a: {  	_ =	shalt  }

// kernel: kernel.41.cloned.1.call-start
scs
__scs_entry_jumppad:
0x0: {  	(pc) =	sbr.rel $0x88, $3  }
0x1: {  	(tag) =	ssettag $0x0;
	lr =	simm.s32 $0x1  }
0x2: {  	[smem:$0x3F85] =	sst lr;
	_ =	strace $0xD0000000  }
0x3: {  	_ = 	snop  }
0x4: {  	_ = 	snop  }
0x5: {  	_ = 	snop  }
0x6: {  	_ = 	snop  }
0x7: {  	_ = 	snop  }
__scs_overlays_trampoline_lowered:
0x8: {  	[smem:$0x3F94] =	sst s0  }
0x9: {  	[smem:$0x3F95] =	sst s1  }
0xa: {  	[smem:$0x3F96] =	sst s2  }
0xb: {  	[smem:$0x3F97] =	sst s3  }
0xc: {  	[smem:$0x3F98] =	sst s4  }
0xd: {  	[smem:$0x3F99] =	sst s5  }
0xe: {  	[smem:$0x3F9A] =	sst s6  }
0xf: {  	[smem:$0x3F9B] =	sst s7  }
0x10: {  	[smem:$0x3F9C] =	sst s8  }
0x11: {  	[smem:$0x3F9D] =	sst s9;
	s0 =	simm.s32 @!p0 $0x0  }
0x12: {  	s1 =	sld [smem:$0x3F83];
	s0 =	simm.s32 @p0 $0x1  }
0x13: {  	[smem:$0x3F9E] =	sst s0;
	s0 =	simm.s32 @!p1 $0x0  }
0x14: {  	s2 =	sld [smem:$0x3F82];
	s0 =	simm.s32 @p1 $0x1  }
0x15: {  	[smem:$0x3F9F] =	sst s0;
	s0 =	simm.s32 @!p2 $0x0  }
0x16: {  	s3 =	sld [smem:$0x3FDB];
	s0 =	simm.s32 @p2 $0x1  }
0x17: {  	s4 =	simm.s32 $0x1BF5;
	[smem:$0x3FA1] =	sst s0  }
0x18: {  	s0 =	sld [smem:$0x3F84];
	_ =	swait.ge [sflag:s4], $0x0  }
0x19: {  	s7 =	sld [smem:$0x3F85]  }
0x1a: {  	s8 =	sadd.s32 $0xFFFFE003, lr  }
0x1b: {  	s9 =	sadd.s32 $0xFFFFFEF7, lr;
	s5 =	simm.s32 $0xFFFFFFFF;
	p2 =	slt.u32 s8, $0xFFFFF086  }
0x1c: {  	p1 =	slt.u32 s9, $0xF7A;
	s5 =	simm.s32 @!p2 $0x0  }
0x1d: {  	s5 =	simm.s32 @p1 $0x1;
	p0 =	seq.s32 s7, s2  }
0x1e: {  	s7 =	smul.u32 @!p0 $0xF7A, s2;
	p2 =	seq.s32 @!p0 s5, $0x0  }
0x1f: {  	s9 =	smul.u32 $0xF7A, s1;
	s8 =	simm.s32 @!p0 $0x1BF5;
	p2 =	por !p2, p0  }
0x20: {  	[sflag:s8] =	ssyncset.s32 @!p0 $0xFFFFF086;
	s6 =	sadd.s32 @!p0 s3, s7;
	s7 =	simm.s32 @!p0 $0x108  }
0x21: {  	s3 =	sadd.s32 s3, s9;
	s6 =	sadd.s32 @!p0 $0x88, s6;
	s7 =	simm.s32 @p2 $0x1082  }
0x22: {  	[simem:s7], [sflag:s8] =	dma.local @!p0 [hbm:s6], $0xF7A  }
0x23: {  	s9 =	sor.u32 $0xD0000000, s2;
	s6 =	simm.s32 $0x108;
	_ =	swait.ge @!p0 [sflag:s8], $0x0  }
0x24: {  	s3 =	sadd.s32 $0x88, s3;
	s6 =	simm.s32 @!p1 $0x1082;
	[sflag:s4] =	ssyncset.s32 $0xFFFFF086  }
0x25: {  	[simem:s6], [sflag:s4] =	dma.local [hbm:s3], $0xF7A  }
0x26: {  	[smem:$0x3F85] =	sst s1;
	(tag) =	ssettag s2;
	_ =	strace s9  }
0x27: {  	s1 =	sld [smem:$0x3F95]  }
0x28: {  	s2 =	sld [smem:$0x3F96]  }
0x29: {  	s4 =	sld [smem:$0x3F98]  }
0x2a: {  	p0 =	seq.s32 s5, $0x0;
	s5 =	sld [smem:$0x3F99]  }
0x2b: {  	s6 =	sld [smem:$0x3F9A]  }
0x2c: {  	s7 =	sld [smem:$0x3F9B]  }
0x2d: {  	s3 =	simm.s32 $0x108;
	s8 =	sld [smem:$0x3F9C]  }
0x2e: {  	s3 =	simm.s32 @!p0 $0x1082;
	s9 =	sld [smem:$0x3F9D]  }
0x2f: {  	lr =	sadd.s32 s0, s3;
	s0 =	sld [smem:$0x3F94]  }
0x30: {  	s3 =	sld [smem:$0x3F97]  }
0x31: {  	[smem:$0x3FA0] =	sst s10  }
0x32: {  	s10 =	sld [smem:$0x3F9E];
	_ =	sdelay $0x3  }
0x33: {  	p0 =	seq.s32 s10, $0x1;
	s10 =	sld [smem:$0x3FA0];
	_ =	sdelay $0x3  }
0x34: {  	[smem:$0x3FA0] =	sst s10  }
0x35: {  	s10 =	sld [smem:$0x3F9F];
	_ =	sdelay $0x3  }
0x36: {  	p1 =	seq.s32 s10, $0x1;
	s10 =	sld [smem:$0x3FA0];
	_ =	sdelay $0x3  }
0x37: {  	[smem:$0x3FA0] =	sst s10  }
0x38: {  	s10 =	sld [smem:$0x3FA1]  }
0x39: {  	_ = 	snop;
	(pc) =	sbr.ind lr, $3  }
0x3a: {  	_ = 	snop  }
0x3b: {  	_ = 	snop  }
0x3c: {  	p2 =	seq.s32 s10, $0x1;
	s10 =	sld [smem:$0x3FA0]  }
0x3d: {  	_ =	shalt  }
0x3e: {  	_ =	shalt  }
0x3f: {  	_ =	shalt  }
0x40: {  	_ =	shalt  }
0x41: {  	_ =	shalt  }
0x42: {  	_ =	shalt  }
0x43: {  	_ =	shalt  }
0x44: {  	_ =	shalt  }
0x45: {  	_ =	shalt  }
0x46: {  	_ =	shalt  }
0x47: {  	_ =	shalt  }
0x48: {  	_ =	shalt  }
0x49: {  	_ =	shalt  }
0x4a: {  	_ =	shalt  }
0x4b: {  	_ =	shalt  }
0x4c: {  	_ =	shalt  }
0x4d: {  	_ =	shalt  }
0x4e: {  	_ =	shalt  }
0x4f: {  	_ =	shalt  }
0x50: {  	_ =	shalt  }
0x51: {  	_ =	shalt  }
0x52: {  	_ =	shalt  }
0x53: {  	_ =	shalt  }
0x54: {  	_ =	shalt  }
0x55: {  	_ =	shalt  }
0x56: {  	_ =	shalt  }
0x57: {  	_ =	shalt  }
0x58: {  	_ =	shalt  }
0x59: {  	_ =	shalt  }
0x5a: {  	_ =	shalt  }
0x5b: {  	_ =	shalt  }
0x5c: {  	_ =	shalt  }
0x5d: {  	_ =	shalt  }
0x5e: {  	_ =	shalt  }
0x5f: {  	_ =	shalt  }
0x60: {  	_ =	shalt  }
0x61: {  	_ =	shalt  }
0x62: {  	_ =	shalt  }
0x63: {  	_ =	shalt  }
0x64: {  	_ =	shalt  }
0x65: {  	_ =	shalt  }
0x66: {  	_ =	shalt  }
0x67: {  	_ =	shalt  }
0x68: {  	_ =	shalt  }
0x69: {  	_ =	shalt  }
0x6a: {  	_ =	shalt  }
0x6b: {  	_ =	shalt  }
0x6c: {  	_ =	shalt  }
0x6d: {  	_ =	shalt  }
0x6e: {  	_ =	shalt  }
0x6f: {  	_ =	shalt  }
0x70: {  	_ =	shalt  }
0x71: {  	_ =	shalt  }
0x72: {  	_ =	shalt  }
0x73: {  	_ =	shalt  }
0x74: {  	_ =	shalt  }
0x75: {  	_ =	shalt  }
0x76: {  	_ =	shalt  }
0x77: {  	_ =	shalt  }
0x78: {  	_ =	shalt  }
0x79: {  	_ =	shalt  }
0x7a: {  	_ =	shalt  }
0x7b: {  	_ =	shalt  }
0x7c: {  	_ =	shalt  }
0x7d: {  	_ =	shalt  }
0x7e: {  	_ =	shalt  }
0x7f: {  	_ =	shalt  }
0x80: {  	_ =	shalt  }
0x81: {  	_ =	shalt  }
0x82: {  	_ =	shalt  }
0x83: {  	_ =	shalt  }
0x84: {  	_ =	shalt  }
0x85: {  	_ =	shalt  }
0x86: {  	_ =	shalt  }
0x87: {  	_ =	shalt  }
.Lfunc_end0:
.L_simem_size_0:
called_computation.7_lowered:
.L_overlay_start_0:
0x88: {  	s2 =	sld [smem:$0x3FD9]  }
0x89: {  	s3 =	sld [smem:$0x3FFE];
	_ =	sdelay $0x1  }
0x8a: {  	s1 =	srdreg.scid  }
0x8b: {  	s0 =	sand.u32 $0x1, s1  }
0x8c: {  	s16 =	sshll.u32 s0, $0xA;
	s2 =	sadd.s32 s3, s2  }
0x8d: {  	s2 =	sadd.s32 s2, s16  }
0x8e: {  	[smem:$0x3FAC] =	sst s2  }
0x8f: {  	_ = 	snop  }
0x90: {  	(tm) =	ssettm $0x1  }
0x91: {  	s17 =	sld [smem:$0x3FFB];
	_ =	sdelay $0x3  }
0x92: {  	_ =	strace s17  }
0x93: {  	s2 =	sld [smem:$0x3FFC];
	_ =	sdelay $0x3  }
0x94: {  	_ =	strace s2  }
0x95: {  	s2 =	sld [smem:$0x3FFD];
	_ =	sdelay $0x3  }
0x96: {  	_ =	strace s2  }
0x97: {  	_ =	strace $0x8FFFFFFF  }
0x98: {  	s18 =	sld [smem:$0x3FDB];
	_ =	sdelay $0x1  }
0x99: {  	s19 =	simm.s32 $_scs_section_size  }
0x9a: {  	s4 =	simm.s32 $_size__tile_overlayer_lowered;
	s5 =	simm.s32 $_tile_overlayer_lowered  }
0x9b: {  	s22 =	simm.s32 $0x1BFF;
	s21 =	sshll.u32 s5, $0x1;
	s2 =	sadd.s32 s19, s18  }
0x9c: {  	s6 =	simm.s32 $0x0;
	s20 =	sshll.u32 s4, $0x1;
	s4 =	sadd.s32 s21, s2  }
0x9d: {  	[timem:s6], [sflag:s22] =	dma.local [hbm:s4], s20  }
0x9e: {  	_ =	swait.ge [sflag:s22], s20  }
0x9f: {  	s3 =	ssub.s32 $0x0, s20;
	[sflag:s22] =	ssyncset.done $0x0  }
0xa0: {  	[sflag:s22] =	ssyncadd.s32 s3;
	_ =	sdelay $0x1  }
0xa1: {  	s23 =	simm.s32 $0x1B8B  }
0xa2: {  	_ =	swait.ge [sflag:s23], $0x1  }
0xa3: {  	[sflag:s23] =	ssyncset.done $0x0  }
0xa4: {  	s25 =	simm.s32 $0x1B8E;
	s24 =	sld [smem:$0x3FFE];
	[sflag:s23] =	ssyncadd.s32 $0xFFFFFFFF  }
0xa5: {  	s26 =	simm.s32 $execute0_lowered;
	[smem:$0x3FD2] =	sst s25  }
0xa6: {  	s4 =	sshll.u32 s26, $0x1;
	_ =	strace $0x8000005B;
	[dreg:$0x1] =	wrdreg $0xFFFFFFFF  }
0xa7: {  	s28 =	simm.s32 $_size_execute0_lowered;
	s2 =	sadd.s32 s2, s4;
	[dreg:$0x0] =	wrdreg $0x0  }
0xa8: {  	s4 =	sshll.u32 s28, $0x1;
	[dreg:$0x2] =	wrdreg s2  }
0xa9: {  	[dreg:$0x3] =	wrdreg s4  }
0xaa: {  	[dreg:$0x4] =	wrdreg $0xC0  }
0xab: {  	_ =	task [dreg:s6], $0x5FFFF  }
0xac: {  	[dreg:$0x1] =	wrdreg $0xFFFFFFFF  }
0xad: {  	[dreg:$0x0] =	wrdreg $0x60  }
0xae: {  	[dreg:$0x2] =	wrdreg s24  }
0xaf: {  	[dreg:$0x3] =	wrdreg $0x154000  }
0xb0: {  	[dreg:$0x4] =	wrdreg $0x9  }
0xb1: {  	_ =	task.clear_ibuf [dreg:s6], $0x5FFFF;
	_ =	strace $0x9000005B  }
0xb2: {  	s29 =	simm.s32 $0x9;
	_ =	strace $0x8000005D  }
0xb3: {  	_ =	swait.ge [sflag:s29], $0x1  }
0xb4: {  	[sflag:s29] =	ssyncadd.s32 $0xFFFFFFFF  }
0xb5: {  	_ =	strace $0x9000005D  }
0xb6: {  	_ =	sfence  }
0xb7: {  	s30 =	sld [smem:$0x0];
	_ =	sdelay $0x2  }
0xb8: {  	s31 =	sshll.u32 s1, $0xD;
	s1 =	sshrl.u32 s1, $0x2  }
0xb9: {  	s3 =	sand.u32 $0x4000, s31;
	s1 =	sadd.s32 s1, s30  }
0xba: {  	s0 =	sor.u32 s3, s0;
	s1 =	sshll.u32 s1, $0x11  }
0xbb: {  	s0 =	sor.u32 s1, s0  }
0xbc: {  	s0 =	sadd.s32 $0x8F2B, s0  }
0xbd: {  	[sflag:s0] =	ssyncadd.remote.s32 $0x1  }
0xbe: {  	_ =	sfence.sel $0xFFFF  }
0xbf: {  	[dreg:$0x0] =	wrdreg $0xFFFFFFFF;
	(pc) =	sbr.abs _section_cstart, $3  }
0xc0: {  	[dreg:$0x1] =	wrdreg $0xFFFFFFFF  }
0xc1: {  	_ =	task.clear_ibuf [dreg:s6], $0x2FFFF;
	_ =	strace $0x9FFFFFFF  }
0xc2: {  	(tm) =	ssettm $0x7FFFFFFF  }
0xc3: {  	_ =	shalt  }
tec
execute0_lowered:
.L_overlay_start_1:
0x0: {  	(tag) =	ssettag $0x1  }
0x1: {  	s1 =	srdreg.scid;
	s5 =	rddreg [dreg:$0x0]  }
0x2: {  	s0 =	stileid.u32;
	s2 =	rddreg [dreg:$0x1];
	s3 =	simm.s32 $0x0  }
0x3: {  	s4 =	sand.u32 $0x1, s1;
	s28 =	sshll.u32 s0, $0x1;
	s8 =	smul.u32 $0x2720, s0  }
0x4: {  	s13 =	simm.s32 $0x1;
	s1 =	sor.u32 s4, s28;
	s9 =	smul.u32 $0x27200, s4  }
0x5: {  	s14 =	simm.s32 $0x0;
	[smem:$0x7FF] =	sst s3;
	s6 =	smul.u32 $0x2800, s1  }
0x6: {  	s31 =	sshll.u32 s0, $0x6;
	s4 =	ssub.s32 $0x2, s4;
	s7 =	smul.u32 $0x280, s1  }
0x7: {  	s1 =	rddreg [dreg:$0x2];
	_ =	strace $0x8000005C;
	s30 =	sshrl.u32 s8, $0x3  }
0x8: {  	s11 =	sshrl.u32 s4, $0x1;
	s12 =	sadd.s32 s8, s2;
	s9 =	sadd.s32 s8, s9  }
0x9: {  	s11 =	ssub.s32 s4, s11;
	s10 =	sadd.s32 s6, s5;
	s9 =	sshrl.u32 s9, $0x3  }
0xa: {  	s29 =	sadd.s32 s7, s5;
	s7 =	sadd.s32 s30, s5;
	s9 =	sadd.s32 s9, s5  }
0xb: {  	s4 =	sadd.s32 $0x65C00, s7;
	s5 =	sor.u32 $0x1C02, s31;
	s6 =	sadd.s32 $0x60C00, s29  }
0xc: {  	s7 =	sadd.s32 $0x10C00, s10;
	s10 =	sshrl.u32 s12, $0x3;
	s12 =	simm.s32 $0x80  }
0xd: {  	s8 =	sadd.s32 $0x6AC00, s9;
	s9 =	smax.u32 s11, $0x1;
	s11 =	simm.s32 $0x2  }
.LBB2_1:
0xe: {  	[spmem:s10], [sflag:s5] =	dma.local [hbm:s4], $0x4E4  }
0xf: {  	_ =	swait.ge [sflag:s11], $0x4E4  }
0x10: {  	[sflag:s11] =	ssyncset.done $0x0  }
0x11: {  	[sflag:s11] =	ssyncadd.s32 $0xFFFFFB1C  }
0x12: {  	[tilespmem:s3], [sflag:$0x2] =	stream.linear.gather [hbm4b:s6+s3], $0x1400, $0x38;
	[tilespmem:$0x17B20] =	vst v63  }
0x13: {  	_ =	swait.ge [sflag:s11], $0x1400  }
0x14: {  	[sflag:s11] =	ssyncset.done $0x0  }
0x15: {  	s15 =	simm.s32 $0x1400;
	[sflag:s11] =	ssyncadd.s32 $0xFFFFEC00  }
0x16: {  	[tilespmem:s15], [sflag:$0x2] =	stream.linear.gather [hbm4b:s7+s3], $0x14000, $0x38;
	[tilespmem:$0x17B20] =	vst v63  }
0x17: {  	_ =	swait.ge [sflag:s11], $0x14000  }
0x18: {  	[sflag:s11] =	ssyncset.done $0x0  }
0x19: {  	s16 =	simm.s32 $0x200;
	[sflag:s11] =	ssyncadd.s32 $0xFFFEC000  }
0x1a: {  	s18 =	simm.s32 $0x0;
	s17 =	simm.s32 $0x1C00;
	[bflag:$0x0] =	sbarrier.arrive $0xFFFF  }
.LBB2_2:
0x1b: {  	[spmem:s2] =	stream.indirect.scatter.add.f32 [tilespmem:s15], [sflag:$0x1], $0x10, s18, s12, $0xb8;
	[tilespmem:$0x17B20] =	vst v63  }
0x1c: {  	s18 =	smov.u32 s16;
	s15 =	smov.u32 s17;
	p0 =	sne.s32 s16, $0x4E00  }
.Ltmp0:
0x1d: {  	s16 =	sadd.s32 $0x200, s16;
	(pc) =	sbr.rel @p0 .LBB2_2-.Ltmp0, $2  }
0x1e: {  	_ =	sdelay $0x2  }
0x1f: {  	s17 =	sadd.s32 $0x800, s17;
	s18 =	sshra.s32 s18, $0x2  }
0x20: {  	[spmem:s2] =	stream.indirect.scatter.add.f32 [tilespmem:s15], [sflag:$0x1], $0x10, s18, s12, $0xb8;
	[tilespmem:$0x17B20] =	vst v63  }
0x21: {  	_ =	swait.ge [sflag:s13], $0x14000  }
0x22: {  	s14 =	sadd.s32 $0x1, s14;
	[sflag:s13] =	ssyncset.done $0x0  }
0x23: {  	p0 =	sne.s32 s14, s9;
	[sflag:s13] =	ssyncadd.s32 $0xFFFEC000  }
.Ltmp1:
0x24: {  	[bflag:$0x0] =	sbarrier.arrive $0xFFFF;
	(pc) =	sbr.rel @p0 .LBB2_1-.Ltmp1, $4  }
0x25: {  	[hbm:s8], [sflag:s5] =	dma.local [spmem:s10], $0x4E4  }
0x26: {  	_ =	swait.ge [sflag:s11], $0x4E4  }
0x27: {  	[sflag:s11] =	ssyncset.done $0x0  }
0x28: {  	[sflag:s11] =	ssyncadd.s32 $0xFFFFFB1C  }
0x29: {  	_ =	sfence.sel $0x180000  }
0x2a: {  	[bflag:$0x0] =	sbarrier.arrive $0xFFFF  }
0x2b: {  	p0 =	sne.s32 s0, $0x0;
	_ =	strace $0x9000005C  }
0x2c: {  	s0 =	sadd.s32 @!p0 $0x100000, s1;
	[bflag:$0x2] =	sbarrier.arrive $0xFFFF  }
0x2d: {  	[sflag:s0] =	ssyncadd.tile.s32 @!p0 $0x1;
	_ =	shalt  }
.Lfunc_end2:
_tile_overlayer_lowered:
.L_overlay_start_2:
0x2e: {  	(tag) =	ssettag $0x2  }
0x2f: {  	s0 =	rddreg [dreg:$0x0];
	s2 =	stileid.u32  }
0x30: {  	s1 =	rddreg [dreg:$0x1];
	p0 =	sne.s32 s2, $0x0  }
0x31: {  	s3 =	rddreg [dreg:$0x2];
	[bflag:$0x3] =	sbarrier.arrive $0xFFFF;
	s2 =	simm.s32 @!p0 $0x1C02  }
0x32: {  	[timem:s3], [sflag:s2] =	dma.local @!p0 [hbm:s0], s1  }
0x33: {  	s0 =	simm.s32 @!p0 $0x2  }
0x34: {  	_ =	swait.ge @!p0 [sflag:s0], s1  }
0x35: {  	s1 =	ssub.s32 @!p0 $0x0, s1;
	[sflag:s0] =	ssyncset.done @!p0 $0x0  }
0x36: {  	[sflag:s0] =	ssyncadd.s32 @!p0 s1  }
0x37: {  	[bflag:$0x3] =	sbarrier.arrive $0xFFFF  }
0x38: {  	_ =	shalt  }

</sc_bundles>
